<compile_context>
chip_gen: v7x
topology: tpu7x:2x2x1
jax: 0.10.2.dev20260603
libtpu: 0.0.44.dev20260713+nightly
codegen_flags: <defaults>
</compile_context>

<pallas_src>
import functools

import jax
import jax.numpy as jnp
from jax import lax
from jax.experimental import pallas as pl
from jax.experimental.pallas import tpu as pltpu
from jax.experimental.pallas import tpu_sc as plsc

P_REAL = 16800
P = 16896
HP = P // 2
G = 32
B = 16
CH = 1408
NCHUNK = HP // CH
NV = CH // 16
NVH = HP // 16
OVERLAP_T = 0.35
NEGPOS = 7
LN2 = 0.6931471805599453


def _logf(x):
    xb = plsc.bitcast(x, jnp.int32)
    e = ((xb >> 23) & 0xFF) - 127
    m = plsc.bitcast((xb & 0x007FFFFF) | (127 << 23), jnp.float32)
    big = m > jnp.float32(1.4142135)
    m = jnp.where(big, m * jnp.float32(0.5), m)
    e = jnp.where(big, e + 1, e)
    z = (m - jnp.float32(1.0)) / (m + jnp.float32(1.0))
    z2 = z * z
    p = jnp.float32(2.0 / 9.0)
    p = p * z2 + jnp.float32(2.0 / 7.0)
    p = p * z2 + jnp.float32(2.0 / 5.0)
    p = p * z2 + jnp.float32(2.0 / 3.0)
    p = p * z2 + jnp.float32(2.0)
    return e.astype(jnp.float32) * jnp.float32(LN2) + z * p


def _lane_rotate(x, s):
    idx = (lax.iota(jnp.int32, 16) + s) & 15
    return jnp.take(x, idx)


def _red16(x, op):
    for s in (1, 2, 4, 8):
        x = op(x, _lane_rotate(x, s))
    return x


def _smooth_l1(pred, tgt):
    d = jnp.abs(pred - tgt)
    return jnp.where(d < jnp.float32(1.0),
                     jnp.float32(0.5) * d * d,
                     d - jnp.float32(0.5))


_mesh = plsc.VectorSubcoreMesh(core_axis_name="c", subcore_axis_name="s")


@functools.partial(
    pl.kernel,
    out_type=jax.ShapeDtypeStruct((32, 128), jnp.float32),
    mesh=_mesh,
    compiler_params=pltpu.CompilerParams(needs_layout_passes=False),
    scratch_types=[
        pltpu.VMEM((4, CH), jnp.float32),
        pltpu.VMEM((2, CH), jnp.float32),
        pltpu.VMEM((4, CH), jnp.float32),
        pltpu.VMEM((10, CH), jnp.float32),
        pltpu.VMEM((15, 128), jnp.float32),
        pltpu.VMEM((HP,), jnp.float32),
        pltpu.VMEM((HP,), jnp.int32),
        pltpu.VMEM((HP,), jnp.float32),
        pltpu.VMEM((G, 16), jnp.float32),
        pltpu.VMEM((G, 16), jnp.int32),
        pltpu.VMEM((48,), jnp.float32),
        pltpu.VMEM((128,), jnp.float32),
        pltpu.VMEM((64,), jnp.float32),
        pltpu.VMEM((64,), jnp.float32),
        pltpu.VMEM((16,), jnp.float32),
        pltpu.VMEM((16,), jnp.float32),
        pltpu.VMEM_SHARED((16, 64), jnp.float32),
        pltpu.VMEM_SHARED((16, 16), jnp.float32),
    ],
)
def _sc_forward(conf_h, loc_h, lm_h, pri_h, tgt_h, out_h,
                pri_b, conf_b, loc_b, lm_b, tgt_b,
                bov, bidx, ce, gmax, gidx, tarea, outv,
                stga, prta, stgb, prtb,
                sha, shb):
    cid = lax.axis_index("c")
    sid = lax.axis_index("s")
    b = cid * 8 + (sid & 7)
    half = sid >> 3
    lo = half * HP

    pltpu.sync_copy(tgt_h.at[b], tgt_b)

    for h in range(2):
        sl = pl.ds(h * 16, 16)
        t0 = tgt_b[0, sl]
        t1 = tgt_b[1, sl]
        t2 = tgt_b[2, sl]
        t3 = tgt_b[3, sl]
        tarea[sl] = (t2 - t0) * (t3 - t1)

    def init_g(g, _):
        gmax[g, :] = jnp.full((16,), -1.0, jnp.float32)
        gidx[g, :] = jnp.zeros((16,), jnp.int32)
        return 0
    lax.fori_loop(0, G, init_g, 0)

    def pass_a(ci, _):
        p0 = ci * CH
        pltpu.sync_copy(pri_h.at[:, pl.ds(lo + p0, CH)], pri_b)

        def vloop(v, _):
            base = v * 16
            pcx = pri_b[0, pl.ds(base, 16)]
            pcy = pri_b[1, pl.ds(base, 16)]
            pw = pri_b[2, pl.ds(base, 16)]
            ph = pri_b[3, pl.ds(base, 16)]
            px0 = pcx - pw * jnp.float32(0.5)
            py0 = pcy - ph * jnp.float32(0.5)
            px1 = pcx + pw * jnp.float32(0.5)
            py1 = pcy + ph * jnp.float32(0.5)
            parea = (px1 - px0) * (py1 - py0)
            pidx = (lo + p0 + base) + lax.iota(jnp.int32, 16)

            def gloop(g, carry):
                bestv, bestg = carry
                gw16 = pl.ds(g, 16)
                tx0 = tgt_b[0, gw16][0]
                ty0 = tgt_b[1, gw16][0]
                tx1 = tgt_b[2, gw16][0]
                ty1 = tgt_b[3, gw16][0]
                ta = tarea[gw16][0]
                iw = jnp.maximum(
                    jnp.minimum(px1, tx1) - jnp.maximum(px0, tx0),
                    jnp.float32(0.0))
                ih = jnp.maximum(
                    jnp.minimum(py1, ty1) - jnp.maximum(py0, ty0),
                    jnp.float32(0.0))
                inter = iw * ih
                ov = inter / (ta + parea - inter)
                up = ov > bestv
                bestv = jnp.where(up, ov, bestv)
                bestg = jnp.where(up, g, bestg)
                gm = gmax[g, :]
                u2 = ov > gm
                gmax[g, :] = jnp.where(u2, ov, gm)
                gidx[g, :] = jnp.where(u2, pidx, gidx[g, :])
                return bestv, bestg

            bestv, bestg = lax.fori_loop(
                0, G, gloop,
                (jnp.full((16,), -1.0, jnp.float32),
                 jnp.zeros((16,), jnp.int32)))
            bov[pl.ds(p0 + base, 16)] = bestv
            bidx[pl.ds(p0 + base, 16)] = bestg
            return 0

        lax.fori_loop(0, NV, vloop, 0)
        return 0

    lax.fori_loop(0, NCHUNK, pass_a, 0)

    def bp_red(g, carry):
        mlo, mhi, ilo, ihi = carry
        gm = gmax[g, :]
        m = _red16(gm, jnp.maximum)
        cand = jnp.where(gm == m, gidx[g, :], jnp.int32(0x7FFFFFFF))
        bpg = _red16(cand, jnp.minimum)[0]
        l16 = lax.iota(jnp.int32, 16)
        mlo = jnp.where(l16 == g, m[0], mlo)
        mhi = jnp.where(l16 == (g - 16), m[0], mhi)
        ilo = jnp.where(l16 == g, bpg, ilo)
        ihi = jnp.where(l16 == (g - 16), bpg, ihi)
        return mlo, mhi, ilo, ihi

    mx_lo, mx_hi, bp_lo, bp_hi = lax.fori_loop(
        0, G, bp_red,
        (jnp.zeros((16,), jnp.float32), jnp.zeros((16,), jnp.float32),
         jnp.zeros((16,), jnp.int32), jnp.zeros((16,), jnp.int32)))

    stga[pl.ds(0, 16)] = mx_lo
    stga[pl.ds(16, 16)] = mx_hi
    stga[pl.ds(32, 16)] = bp_lo.astype(jnp.float32)
    stga[pl.ds(48, 16)] = bp_hi.astype(jnp.float32)
    plsc.subcore_barrier()
    pltpu.sync_copy(stga, sha.at[sid])
    plsc.subcore_barrier()
    plsc.subcore_barrier()
    pltpu.sync_copy(sha.at[sid ^ 8], prta)
    plsc.subcore_barrier()
    p_mx_lo = prta[pl.ds(0, 16)]
    p_mx_hi = prta[pl.ds(16, 16)]
    p_bp_lo = prta[pl.ds(32, 16)].astype(jnp.int32)
    p_bp_hi = prta[pl.ds(48, 16)].astype(jnp.int32)

    is_low = half == 0
    lmx_lo = jnp.where(is_low, mx_lo, p_mx_lo)
    hmx_lo = jnp.where(is_low, p_mx_lo, mx_lo)
    lbp_lo = jnp.where(is_low, bp_lo, p_bp_lo)
    hbp_lo = jnp.where(is_low, p_bp_lo, bp_lo)
    bp_lo = jnp.where(lmx_lo >= hmx_lo, lbp_lo, hbp_lo)
    lmx_hi = jnp.where(is_low, mx_hi, p_mx_hi)
    hmx_hi = jnp.where(is_low, p_mx_hi, mx_hi)
    lbp_hi = jnp.where(is_low, bp_hi, p_bp_hi)
    hbp_hi = jnp.where(is_low, p_bp_hi, bp_hi)
    bp_hi = jnp.where(lmx_hi >= hmx_hi, lbp_hi, hbp_hi)

    l16 = lax.iota(jnp.int32, 16)
    in_lo = (bp_lo >= lo) & (bp_lo < lo + HP)
    in_hi = (bp_hi >= lo) & (bp_hi < lo + HP)
    loc_lo = jnp.clip(bp_lo - lo, 0, HP - 1)
    loc_hi = jnp.clip(bp_hi - lo, 0, HP - 1)
    two = jnp.full((16,), 2.0, jnp.float32)
    plsc.store_scatter(bov, [loc_lo], two, mask=in_lo)
    plsc.store_scatter(bov, [loc_hi], two, mask=in_hi)
    for j in range(16):
        plsc.store_scatter(bidx, [loc_lo], l16, mask=in_lo & (l16 == j))
    for j in range(16):
        plsc.store_scatter(bidx, [loc_hi], l16 + 16, mask=in_hi & (l16 == j))

    def pass_b(ci, carry):
        acc_box, acc_lm, acc_ce, acc_np = carry
        p0 = ci * CH
        pltpu.sync_copy(pri_h.at[:, pl.ds(lo + p0, CH)], pri_b)
        pltpu.sync_copy(conf_h.at[b, :, pl.ds(lo + p0, CH)], conf_b)
        pltpu.sync_copy(loc_h.at[b, :, pl.ds(lo + p0, CH)], loc_b)
        pltpu.sync_copy(lm_h.at[b, :, pl.ds(lo + p0, CH)], lm_b)

        def vloop(v, carry2):
            ab, al, ac, an = carry2
            base = v * 16
            sl = pl.ds(base, 16)
            gsl = pl.ds(p0 + base, 16)
            pcx = pri_b[0, sl]
            pcy = pri_b[1, sl]
            pw = pri_b[2, sl]
            ph = pri_b[3, sl]
            rw = jnp.float32(1.0) / pw
            rh = jnp.float32(1.0) / ph
            bid = bidx[gsl]
            pos = bov[gsl] >= jnp.float32(OVERLAP_T)
            posf = jnp.where(pos, jnp.float32(1.0), jnp.float32(0.0))

            def col(c):
                return plsc.load_gather(
                    tgt_b, [jnp.full((16,), c, jnp.int32), bid])

            m0 = col(0)
            m1 = col(1)
            m2 = col(2)
            m3 = col(3)
            gx = ((m0 + m2) * jnp.float32(0.5) - pcx) * rw * jnp.float32(10.0)
            gy = ((m1 + m3) * jnp.float32(0.5) - pcy) * rh * jnp.float32(10.0)
            gw = _logf((m2 - m0) * rw) * jnp.float32(5.0)
            gh = _logf((m3 - m1) * rh) * jnp.float32(5.0)
            lbox = (_smooth_l1(loc_b[0, sl], gx) +
                    _smooth_l1(loc_b[1, sl], gy) +
                    _smooth_l1(loc_b[2, sl], gw) +
                    _smooth_l1(loc_b[3, sl], gh))
            ab = ab + posf * lbox

            llm = jnp.zeros((16,), jnp.float32)
            for i in range(5):
                lx = col(4 + 2 * i)
                ly = col(5 + 2 * i)
                ex = (lx - pcx) * rw * jnp.float32(10.0)
                ey = (ly - pcy) * rh * jnp.float32(10.0)
                llm = (llm + _smooth_l1(lm_b[2 * i, sl], ex) +
                       _smooth_l1(lm_b[2 * i + 1, sl], ey))
            al = al + posf * llm

            x0 = conf_b[0, sl]
            x1 = conf_b[1, sl]
            z = jnp.where(pos, x0 - x1, x1 - x0)
            cev = (jnp.maximum(z, jnp.float32(0.0)) +
                   _logf(jnp.float32(1.0) + jnp.exp(-jnp.abs(z))))
            ac = ac + posf * cev
            an = an + posf
            valid = ((lo + p0 + base) + lax.iota(jnp.int32, 16)) < P_REAL
            ce[gsl] = jnp.where(pos | jnp.logical_not(valid),
                                jnp.float32(0.0), cev)
            return ab, al, ac, an

        return lax.fori_loop(0, NV, vloop, carry)

    zero = jnp.zeros((16,), jnp.float32)
    acc_box, acc_lm, acc_ce, acc_np = lax.fori_loop(
        0, NCHUNK, pass_b, (zero, zero, zero, zero))

    npos_f = _red16(acc_np, jnp.add)[0]
    loss_box = _red16(acc_box, jnp.add)[0]
    loss_lm = _red16(acc_lm, jnp.add)[0]
    ce_pos = _red16(acc_ce, jnp.add)[0]

    stgb[...] = jnp.full((16,), 1.0, jnp.float32) * npos_f
    plsc.subcore_barrier()
    pltpu.sync_copy(stgb, shb.at[sid])
    plsc.subcore_barrier()
    plsc.subcore_barrier()
    pltpu.sync_copy(shb.at[sid ^ 8], prtb)
    plsc.subcore_barrier()
    npos_tot = npos_f + prtb[pl.ds(0, 16)][0]

    k = jnp.minimum(npos_tot.astype(jnp.int32) * NEGPOS, P_REAL - 1)

    def bis(i, carry):
        lo_b, hi_b = carry
        mid = lo_b + ((hi_b - lo_b + 1) >> 1)
        midv = jnp.full((16,), 1, jnp.int32) * mid

        def cnt_loop(v, a):
            bits = plsc.bitcast(ce[pl.ds(v * 16, 16)], jnp.int32)
            return a + plsc.all_reduce_population_count(bits >= midv)

        cnt = lax.fori_loop(0, NVH, cnt_loop,
                            jnp.zeros((16,), jnp.int32))
        stgb[...] = jnp.full((16,), 1.0, jnp.float32) * cnt[0].astype(jnp.float32)
        plsc.subcore_barrier()
        pltpu.sync_copy(stgb, shb.at[sid])
        plsc.subcore_barrier()
        plsc.subcore_barrier()
        pltpu.sync_copy(shb.at[sid ^ 8], prtb)
        plsc.subcore_barrier()
        cnt_tot = cnt[0] + prtb[pl.ds(0, 16)][0].astype(jnp.int32)
        ge = cnt_tot >= k
        lo_b = jnp.where(ge, mid, lo_b)
        hi_b = jnp.where(ge, hi_b, mid - 1)
        return lo_b, hi_b

    lo_b, _ = lax.fori_loop(0, 31, bis,
                            (jnp.int32(0), jnp.int32(0x7F800000)))
    vkv = plsc.bitcast(jnp.full((16,), 1, jnp.int32) * lo_b, jnp.float32)

    def fin_loop(v, carry):
        sgt, cgt = carry
        x = ce[pl.ds(v * 16, 16)]
        gt = x > vkv
        sgt = sgt + jnp.where(gt, x, jnp.float32(0.0))
        cgt = cgt + plsc.all_reduce_population_count(gt)
        return sgt, cgt

    sgt, cgt = lax.fori_loop(
        0, NVH, fin_loop,
        (jnp.zeros((16,), jnp.float32), jnp.zeros((16,), jnp.int32)))
    sgt_sum = _red16(sgt, jnp.add)[0]

    li = lax.iota(jnp.int32, 16)
    fz = jnp.float32(0.0)
    o = (jnp.where(li == 0, npos_f, fz) +
         jnp.where(li == 1, loss_box, fz) +
         jnp.where(li == 2, ce_pos, fz) +
         jnp.where(li == 3, loss_lm, fz) +
         jnp.where(li == 4, sgt_sum, fz) +
         jnp.where(li == 5, cgt[0].astype(jnp.float32), fz) +
         jnp.where(li == 6, vkv, fz) +
         jnp.where(li == 7, k.astype(jnp.float32), fz))
    outv[pl.ds(0, 16)] = o
    pltpu.sync_copy(outv, out_h.at[cid * 16 + sid])


def kernel(conf_data, loc_data, landm_data, priors, targets):
    pad = P - P_REAL
    conf_t = jnp.pad(jnp.transpose(conf_data, (0, 2, 1)),
                     ((0, 0), (0, 0), (0, pad)))
    loc_t = jnp.pad(jnp.transpose(loc_data, (0, 2, 1)),
                    ((0, 0), (0, 0), (0, pad)))
    lm_t = jnp.pad(jnp.transpose(landm_data, (0, 2, 1)),
                   ((0, 0), (0, 0), (0, pad)))
    pri_pad = jnp.broadcast_to(
        jnp.array([[100.0], [100.0], [1.0], [1.0]], jnp.float32), (4, pad))
    pri_t = jnp.concatenate([jnp.transpose(priors, (1, 0)), pri_pad], axis=1)
    tgt_t = jnp.pad(jnp.transpose(targets, (0, 2, 1)),
                    ((0, 0), (0, 0), (0, 128 - G)))
    part = _sc_forward(conf_t, loc_t, lm_t, pri_t, tgt_t)
    v = part.reshape(2, 2, 8, 128)
    h0 = v[:, 0]
    h1 = v[:, 1]
    npos = jnp.maximum(jnp.sum(h0[..., 0] + h1[..., 0]), 1.0)
    loss_box = jnp.sum(h0[..., 1] + h1[..., 1])
    ce_pos = jnp.sum(h0[..., 2] + h1[..., 2])
    loss_lm = jnp.sum(h0[..., 3] + h1[..., 3])
    topk = jnp.sum(h0[..., 4] + h1[..., 4] +
                   (h0[..., 7] - h0[..., 5] - h1[..., 5]) * h0[..., 6])
    return (loss_box / npos, (ce_pos + topk) / npos, loss_lm / npos)

# --- scband reference (transcript-rebuilt; emitter-appended) ---
"""Pipeline reference for scband-multi-box-loss-12300786336362 (READ-ONLY COPY).

The authoritative reference and input builder live on the scoring server;
editing this copy changes nothing except your own understanding.
"""

import jax, jax.numpy as jnp
import numpy as np

NUM_CLASSES = 2
OVERLAP_THRESHOLD = 0.35
NEG_POS_RATIO = 7
VARIANCES = (0.1, 0.2)


def point_form(priors):
    return jnp.concatenate([priors[:, :2] - priors[:, 2:] / 2.0,
                            priors[:, :2] + priors[:, 2:] / 2.0], axis=1)


def jaccard(box_a, box_b):
    max_xy = jnp.minimum(box_a[:, None, 2:], box_b[None, :, 2:])
    min_xy = jnp.maximum(box_a[:, None, :2], box_b[None, :, :2])
    inter = jnp.prod(jnp.maximum(max_xy - min_xy, 0.0), axis=2)
    area_a = ((box_a[:, 2] - box_a[:, 0]) * (box_a[:, 3] - box_a[:, 1]))[:, None]
    area_b = ((box_b[:, 2] - box_b[:, 0]) * (box_b[:, 3] - box_b[:, 1]))[None, :]
    return inter / (area_a + area_b - inter)


def encode(matched, priors, variances):
    g_cxcy = (matched[:, :2] + matched[:, 2:]) / 2.0 - priors[:, :2]
    g_cxcy = g_cxcy / (variances[0] * priors[:, 2:])
    g_wh = (matched[:, 2:] - matched[:, :2]) / priors[:, 2:]
    g_wh = jnp.log(g_wh) / variances[1]
    return jnp.concatenate([g_cxcy, g_wh], axis=1)


def encode_landm(matched, priors, variances):
    m = matched.reshape(matched.shape[0], 5, 2)
    g = (m - priors[:, None, :2]) / (variances[0] * priors[:, None, 2:])
    return g.reshape(matched.shape[0], 10)


def match_one(target, priors):
    truths = target[:, :4]
    landms = target[:, 4:14]
    labels = target[:, 14].astype(jnp.int32)
    overlaps = jaccard(truths, point_form(priors))  # [G, P]
    best_prior_idx = jnp.argmax(overlaps, axis=1)   # [G]
    best_truth_overlap = jnp.max(overlaps, axis=0)  # [P]
    best_truth_idx = jnp.argmax(overlaps, axis=0)   # [P]
    best_truth_overlap = best_truth_overlap.at[best_prior_idx].set(2.0)
    best_truth_idx = best_truth_idx.at[best_prior_idx].set(jnp.arange(truths.shape[0]))
    matches = truths[best_truth_idx]
    conf = labels[best_truth_idx]
    conf = jnp.where(best_truth_overlap < OVERLAP_THRESHOLD, 0, conf)
    loc = encode(matches, priors, VARIANCES)
    landm = encode_landm(landms[best_truth_idx], priors, VARIANCES)
    return loc, conf, landm


def multibox_forward(conf_data, loc_data, landm_data, priors, targets):
    B, P, C = conf_data.shape
    loc_t, conf_t, landm_t = jax.vmap(match_one, in_axes=(0, None))(targets, priors)
    pos = conf_t > 0
    nums_pos_total = jnp.maximum(jnp.sum(pos).astype(jnp.float32), 1.0)
    nums_pos_per_image = jnp.sum(pos, axis=1, keepdims=True)
    # smooth l1 on boxes (sum over positive priors)
    d = jnp.abs(loc_data - loc_t)
    l = jnp.where(d < 1.0, 0.5 * d * d, d - 0.5)
    loss_box = jnp.sum(jnp.where(pos[..., None], l, 0.0))
    # smooth l1 on landmarks
    dl = jnp.abs(landm_data - landm_t)
    ll = jnp.where(dl < 1.0, 0.5 * dl * dl, dl - 0.5)
    loss_landm = jnp.sum(jnp.where(pos[..., None], ll, 0.0))
    # per-prior cross entropy for hard negative mining
    logp = jax.nn.log_softmax(conf_data, axis=-1)
    safe_t = jnp.clip(conf_t, 0, C - 1)
    ce = -jnp.take_along_axis(logp, safe_t[..., None], axis=-1)[..., 0]  # [B, P]
    loss_c = jnp.where(pos | (conf_t < 0), 0.0, ce)
    loss_idx = jnp.argsort(-loss_c, axis=1)
    idx_rank = jnp.argsort(loss_idx, axis=1)
    num_neg = jnp.minimum(NEG_POS_RATIO * nums_pos_per_image, P - 1)
    neg_mask = idx_rank < num_neg
    pos_neg = pos | neg_mask
    loss_c_final = jnp.sum(jnp.where(pos_neg, ce, 0.0))
    return (loss_box / nums_pos_total,
            loss_c_final / nums_pos_total,
            loss_landm / nums_pos_total)


def setup_inputs(seed: int = 0) -> dict:
    key = jax.random.key(seed)
    ks = jax.random.split(key, 8)
    B, P, G, C = 16, 16800, 32, NUM_CLASSES
    conf_data = jax.random.normal(ks[0], (B, P, C), dtype=jnp.float32)
    loc_data = jax.random.normal(ks[1], (B, P, 4), dtype=jnp.float32)
    landm_data = jax.random.normal(ks[2], (B, P, 10), dtype=jnp.float32)
    # priors in center form (cx, cy, w, h), all positive w/h
    pc = jax.random.uniform(ks[3], (P, 2), minval=0.05, maxval=0.95)
    pwh = jax.random.uniform(ks[4], (P, 2), minval=0.02, maxval=0.4)
    priors = jnp.concatenate([pc, pwh], axis=1).astype(jnp.float32)
    # targets: [B, G, 15] = 4 corner-form box + 10 landmark coords + 1 label(=1)
    gc = jax.random.uniform(ks[5], (B, G, 2), minval=0.2, maxval=0.8)
    gwh = jax.random.uniform(ks[6], (B, G, 2), minval=0.05, maxval=0.3)
    boxes = jnp.concatenate([gc - gwh / 2.0, gc + gwh / 2.0], axis=2)
    landms = jax.random.uniform(ks[7], (B, G, 10), minval=0.0, maxval=1.0)
    labels = jnp.ones((B, G, 1), dtype=jnp.float32)
    targets = jnp.concatenate([boxes, landms, labels], axis=2).astype(jnp.float32)
    return {"conf_data": conf_data, "loc_data": loc_data,
            "landm_data": landm_data, "priors": priors, "targets": targets}


def reference(conf_data, loc_data, landm_data, priors, targets):
    return multibox_forward(conf_data, loc_data, landm_data, priors, targets)

if __name__ == "__main__":
    import jax
    _d = setup_inputs()
    print(jax.jit(kernel)(*tuple(_d.values())))

</pallas_src>

<mosaic_0001>
#map = affine_map<(d0, d1) -> (0, 0, 0)>
#map1 = affine_map<(d0, d1) -> (0, 0)>
module attributes {stable_mosaic.version = 14 : i64} {
  func.func @_sc_forward(%arg0: i32, %arg1: i32, %arg2: memref<16x2x16896xf32, #tpu.memory_space<hbm>>, %arg3: memref<16x4x16896xf32, #tpu.memory_space<hbm>>, %arg4: memref<16x10x16896xf32, #tpu.memory_space<hbm>>, %arg5: memref<4x16896xf32, #tpu.memory_space<hbm>>, %arg6: memref<16x15x128xf32, #tpu.memory_space<hbm>>, %arg7: memref<32x128xf32, #tpu.memory_space<hbm>>, %arg8: memref<4x1408xf32, #tpu.memory_space<vmem>>, %arg9: memref<2x1408xf32, #tpu.memory_space<vmem>>, %arg10: memref<4x1408xf32, #tpu.memory_space<vmem>>, %arg11: memref<10x1408xf32, #tpu.memory_space<vmem>>, %arg12: memref<15x128xf32, #tpu.memory_space<vmem>>, %arg13: memref<8448xf32, #tpu.memory_space<vmem>>, %arg14: memref<8448xi32, #tpu.memory_space<vmem>>, %arg15: memref<8448xf32, #tpu.memory_space<vmem>>, %arg16: memref<32x16xf32, #tpu.memory_space<vmem>>, %arg17: memref<32x16xi32, #tpu.memory_space<vmem>>, %arg18: memref<48xf32, #tpu.memory_space<vmem>>, %arg19: memref<128xf32, #tpu.memory_space<vmem>>, %arg20: memref<64xf32, #tpu.memory_space<vmem>>, %arg21: memref<64xf32, #tpu.memory_space<vmem>>, %arg22: memref<16xf32, #tpu.memory_space<vmem>>, %arg23: memref<16xf32, #tpu.memory_space<vmem>>, %arg24: memref<16x64xf32, #tpu.memory_space<vmem_shared>>, %arg25: memref<16x16xf32, #tpu.memory_space<vmem_shared>>) attributes {dimension_semantics = [#tpu.dimension_semantics<core_parallel>, #tpu.dimension_semantics<subcore_parallel>], iteration_bounds = array<i64: 2, 16>, scalar_prefetch = 0 : i64, scratch_operands = 18 : i64, tpu.core_type = #tpu.core_type<sc_vector_subcore>, window_params = [{transform_indices = #map}, {transform_indices = #map}, {transform_indices = #map}, {transform_indices = #map1}, {transform_indices = #map}, {transform_indices = #map1}]} {
    %mul3A = arith.constant 8 : i32
    %mul3A_0 = arith.muli %arg0, %mul3A : i32
    %and3A = arith.constant 7 : i32
    %and3A_1 = arith.andi %arg1, %and3A : i32
    %add3A = arith.addi %mul3A_0, %and3A_1 : i32
    %shift_right_arithmetic3A = arith.constant 3 : i32
    %shift_right_arithmetic3A_2 = arith.shrsi %arg1, %shift_right_arithmetic3A : i32
    %mul3A_3 = arith.constant 8448 : i32
    %mul3A_4 = arith.muli %shift_right_arithmetic3A_2, %mul3A_3 : i32
    "tpu.region"() ({
      %run_scoped3A = tpu.sem_alloc : memref<!tpu.dma_semaphore, #tpu.memory_space<semaphore_mem>>
      %dma_start3A = arith.constant 0 : i32
      %dma_start3A_799 = arith.constant 0 : i32
      %dma_start3A_800 = tpu.memref_slice %arg6[%add3A, %dma_start3A, %dma_start3A_799] : memref<16x15x128xf32, #tpu.memory_space<hbm>> -> memref<1x15x128xf32, #tpu.memory_space<hbm>>
      %dma_start3A_801 = tpu.memref_squeeze %dma_start3A_800 : memref<1x15x128xf32, #tpu.memory_space<hbm>> -> memref<15x128xf32, #tpu.memory_space<hbm>>
      %dma_start3A_802 = arith.constant 0 : i32
      %dma_start3A_803 = arith.constant 0 : i32
      %dma_start3A_804 = tpu.memref_slice %arg6[%add3A, %dma_start3A_802, %dma_start3A_803] : memref<16x15x128xf32, #tpu.memory_space<hbm>> -> memref<1x15x128xf32, #tpu.memory_space<hbm>>
      %dma_start3A_805 = tpu.memref_squeeze %dma_start3A_804 : memref<1x15x128xf32, #tpu.memory_space<hbm>> -> memref<15x128xf32, #tpu.memory_space<hbm>>
      tpu.enqueue_dma source(%dma_start3A_805 : memref<15x128xf32, #tpu.memory_space<hbm>>) target(%arg12 : memref<15x128xf32, #tpu.memory_space<vmem>>) target_semaphore(%run_scoped3A : memref<!tpu.dma_semaphore, #tpu.memory_space<semaphore_mem>>)
      %dma_wait3A = arith.constant 0 : i32
      %dma_wait3A_806 = arith.constant 0 : i32
      %dma_wait3A_807 = tpu.memref_slice %arg6[%add3A, %dma_wait3A, %dma_wait3A_806] : memref<16x15x128xf32, #tpu.memory_space<hbm>> -> memref<1x15x128xf32, #tpu.memory_space<hbm>>
      %dma_wait3A_808 = tpu.memref_squeeze %dma_wait3A_807 : memref<1x15x128xf32, #tpu.memory_space<hbm>> -> memref<15x128xf32, #tpu.memory_space<hbm>>
      %dma_wait3A_809 = arith.constant 0 : i32
      %dma_wait3A_810 = arith.constant 0 : i32
      %dma_wait3A_811 = tpu.memref_slice %arg6[%add3A, %dma_wait3A_809, %dma_wait3A_810] : memref<16x15x128xf32, #tpu.memory_space<hbm>> -> memref<1x15x128xf32, #tpu.memory_space<hbm>>
      %dma_wait3A_812 = tpu.memref_squeeze %dma_wait3A_811 : memref<1x15x128xf32, #tpu.memory_space<hbm>> -> memref<15x128xf32, #tpu.memory_space<hbm>>
      tpu.wait_dma2 semaphore(%run_scoped3A : memref<!tpu.dma_semaphore, #tpu.memory_space<semaphore_mem>>) src(%dma_wait3A_812 : memref<15x128xf32, #tpu.memory_space<hbm>>) dst(%arg12 : memref<15x128xf32, #tpu.memory_space<vmem>>)
      tpu.yield
    }) : () -> ()
    %get3A = arith.constant 0 : i32
    %get3A_5 = arith.index_cast %get3A : i32 to index
    %get3A_6 = arith.constant 0 : index
    %get3A_7 = tpu.vector_load %arg12[%get3A_5, %get3A_6] {strides = array<i32>} : memref<15x128xf32, #tpu.memory_space<vmem>>, vector<16xf32>,
    %get3A_8 = arith.constant 1 : i32
    %get3A_9 = arith.index_cast %get3A_8 : i32 to index
    %get3A_10 = arith.constant 0 : index
    %get3A_11 = tpu.vector_load %arg12[%get3A_9, %get3A_10] {strides = array<i32>} : memref<15x128xf32, #tpu.memory_space<vmem>>, vector<16xf32>,
    %get3A_12 = arith.constant 2 : i32
    %get3A_13 = arith.index_cast %get3A_12 : i32 to index
    %get3A_14 = arith.constant 0 : index
    %get3A_15 = tpu.vector_load %arg12[%get3A_13, %get3A_14] {strides = array<i32>} : memref<15x128xf32, #tpu.memory_space<vmem>>, vector<16xf32>,
    %get3A_16 = arith.constant 3 : i32
    %get3A_17 = arith.index_cast %get3A_16 : i32 to index
    %get3A_18 = arith.constant 0 : index
    %get3A_19 = tpu.vector_load %arg12[%get3A_17, %get3A_18] {strides = array<i32>} : memref<15x128xf32, #tpu.memory_space<vmem>>, vector<16xf32>,
    %sub3A = arith.subf %get3A_15, %get3A_7 : vector<16xf32>
    %sub3A_20 = arith.subf %get3A_19, %get3A_11 : vector<16xf32>
    %mul3A_21 = arith.mulf %sub3A, %sub3A_20 : vector<16xf32>
    %swap3A = arith.constant 0 : index
    %swap3A_22 = tpu.vector_load %arg18[%swap3A] {strides = array<i32>} : memref<48xf32, #tpu.memory_space<vmem>>, vector<16xf32>,
    tpu.vector_store %arg18[%swap3A], %mul3A_21 {strides = array<i32>} : memref<48xf32, #tpu.memory_space<vmem>>, vector<16xf32>,
    %get3A_23 = arith.constant 0 : i32
    %get3A_24 = arith.index_cast %get3A_23 : i32 to index
    %get3A_25 = arith.constant 16 : index
    %get3A_26 = tpu.vector_load %arg12[%get3A_24, %get3A_25] {strides = array<i32>} : memref<15x128xf32, #tpu.memory_space<vmem>>, vector<16xf32>,
    %get3A_27 = arith.constant 1 : i32
    %get3A_28 = arith.index_cast %get3A_27 : i32 to index
    %get3A_29 = arith.constant 16 : index
    %get3A_30 = tpu.vector_load %arg12[%get3A_28, %get3A_29] {strides = array<i32>} : memref<15x128xf32, #tpu.memory_space<vmem>>, vector<16xf32>,
    %get3A_31 = arith.constant 2 : i32
    %get3A_32 = arith.index_cast %get3A_31 : i32 to index
    %get3A_33 = arith.constant 16 : index
    %get3A_34 = tpu.vector_load %arg12[%get3A_32, %get3A_33] {strides = array<i32>} : memref<15x128xf32, #tpu.memory_space<vmem>>, vector<16xf32>,
    %get3A_35 = arith.constant 3 : i32
    %get3A_36 = arith.index_cast %get3A_35 : i32 to index
    %get3A_37 = arith.constant 16 : index
    %get3A_38 = tpu.vector_load %arg12[%get3A_36, %get3A_37] {strides = array<i32>} : memref<15x128xf32, #tpu.memory_space<vmem>>, vector<16xf32>,
    %sub3A_39 = arith.subf %get3A_34, %get3A_26 : vector<16xf32>
    %sub3A_40 = arith.subf %get3A_38, %get3A_30 : vector<16xf32>
    %mul3A_41 = arith.mulf %sub3A_39, %sub3A_40 : vector<16xf32>
    %swap3A_42 = arith.constant 16 : index
    %swap3A_43 = tpu.vector_load %arg18[%swap3A_42] {strides = array<i32>} : memref<48xf32, #tpu.memory_space<vmem>>, vector<16xf32>,
    tpu.vector_store %arg18[%swap3A_42], %mul3A_41 {strides = array<i32>} : memref<48xf32, #tpu.memory_space<vmem>>, vector<16xf32>,
    %scan3A = arith.constant 0 : i32
    %scan3A_44 = arith.constant 0 : i32
    %scan3A_45 = arith.constant 32 : i32
    %scan3A_46 = arith.addi %scan3A_44, %scan3A_45 : i32
    %scan3A_47 = arith.constant 1 : i32
    %scan3A_48 = scf.for %scan3A_799 = %scan3A_44 to %scan3A_46 step %scan3A_47 iter_args(%scan3A_800 = %scan3A) -> (i32)  : i32 {
      %broadcast_in_dim3A_801 = arith.constant -1.000000e+00 : f32
      %broadcast_in_dim3A_802 = vector.broadcast %broadcast_in_dim3A_801 : f32 to vector<16xf32>
      %swap3A_803 = arith.index_cast %scan3A_799 : i32 to index
      %swap3A_804 = arith.constant 0 : index
      %swap3A_805 = tpu.vector_load %arg16[%swap3A_803, %swap3A_804] {strides = array<i32>} : memref<32x16xf32, #tpu.memory_space<vmem>>, vector<16xf32>,
      tpu.vector_store %arg16[%swap3A_803, %swap3A_804], %broadcast_in_dim3A_802 {strides = array<i32>} : memref<32x16xf32, #tpu.memory_space<vmem>>, vector<16xf32>,
      %broadcast_in_dim3A_806 = arith.constant 0 : i32
      %broadcast_in_dim3A_807 = vector.broadcast %broadcast_in_dim3A_806 : i32 to vector<16xi32>
      %swap3A_808 = arith.index_cast %scan3A_799 : i32 to index
      %swap3A_809 = arith.constant 0 : index
      %swap3A_810 = tpu.vector_load %arg17[%swap3A_808, %swap3A_809] {strides = array<i32>} : memref<32x16xi32, #tpu.memory_space<vmem>>, vector<16xi32>,
      tpu.vector_store %arg17[%swap3A_808, %swap3A_809], %broadcast_in_dim3A_807 {strides = array<i32>} : memref<32x16xi32, #tpu.memory_space<vmem>>, vector<16xi32>,
      %scan3A_811 = arith.constant 0 : i32
      scf.yield %scan3A_811 : i32
    }
    %scan3A_49 = arith.constant 32 : i32
    %scan3A_50 = arith.constant 0 : i32
    %scan3A_51 = arith.constant 0 : i32
    %scan3A_52 = arith.constant 6 : i32
    %scan3A_53 = arith.addi %scan3A_51, %scan3A_52 : i32
    %scan3A_54 = arith.constant 1 : i32
    %scan3A_55 = scf.for %scan3A_799 = %scan3A_51 to %scan3A_53 step %scan3A_54 iter_args(%scan3A_800 = %scan3A_50) -> (i32)  : i32 {
      %mul3A_801 = arith.constant 1408 : i32
      %mul3A_802 = arith.muli %scan3A_799, %mul3A_801 : i32
      %add3A_803 = arith.addi %mul3A_4, %mul3A_802 : i32
      "tpu.region"() ({
        %run_scoped3A = tpu.sem_alloc : memref<!tpu.dma_semaphore, #tpu.memory_space<semaphore_mem>>
        %dma_start3A = arith.constant 0 : i32
        %dma_start3A_812 = tpu.memref_slice %arg5[%dma_start3A, %add3A_803] : memref<4x16896xf32, #tpu.memory_space<hbm>> -> memref<4x1408xf32, #tpu.memory_space<hbm>>
        %dma_start3A_813 = arith.constant 0 : i32
        %dma_start3A_814 = tpu.memref_slice %arg5[%dma_start3A_813, %add3A_803] : memref<4x16896xf32, #tpu.memory_space<hbm>> -> memref<4x1408xf32, #tpu.memory_space<hbm>>
        tpu.enqueue_dma source(%dma_start3A_814 : memref<4x1408xf32, #tpu.memory_space<hbm>>) target(%arg8 : memref<4x1408xf32, #tpu.memory_space<vmem>>) target_semaphore(%run_scoped3A : memref<!tpu.dma_semaphore, #tpu.memory_space<semaphore_mem>>)
        %dma_wait3A = arith.constant 0 : i32
        %dma_wait3A_815 = tpu.memref_slice %arg5[%dma_wait3A, %add3A_803] : memref<4x16896xf32, #tpu.memory_space<hbm>> -> memref<4x1408xf32, #tpu.memory_space<hbm>>
        %dma_wait3A_816 = arith.constant 0 : i32
        %dma_wait3A_817 = tpu.memref_slice %arg5[%dma_wait3A_816, %add3A_803] : memref<4x16896xf32, #tpu.memory_space<hbm>> -> memref<4x1408xf32, #tpu.memory_space<hbm>>
        tpu.wait_dma2 semaphore(%run_scoped3A : memref<!tpu.dma_semaphore, #tpu.memory_space<semaphore_mem>>) src(%dma_wait3A_817 : memref<4x1408xf32, #tpu.memory_space<hbm>>) dst(%arg8 : memref<4x1408xf32, #tpu.memory_space<vmem>>)
        tpu.yield
      }) : () -> ()
      %scan3A_804 = arith.constant 0 : i32
      %scan3A_805 = arith.constant 0 : i32
      %scan3A_806 = arith.constant 88 : i32
      %scan3A_807 = arith.addi %scan3A_805, %scan3A_806 : i32
      %scan3A_808 = arith.constant 1 : i32
      %scan3A_809 = scf.for %scan3A_812 = %scan3A_805 to %scan3A_807 step %scan3A_808 iter_args(%scan3A_813 = %scan3A_804) -> (i32)  : i32 {
        %mul3A_814 = arith.constant 16 : i32
        %mul3A_815 = arith.muli %scan3A_812, %mul3A_814 : i32
        %get3A_816 = arith.constant 0 : i32
        %get3A_817 = arith.index_cast %get3A_816 : i32 to index
        %get3A_818 = arith.index_cast %mul3A_815 : i32 to index
        %get3A_819 = tpu.vector_load %arg8[%get3A_817, %get3A_818] {strides = array<i32>} : memref<4x1408xf32, #tpu.memory_space<vmem>>, vector<16xf32>,
        %get3A_820 = arith.constant 1 : i32
        %get3A_821 = arith.index_cast %get3A_820 : i32 to index
        %get3A_822 = arith.index_cast %mul3A_815 : i32 to index
        %get3A_823 = tpu.vector_load %arg8[%get3A_821, %get3A_822] {strides = array<i32>} : memref<4x1408xf32, #tpu.memory_space<vmem>>, vector<16xf32>,
        %get3A_824 = arith.constant 2 : i32
        %get3A_825 = arith.index_cast %get3A_824 : i32 to index
        %get3A_826 = arith.index_cast %mul3A_815 : i32 to index
        %get3A_827 = tpu.vector_load %arg8[%get3A_825, %get3A_826] {strides = array<i32>} : memref<4x1408xf32, #tpu.memory_space<vmem>>, vector<16xf32>,
        %get3A_828 = arith.constant 3 : i32
        %get3A_829 = arith.index_cast %get3A_828 : i32 to index
        %get3A_830 = arith.index_cast %mul3A_815 : i32 to index
        %get3A_831 = tpu.vector_load %arg8[%get3A_829, %get3A_830] {strides = array<i32>} : memref<4x1408xf32, #tpu.memory_space<vmem>>, vector<16xf32>,
        %mul3A_832 = arith.constant 5.000000e-01 : f32
        %mul3A_833 = vector.broadcast %mul3A_832 : f32 to vector<16xf32>
        %mul3A_834 = arith.mulf %get3A_827, %mul3A_833 : vector<16xf32>
        %sub3A_835 = arith.subf %get3A_819, %mul3A_834 : vector<16xf32>
        %mul3A_836 = arith.constant 5.000000e-01 : f32
        %mul3A_837 = vector.broadcast %mul3A_836 : f32 to vector<16xf32>
        %mul3A_838 = arith.mulf %get3A_831, %mul3A_837 : vector<16xf32>
        %sub3A_839 = arith.subf %get3A_823, %mul3A_838 : vector<16xf32>
        %mul3A_840 = arith.constant 5.000000e-01 : f32
        %mul3A_841 = vector.broadcast %mul3A_840 : f32 to vector<16xf32>
        %mul3A_842 = arith.mulf %get3A_827, %mul3A_841 : vector<16xf32>
        %add3A_843 = arith.addf %get3A_819, %mul3A_842 : vector<16xf32>
        %mul3A_844 = arith.constant 5.000000e-01 : f32
        %mul3A_845 = vector.broadcast %mul3A_844 : f32 to vector<16xf32>
        %mul3A_846 = arith.mulf %get3A_831, %mul3A_845 : vector<16xf32>
        %add3A_847 = arith.addf %get3A_823, %mul3A_846 : vector<16xf32>
        %sub3A_848 = arith.subf %add3A_843, %sub3A_835 : vector<16xf32>
        %sub3A_849 = arith.subf %add3A_847, %sub3A_839 : vector<16xf32>
        %mul3A_850 = arith.mulf %sub3A_848, %sub3A_849 : vector<16xf32>
        %add3A_851 = arith.addi %mul3A_4, %mul3A_802 : i32
        %add3A_852 = arith.addi %add3A_851, %mul3A_815 : i32
        %iota3A_853 = tpu.iota {dimensions = array<i32: 0>} : vector<16xi32>
        %add3A_854 = vector.broadcast %add3A_852 : i32 to vector<16xi32>
        %add3A_855 = arith.addi %add3A_854, %iota3A_853 : vector<16xi32>
        %broadcast_in_dim3A_856 = arith.constant -1.000000e+00 : f32
        %broadcast_in_dim3A_857 = vector.broadcast %broadcast_in_dim3A_856 : f32 to vector<16xf32>
        %broadcast_in_dim3A_858 = arith.constant 0 : i32
        %broadcast_in_dim3A_859 = vector.broadcast %broadcast_in_dim3A_858 : i32 to vector<16xi32>
        %scan3A_860 = arith.constant 0 : i32
        %scan3A_861 = arith.constant 32 : i32
        %scan3A_862 = arith.addi %scan3A_860, %scan3A_861 : i32
        %scan3A_863 = arith.constant 1 : i32
        %scan3A_864:2 = scf.for %scan3A_873 = %scan3A_860 to %scan3A_862 step %scan3A_863 iter_args(%scan3A_874 = %broadcast_in_dim3A_857, %scan3A_875 = %broadcast_in_dim3A_859) -> (vector<16xf32>, vector<16xi32>)  : i32 {
          %get3A_876 = arith.constant 0 : i32
          %get3A_877 = arith.index_cast %get3A_876 : i32 to index
          %get3A_878 = arith.index_cast %scan3A_873 : i32 to index
          %get3A_879 = tpu.vector_load %arg12[%get3A_877, %get3A_878] {strides = array<i32>} : memref<15x128xf32, #tpu.memory_space<vmem>>, vector<16xf32>,
          %slice3A_880 = vector.extract_strided_slice %get3A_879 {offsets = [0], sizes = [1], strides = [1]} : vector<16xf32> to vector<1xf32>
          %squeeze3A_881 = vector.extract %slice3A_880[0] : f32 from vector<1xf32>
          %get3A_882 = arith.constant 1 : i32
          %get3A_883 = arith.index_cast %get3A_882 : i32 to index
          %get3A_884 = arith.index_cast %scan3A_873 : i32 to index
          %get3A_885 = tpu.vector_load %arg12[%get3A_883, %get3A_884] {strides = array<i32>} : memref<15x128xf32, #tpu.memory_space<vmem>>, vector<16xf32>,
          %slice3A_886 = vector.extract_strided_slice %get3A_885 {offsets = [0], sizes = [1], strides = [1]} : vector<16xf32> to vector<1xf32>
          %squeeze3A_887 = vector.extract %slice3A_886[0] : f32 from vector<1xf32>
          %get3A_888 = arith.constant 2 : i32
          %get3A_889 = arith.index_cast %get3A_888 : i32 to index
          %get3A_890 = arith.index_cast %scan3A_873 : i32 to index
          %get3A_891 = tpu.vector_load %arg12[%get3A_889, %get3A_890] {strides = array<i32>} : memref<15x128xf32, #tpu.memory_space<vmem>>, vector<16xf32>,
          %slice3A_892 = vector.extract_strided_slice %get3A_891 {offsets = [0], sizes = [1], strides = [1]} : vector<16xf32> to vector<1xf32>
          %squeeze3A_893 = vector.extract %slice3A_892[0] : f32 from vector<1xf32>
          %get3A_894 = arith.constant 3 : i32
          %get3A_895 = arith.index_cast %get3A_894 : i32 to index
          %get3A_896 = arith.index_cast %scan3A_873 : i32 to index
          %get3A_897 = tpu.vector_load %arg12[%get3A_895, %get3A_896] {strides = array<i32>} : memref<15x128xf32, #tpu.memory_space<vmem>>, vector<16xf32>,
          %slice3A_898 = vector.extract_strided_slice %get3A_897 {offsets = [0], sizes = [1], strides = [1]} : vector<16xf32> to vector<1xf32>
          %squeeze3A_899 = vector.extract %slice3A_898[0] : f32 from vector<1xf32>
          %get3A_900 = arith.index_cast %scan3A_873 : i32 to index
          %get3A_901 = tpu.vector_load %arg18[%get3A_900] {strides = array<i32>} : memref<48xf32, #tpu.memory_space<vmem>>, vector<16xf32>,
          %slice3A_902 = vector.extract_strided_slice %get3A_901 {offsets = [0], sizes = [1], strides = [1]} : vector<16xf32> to vector<1xf32>
          %squeeze3A_903 = vector.extract %slice3A_902[0] : f32 from vector<1xf32>
          %min3A_904 = vector.broadcast %squeeze3A_893 : f32 to vector<16xf32>
          %min3A_905 = arith.minimumf %add3A_843, %min3A_904 : vector<16xf32>
          %max3A_906 = vector.broadcast %squeeze3A_881 : f32 to vector<16xf32>
          %max3A_907 = arith.maximumf %sub3A_835, %max3A_906 : vector<16xf32>
          %sub3A_908 = arith.subf %min3A_905, %max3A_907 : vector<16xf32>
          %max3A_909 = arith.constant 0.000000e+00 : f32
          %max3A_910 = vector.broadcast %max3A_909 : f32 to vector<16xf32>
          %max3A_911 = arith.maximumf %sub3A_908, %max3A_910 : vector<16xf32>
          %min3A_912 = vector.broadcast %squeeze3A_899 : f32 to vector<16xf32>
          %min3A_913 = arith.minimumf %add3A_847, %min3A_912 : vector<16xf32>
          %max3A_914 = vector.broadcast %squeeze3A_887 : f32 to vector<16xf32>
          %max3A_915 = arith.maximumf %sub3A_839, %max3A_914 : vector<16xf32>
          %sub3A_916 = arith.subf %min3A_913, %max3A_915 : vector<16xf32>
          %max3A_917 = arith.constant 0.000000e+00 : f32
          %max3A_918 = vector.broadcast %max3A_917 : f32 to vector<16xf32>
          %max3A_919 = arith.maximumf %sub3A_916, %max3A_918 : vector<16xf32>
          %mul3A_920 = arith.mulf %max3A_911, %max3A_919 : vector<16xf32>
          %add3A_921 = vector.broadcast %squeeze3A_903 : f32 to vector<16xf32>
          %add3A_922 = arith.addf %add3A_921, %mul3A_850 : vector<16xf32>
          %sub3A_923 = arith.subf %add3A_922, %mul3A_920 : vector<16xf32>
          %div3A = arith.divf %mul3A_920, %sub3A_923 : vector<16xf32>
          %gt3A = arith.cmpf ogt, %div3A, %scan3A_874 : vector<16xf32>
          %select_n3A_924 = arith.select %gt3A, %div3A, %scan3A_874 : vector<16xi1>, vector<16xf32>
          %broadcast_in_dim3A_925 = vector.broadcast %scan3A_873 : i32 to vector<16xi32>
          %select_n3A_926 = arith.select %gt3A, %broadcast_in_dim3A_925, %scan3A_875 : vector<16xi1>, vector<16xi32>
          %get3A_927 = arith.index_cast %scan3A_873 : i32 to index
          %get3A_928 = arith.constant 0 : index
          %get3A_929 = tpu.vector_load %arg16[%get3A_927, %get3A_928] {strides = array<i32>} : memref<32x16xf32, #tpu.memory_space<vmem>>, vector<16xf32>,
          %gt3A_930 = arith.cmpf ogt, %div3A, %get3A_929 : vector<16xf32>
          %select_n3A_931 = arith.select %gt3A_930, %div3A, %get3A_929 : vector<16xi1>, vector<16xf32>
          %swap3A_932 = arith.index_cast %scan3A_873 : i32 to index
          %swap3A_933 = arith.constant 0 : index
          %swap3A_934 = tpu.vector_load %arg16[%swap3A_932, %swap3A_933] {strides = array<i32>} : memref<32x16xf32, #tpu.memory_space<vmem>>, vector<16xf32>,
          tpu.vector_store %arg16[%swap3A_932, %swap3A_933], %select_n3A_931 {strides = array<i32>} : memref<32x16xf32, #tpu.memory_space<vmem>>, vector<16xf32>,
          %get3A_935 = arith.index_cast %scan3A_873 : i32 to index
          %get3A_936 = arith.constant 0 : index
          %get3A_937 = tpu.vector_load %arg17[%get3A_935, %get3A_936] {strides = array<i32>} : memref<32x16xi32, #tpu.memory_space<vmem>>, vector<16xi32>,
          %select_n3A_938 = arith.select %gt3A_930, %add3A_855, %get3A_937 : vector<16xi1>, vector<16xi32>
          %swap3A_939 = arith.index_cast %scan3A_873 : i32 to index
          %swap3A_940 = arith.constant 0 : index
          %swap3A_941 = tpu.vector_load %arg17[%swap3A_939, %swap3A_940] {strides = array<i32>} : memref<32x16xi32, #tpu.memory_space<vmem>>, vector<16xi32>,
          tpu.vector_store %arg17[%swap3A_939, %swap3A_940], %select_n3A_938 {strides = array<i32>} : memref<32x16xi32, #tpu.memory_space<vmem>>, vector<16xi32>,
          scf.yield %select_n3A_924, %select_n3A_926 : vector<16xf32>, vector<16xi32>
        }
        %scan3A_865 = arith.constant 32 : i32
        %add3A_866 = arith.addi %mul3A_802, %mul3A_815 : i32
        %swap3A_867 = arith.index_cast %add3A_866 : i32 to index
        %swap3A_868 = tpu.vector_load %arg13[%swap3A_867] {strides = array<i32>} : memref<8448xf32, #tpu.memory_space<vmem>>, vector<16xf32>,
        tpu.vector_store %arg13[%swap3A_867], %scan3A_864#0 {strides = array<i32>} : memref<8448xf32, #tpu.memory_space<vmem>>, vector<16xf32>,
        %add3A_869 = arith.addi %mul3A_802, %mul3A_815 : i32
        %swap3A_870 = arith.index_cast %add3A_869 : i32 to index
        %swap3A_871 = tpu.vector_load %arg14[%swap3A_870] {strides = array<i32>} : memref<8448xi32, #tpu.memory_space<vmem>>, vector<16xi32>,
        tpu.vector_store %arg14[%swap3A_870], %scan3A_864#1 {strides = array<i32>} : memref<8448xi32, #tpu.memory_space<vmem>>, vector<16xi32>,
        %scan3A_872 = arith.constant 0 : i32
        scf.yield %scan3A_872 : i32
      }
      %scan3A_810 = arith.constant 88 : i32
      %scan3A_811 = arith.constant 0 : i32
      scf.yield %scan3A_811 : i32
    }
    %scan3A_56 = arith.constant 6 : i32
    %broadcast_in_dim3A = arith.constant 0.000000e+00 : f32
    %broadcast_in_dim3A_57 = vector.broadcast %broadcast_in_dim3A : f32 to vector<16xf32>
    %broadcast_in_dim3A_58 = arith.constant 0.000000e+00 : f32
    %broadcast_in_dim3A_59 = vector.broadcast %broadcast_in_dim3A_58 : f32 to vector<16xf32>
    %broadcast_in_dim3A_60 = arith.constant 0 : i32
    %broadcast_in_dim3A_61 = vector.broadcast %broadcast_in_dim3A_60 : i32 to vector<16xi32>
    %broadcast_in_dim3A_62 = arith.constant 0 : i32
    %broadcast_in_dim3A_63 = vector.broadcast %broadcast_in_dim3A_62 : i32 to vector<16xi32>
    %scan3A_64 = arith.constant 0 : i32
    %scan3A_65 = arith.constant 32 : i32
    %scan3A_66 = arith.addi %scan3A_64, %scan3A_65 : i32
    %scan3A_67 = arith.constant 1 : i32
    %scan3A_68:4 = scf.for %scan3A_799 = %scan3A_64 to %scan3A_66 step %scan3A_67 iter_args(%scan3A_800 = %broadcast_in_dim3A_57, %scan3A_801 = %broadcast_in_dim3A_59, %scan3A_802 = %broadcast_in_dim3A_61, %scan3A_803 = %broadcast_in_dim3A_63) -> (vector<16xf32>, vector<16xf32>, vector<16xi32>, vector<16xi32>)  : i32 {
      %get3A_804 = arith.index_cast %scan3A_799 : i32 to index
      %get3A_805 = arith.constant 0 : index
      %get3A_806 = tpu.vector_load %arg16[%get3A_804, %get3A_805] {strides = array<i32>} : memref<32x16xf32, #tpu.memory_space<vmem>>, vector<16xf32>,
      %iota3A_807 = tpu.iota {dimensions = array<i32: 0>} : vector<16xi32>
      %add3A_808 = arith.constant 1 : i32
      %add3A_809 = vector.broadcast %add3A_808 : i32 to vector<16xi32>
      %add3A_810 = arith.addi %iota3A_807, %add3A_809 : vector<16xi32>
      %and3A_811 = arith.constant 15 : i32
      %and3A_812 = vector.broadcast %and3A_811 : i32 to vector<16xi32>
      %and3A_813 = arith.andi %add3A_810, %and3A_812 : vector<16xi32>
      %lt3A_814 = arith.constant 0 : i32
      %lt3A_815 = vector.broadcast %lt3A_814 : i32 to vector<16xi32>
      %lt3A_816 = arith.cmpi slt, %and3A_813, %lt3A_815 : vector<16xi32>
      %add3A_817 = arith.constant 16 : i32
      %add3A_818 = vector.broadcast %add3A_817 : i32 to vector<16xi32>
      %add3A_819 = arith.addi %and3A_813, %add3A_818 : vector<16xi32>
      %select_n3A_820 = arith.select %lt3A_816, %add3A_819, %and3A_813 : vector<16xi1>, vector<16xi32>
      %broadcast_in_dim3A_821 = vector.shape_cast %select_n3A_820 : vector<16xi32> to vector<16x1xi32>
      %gather3A_822 = vector.shape_cast %broadcast_in_dim3A_821 : vector<16x1xi32> to vector<16xi32>
      %gather3A_823 = tpu.dynamic_gather %get3A_806[%gather3A_822] in [0] : vector<16xf32>, vector<16xi32> -> vector<16xf32>
      %max3A_824 = arith.maximumf %get3A_806, %gather3A_823 : vector<16xf32>
      %iota3A_825 = tpu.iota {dimensions = array<i32: 0>} : vector<16xi32>
      %add3A_826 = arith.constant 2 : i32
      %add3A_827 = vector.broadcast %add3A_826 : i32 to vector<16xi32>
      %add3A_828 = arith.addi %iota3A_825, %add3A_827 : vector<16xi32>
      %and3A_829 = arith.constant 15 : i32
      %and3A_830 = vector.broadcast %and3A_829 : i32 to vector<16xi32>
      %and3A_831 = arith.andi %add3A_828, %and3A_830 : vector<16xi32>
      %lt3A_832 = arith.constant 0 : i32
      %lt3A_833 = vector.broadcast %lt3A_832 : i32 to vector<16xi32>
      %lt3A_834 = arith.cmpi slt, %and3A_831, %lt3A_833 : vector<16xi32>
      %add3A_835 = arith.constant 16 : i32
      %add3A_836 = vector.broadcast %add3A_835 : i32 to vector<16xi32>
      %add3A_837 = arith.addi %and3A_831, %add3A_836 : vector<16xi32>
      %select_n3A_838 = arith.select %lt3A_834, %add3A_837, %and3A_831 : vector<16xi1>, vector<16xi32>
      %broadcast_in_dim3A_839 = vector.shape_cast %select_n3A_838 : vector<16xi32> to vector<16x1xi32>
      %gather3A_840 = vector.shape_cast %broadcast_in_dim3A_839 : vector<16x1xi32> to vector<16xi32>
      %gather3A_841 = tpu.dynamic_gather %max3A_824[%gather3A_840] in [0] : vector<16xf32>, vector<16xi32> -> vector<16xf32>
      %max3A_842 = arith.maximumf %max3A_824, %gather3A_841 : vector<16xf32>
      %iota3A_843 = tpu.iota {dimensions = array<i32: 0>} : vector<16xi32>
      %add3A_844 = arith.constant 4 : i32
      %add3A_845 = vector.broadcast %add3A_844 : i32 to vector<16xi32>
      %add3A_846 = arith.addi %iota3A_843, %add3A_845 : vector<16xi32>
      %and3A_847 = arith.constant 15 : i32
      %and3A_848 = vector.broadcast %and3A_847 : i32 to vector<16xi32>
      %and3A_849 = arith.andi %add3A_846, %and3A_848 : vector<16xi32>
      %lt3A_850 = arith.constant 0 : i32
      %lt3A_851 = vector.broadcast %lt3A_850 : i32 to vector<16xi32>
      %lt3A_852 = arith.cmpi slt, %and3A_849, %lt3A_851 : vector<16xi32>
      %add3A_853 = arith.constant 16 : i32
      %add3A_854 = vector.broadcast %add3A_853 : i32 to vector<16xi32>
      %add3A_855 = arith.addi %and3A_849, %add3A_854 : vector<16xi32>
      %select_n3A_856 = arith.select %lt3A_852, %add3A_855, %and3A_849 : vector<16xi1>, vector<16xi32>
      %broadcast_in_dim3A_857 = vector.shape_cast %select_n3A_856 : vector<16xi32> to vector<16x1xi32>
      %gather3A_858 = vector.shape_cast %broadcast_in_dim3A_857 : vector<16x1xi32> to vector<16xi32>
      %gather3A_859 = tpu.dynamic_gather %max3A_842[%gather3A_858] in [0] : vector<16xf32>, vector<16xi32> -> vector<16xf32>
      %max3A_860 = arith.maximumf %max3A_842, %gather3A_859 : vector<16xf32>
      %iota3A_861 = tpu.iota {dimensions = array<i32: 0>} : vector<16xi32>
      %add3A_862 = arith.constant 8 : i32
      %add3A_863 = vector.broadcast %add3A_862 : i32 to vector<16xi32>
      %add3A_864 = arith.addi %iota3A_861, %add3A_863 : vector<16xi32>
      %and3A_865 = arith.constant 15 : i32
      %and3A_866 = vector.broadcast %and3A_865 : i32 to vector<16xi32>
      %and3A_867 = arith.andi %add3A_864, %and3A_866 : vector<16xi32>
      %lt3A_868 = arith.constant 0 : i32
      %lt3A_869 = vector.broadcast %lt3A_868 : i32 to vector<16xi32>
      %lt3A_870 = arith.cmpi slt, %and3A_867, %lt3A_869 : vector<16xi32>
      %add3A_871 = arith.constant 16 : i32
      %add3A_872 = vector.broadcast %add3A_871 : i32 to vector<16xi32>
      %add3A_873 = arith.addi %and3A_867, %add3A_872 : vector<16xi32>
      %select_n3A_874 = arith.select %lt3A_870, %add3A_873, %and3A_867 : vector<16xi1>, vector<16xi32>
      %broadcast_in_dim3A_875 = vector.shape_cast %select_n3A_874 : vector<16xi32> to vector<16x1xi32>
      %gather3A_876 = vector.shape_cast %broadcast_in_dim3A_875 : vector<16x1xi32> to vector<16xi32>
      %gather3A_877 = tpu.dynamic_gather %max3A_860[%gather3A_876] in [0] : vector<16xf32>, vector<16xi32> -> vector<16xf32>
      %max3A_878 = arith.maximumf %max3A_860, %gather3A_877 : vector<16xf32>
      %eq3A_879 = arith.cmpf oeq, %get3A_806, %max3A_878 : vector<16xf32>
      %get3A_880 = arith.index_cast %scan3A_799 : i32 to index
      %get3A_881 = arith.constant 0 : index
      %get3A_882 = tpu.vector_load %arg17[%get3A_880, %get3A_881] {strides = array<i32>} : memref<32x16xi32, #tpu.memory_space<vmem>>, vector<16xi32>,
      %jit3A_883 = arith.constant 2147483647 : i32
      %broadcast_in_dim3A_884 = vector.broadcast %jit3A_883 : i32 to vector<16xi32>
      %select_n3A_885 = arith.select %eq3A_879, %get3A_882, %broadcast_in_dim3A_884 : vector<16xi1>, vector<16xi32>
      %iota3A_886 = tpu.iota {dimensions = array<i32: 0>} : vector<16xi32>
      %add3A_887 = arith.constant 1 : i32
      %add3A_888 = vector.broadcast %add3A_887 : i32 to vector<16xi32>
      %add3A_889 = arith.addi %iota3A_886, %add3A_888 : vector<16xi32>
      %and3A_890 = arith.constant 15 : i32
      %and3A_891 = vector.broadcast %and3A_890 : i32 to vector<16xi32>
      %and3A_892 = arith.andi %add3A_889, %and3A_891 : vector<16xi32>
      %lt3A_893 = arith.constant 0 : i32
      %lt3A_894 = vector.broadcast %lt3A_893 : i32 to vector<16xi32>
      %lt3A_895 = arith.cmpi slt, %and3A_892, %lt3A_894 : vector<16xi32>
      %add3A_896 = arith.constant 16 : i32
      %add3A_897 = vector.broadcast %add3A_896 : i32 to vector<16xi32>
      %add3A_898 = arith.addi %and3A_892, %add3A_897 : vector<16xi32>
      %select_n3A_899 = arith.select %lt3A_895, %add3A_898, %and3A_892 : vector<16xi1>, vector<16xi32>
      %broadcast_in_dim3A_900 = vector.shape_cast %select_n3A_899 : vector<16xi32> to vector<16x1xi32>
      %gather3A_901 = vector.shape_cast %broadcast_in_dim3A_900 : vector<16x1xi32> to vector<16xi32>
      %gather3A_902 = tpu.dynamic_gather %select_n3A_885[%gather3A_901] in [0] : vector<16xi32>, vector<16xi32> -> vector<16xi32>
      %min3A_903 = arith.minsi %select_n3A_885, %gather3A_902 : vector<16xi32>
      %iota3A_904 = tpu.iota {dimensions = array<i32: 0>} : vector<16xi32>
      %add3A_905 = arith.constant 2 : i32
      %add3A_906 = vector.broadcast %add3A_905 : i32 to vector<16xi32>
      %add3A_907 = arith.addi %iota3A_904, %add3A_906 : vector<16xi32>
      %and3A_908 = arith.constant 15 : i32
      %and3A_909 = vector.broadcast %and3A_908 : i32 to vector<16xi32>
      %and3A_910 = arith.andi %add3A_907, %and3A_909 : vector<16xi32>
      %lt3A_911 = arith.constant 0 : i32
      %lt3A_912 = vector.broadcast %lt3A_911 : i32 to vector<16xi32>
      %lt3A_913 = arith.cmpi slt, %and3A_910, %lt3A_912 : vector<16xi32>
      %add3A_914 = arith.constant 16 : i32
      %add3A_915 = vector.broadcast %add3A_914 : i32 to vector<16xi32>
      %add3A_916 = arith.addi %and3A_910, %add3A_915 : vector<16xi32>
      %select_n3A_917 = arith.select %lt3A_913, %add3A_916, %and3A_910 : vector<16xi1>, vector<16xi32>
      %broadcast_in_dim3A_918 = vector.shape_cast %select_n3A_917 : vector<16xi32> to vector<16x1xi32>
      %gather3A_919 = vector.shape_cast %broadcast_in_dim3A_918 : vector<16x1xi32> to vector<16xi32>
      %gather3A_920 = tpu.dynamic_gather %min3A_903[%gather3A_919] in [0] : vector<16xi32>, vector<16xi32> -> vector<16xi32>
      %min3A_921 = arith.minsi %min3A_903, %gather3A_920 : vector<16xi32>
      %iota3A_922 = tpu.iota {dimensions = array<i32: 0>} : vector<16xi32>
      %add3A_923 = arith.constant 4 : i32
      %add3A_924 = vector.broadcast %add3A_923 : i32 to vector<16xi32>
      %add3A_925 = arith.addi %iota3A_922, %add3A_924 : vector<16xi32>
      %and3A_926 = arith.constant 15 : i32
      %and3A_927 = vector.broadcast %and3A_926 : i32 to vector<16xi32>
      %and3A_928 = arith.andi %add3A_925, %and3A_927 : vector<16xi32>
      %lt3A_929 = arith.constant 0 : i32
      %lt3A_930 = vector.broadcast %lt3A_929 : i32 to vector<16xi32>
      %lt3A_931 = arith.cmpi slt, %and3A_928, %lt3A_930 : vector<16xi32>
      %add3A_932 = arith.constant 16 : i32
      %add3A_933 = vector.broadcast %add3A_932 : i32 to vector<16xi32>
      %add3A_934 = arith.addi %and3A_928, %add3A_933 : vector<16xi32>
      %select_n3A_935 = arith.select %lt3A_931, %add3A_934, %and3A_928 : vector<16xi1>, vector<16xi32>
      %broadcast_in_dim3A_936 = vector.shape_cast %select_n3A_935 : vector<16xi32> to vector<16x1xi32>
      %gather3A_937 = vector.shape_cast %broadcast_in_dim3A_936 : vector<16x1xi32> to vector<16xi32>
      %gather3A_938 = tpu.dynamic_gather %min3A_921[%gather3A_937] in [0] : vector<16xi32>, vector<16xi32> -> vector<16xi32>
      %min3A_939 = arith.minsi %min3A_921, %gather3A_938 : vector<16xi32>
      %iota3A_940 = tpu.iota {dimensions = array<i32: 0>} : vector<16xi32>
      %add3A_941 = arith.constant 8 : i32
      %add3A_942 = vector.broadcast %add3A_941 : i32 to vector<16xi32>
      %add3A_943 = arith.addi %iota3A_940, %add3A_942 : vector<16xi32>
      %and3A_944 = arith.constant 15 : i32
      %and3A_945 = vector.broadcast %and3A_944 : i32 to vector<16xi32>
      %and3A_946 = arith.andi %add3A_943, %and3A_945 : vector<16xi32>
      %lt3A_947 = arith.constant 0 : i32
      %lt3A_948 = vector.broadcast %lt3A_947 : i32 to vector<16xi32>
      %lt3A_949 = arith.cmpi slt, %and3A_946, %lt3A_948 : vector<16xi32>
      %add3A_950 = arith.constant 16 : i32
      %add3A_951 = vector.broadcast %add3A_950 : i32 to vector<16xi32>
      %add3A_952 = arith.addi %and3A_946, %add3A_951 : vector<16xi32>
      %select_n3A_953 = arith.select %lt3A_949, %add3A_952, %and3A_946 : vector<16xi1>, vector<16xi32>
      %broadcast_in_dim3A_954 = vector.shape_cast %select_n3A_953 : vector<16xi32> to vector<16x1xi32>
      %gather3A_955 = vector.shape_cast %broadcast_in_dim3A_954 : vector<16x1xi32> to vector<16xi32>
      %gather3A_956 = tpu.dynamic_gather %min3A_939[%gather3A_955] in [0] : vector<16xi32>, vector<16xi32> -> vector<16xi32>
      %min3A_957 = arith.minsi %min3A_939, %gather3A_956 : vector<16xi32>
      %slice3A_958 = vector.extract_strided_slice %min3A_957 {offsets = [0], sizes = [1], strides = [1]} : vector<16xi32> to vector<1xi32>
      %squeeze3A_959 = vector.extract %slice3A_958[0] : i32 from vector<1xi32>
      %iota3A_960 = tpu.iota {dimensions = array<i32: 0>} : vector<16xi32>
      %eq3A_961 = vector.broadcast %scan3A_799 : i32 to vector<16xi32>
      %eq3A_962 = arith.cmpi eq, %iota3A_960, %eq3A_961 : vector<16xi32>
      %slice3A_963 = vector.extract_strided_slice %max3A_878 {offsets = [0], sizes = [1], strides = [1]} : vector<16xf32> to vector<1xf32>
      %squeeze3A_964 = vector.extract %slice3A_963[0] : f32 from vector<1xf32>
      %broadcast_in_dim3A_965 = vector.broadcast %squeeze3A_964 : f32 to vector<16xf32>
      %select_n3A_966 = arith.select %eq3A_962, %broadcast_in_dim3A_965, %scan3A_800 : vector<16xi1>, vector<16xf32>
      %sub3A_967 = arith.constant 16 : i32
      %sub3A_968 = arith.subi %scan3A_799, %sub3A_967 : i32
      %eq3A_969 = vector.broadcast %sub3A_968 : i32 to vector<16xi32>
      %eq3A_970 = arith.cmpi eq, %iota3A_960, %eq3A_969 : vector<16xi32>
      %slice3A_971 = vector.extract_strided_slice %max3A_878 {offsets = [0], sizes = [1], strides = [1]} : vector<16xf32> to vector<1xf32>
      %squeeze3A_972 = vector.extract %slice3A_971[0] : f32 from vector<1xf32>
      %broadcast_in_dim3A_973 = vector.broadcast %squeeze3A_972 : f32 to vector<16xf32>
      %select_n3A_974 = arith.select %eq3A_970, %broadcast_in_dim3A_973, %scan3A_801 : vector<16xi1>, vector<16xf32>
      %eq3A_975 = vector.broadcast %scan3A_799 : i32 to vector<16xi32>
      %eq3A_976 = arith.cmpi eq, %iota3A_960, %eq3A_975 : vector<16xi32>
      %broadcast_in_dim3A_977 = vector.broadcast %squeeze3A_959 : i32 to vector<16xi32>
      %select_n3A_978 = arith.select %eq3A_976, %broadcast_in_dim3A_977, %scan3A_802 : vector<16xi1>, vector<16xi32>
      %sub3A_979 = arith.constant 16 : i32
      %sub3A_980 = arith.subi %scan3A_799, %sub3A_979 : i32
      %eq3A_981 = vector.broadcast %sub3A_980 : i32 to vector<16xi32>
      %eq3A_982 = arith.cmpi eq, %iota3A_960, %eq3A_981 : vector<16xi32>
      %broadcast_in_dim3A_983 = vector.broadcast %squeeze3A_959 : i32 to vector<16xi32>
      %select_n3A_984 = arith.select %eq3A_982, %broadcast_in_dim3A_983, %scan3A_803 : vector<16xi1>, vector<16xi32>
      scf.yield %select_n3A_966, %select_n3A_974, %select_n3A_978, %select_n3A_984 : vector<16xf32>, vector<16xf32>, vector<16xi32>, vector<16xi32>
    }
    %scan3A_69 = arith.constant 32 : i32
    %swap3A_70 = arith.constant 0 : index
    %swap3A_71 = tpu.vector_load %arg20[%swap3A_70] {strides = array<i32>} : memref<64xf32, #tpu.memory_space<vmem>>, vector<16xf32>,
    tpu.vector_store %arg20[%swap3A_70], %scan3A_68#0 {strides = array<i32>} : memref<64xf32, #tpu.memory_space<vmem>>, vector<16xf32>,
    %swap3A_72 = arith.constant 16 : index
    %swap3A_73 = tpu.vector_load %arg20[%swap3A_72] {strides = array<i32>} : memref<64xf32, #tpu.memory_space<vmem>>, vector<16xf32>,
    tpu.vector_store %arg20[%swap3A_72], %scan3A_68#1 {strides = array<i32>} : memref<64xf32, #tpu.memory_space<vmem>>, vector<16xf32>,
    %convert_element_type3A = arith.sitofp %scan3A_68#2 : vector<16xi32> to vector<16xf32>
    %swap3A_74 = arith.constant 32 : index
    %swap3A_75 = tpu.vector_load %arg20[%swap3A_74] {strides = array<i32>} : memref<64xf32, #tpu.memory_space<vmem>>, vector<16xf32>,
    tpu.vector_store %arg20[%swap3A_74], %convert_element_type3A {strides = array<i32>} : memref<64xf32, #tpu.memory_space<vmem>>, vector<16xf32>,
    %convert_element_type3A_76 = arith.sitofp %scan3A_68#3 : vector<16xi32> to vector<16xf32>
    %swap3A_77 = arith.constant 48 : index
    %swap3A_78 = tpu.vector_load %arg20[%swap3A_77] {strides = array<i32>} : memref<64xf32, #tpu.memory_space<vmem>>, vector<16xf32>,
    tpu.vector_store %arg20[%swap3A_77], %convert_element_type3A_76 {strides = array<i32>} : memref<64xf32, #tpu.memory_space<vmem>>, vector<16xf32>,
    %barrier3A = arith.constant 0 : index
    tpu.barrier barrier_id(%barrier3A)
    "tpu.region"() ({
      %run_scoped3A = tpu.sem_alloc : memref<!tpu.dma_semaphore, #tpu.memory_space<semaphore_mem>>
      %dma_start3A = arith.constant 0 : i32
      %dma_start3A_799 = tpu.memref_slice %arg24[%arg1, %dma_start3A] : memref<16x64xf32, #tpu.memory_space<vmem_shared>> -> memref<1x64xf32, #tpu.memory_space<vmem_shared>>
      %dma_start3A_800 = tpu.memref_squeeze %dma_start3A_799 : memref<1x64xf32, #tpu.memory_space<vmem_shared>> -> memref<64xf32, #tpu.memory_space<vmem_shared>>
      %dma_start3A_801 = arith.constant 0 : i32
      %dma_start3A_802 = tpu.memref_slice %arg24[%arg1, %dma_start3A_801] : memref<16x64xf32, #tpu.memory_space<vmem_shared>> -> memref<1x64xf32, #tpu.memory_space<vmem_shared>>
      %dma_start3A_803 = tpu.memref_squeeze %dma_start3A_802 : memref<1x64xf32, #tpu.memory_space<vmem_shared>> -> memref<64xf32, #tpu.memory_space<vmem_shared>>
      tpu.enqueue_dma source(%arg20 : memref<64xf32, #tpu.memory_space<vmem>>) target(%dma_start3A_803 : memref<64xf32, #tpu.memory_space<vmem_shared>>) target_semaphore(%run_scoped3A : memref<!tpu.dma_semaphore, #tpu.memory_space<semaphore_mem>>)
      %dma_wait3A = arith.constant 0 : i32
      %dma_wait3A_804 = tpu.memref_slice %arg24[%arg1, %dma_wait3A] : memref<16x64xf32, #tpu.memory_space<vmem_shared>> -> memref<1x64xf32, #tpu.memory_space<vmem_shared>>
      %dma_wait3A_805 = tpu.memref_squeeze %dma_wait3A_804 : memref<1x64xf32, #tpu.memory_space<vmem_shared>> -> memref<64xf32, #tpu.memory_space<vmem_shared>>
      %dma_wait3A_806 = arith.constant 0 : i32
      %dma_wait3A_807 = tpu.memref_slice %arg24[%arg1, %dma_wait3A_806] : memref<16x64xf32, #tpu.memory_space<vmem_shared>> -> memref<1x64xf32, #tpu.memory_space<vmem_shared>>
      %dma_wait3A_808 = tpu.memref_squeeze %dma_wait3A_807 : memref<1x64xf32, #tpu.memory_space<vmem_shared>> -> memref<64xf32, #tpu.memory_space<vmem_shared>>
      tpu.wait_dma2 semaphore(%run_scoped3A : memref<!tpu.dma_semaphore, #tpu.memory_space<semaphore_mem>>) src(%arg20 : memref<64xf32, #tpu.memory_space<vmem>>) dst(%dma_wait3A_808 : memref<64xf32, #tpu.memory_space<vmem_shared>>)
      tpu.yield
    }) : () -> ()
    %barrier3A_79 = arith.constant 0 : index
    tpu.barrier barrier_id(%barrier3A_79)
    %barrier3A_80 = arith.constant 0 : index
    tpu.barrier barrier_id(%barrier3A_80)
    %xor3A = arith.constant 8 : i32
    %xor3A_81 = arith.xori %arg1, %xor3A : i32
    "tpu.region"() ({
      %run_scoped3A = tpu.sem_alloc : memref<!tpu.dma_semaphore, #tpu.memory_space<semaphore_mem>>
      %dma_start3A = arith.constant 0 : i32
      %dma_start3A_799 = tpu.memref_slice %arg24[%xor3A_81, %dma_start3A] : memref<16x64xf32, #tpu.memory_space<vmem_shared>> -> memref<1x64xf32, #tpu.memory_space<vmem_shared>>
      %dma_start3A_800 = tpu.memref_squeeze %dma_start3A_799 : memref<1x64xf32, #tpu.memory_space<vmem_shared>> -> memref<64xf32, #tpu.memory_space<vmem_shared>>
      %dma_start3A_801 = arith.constant 0 : i32
      %dma_start3A_802 = tpu.memref_slice %arg24[%xor3A_81, %dma_start3A_801] : memref<16x64xf32, #tpu.memory_space<vmem_shared>> -> memref<1x64xf32, #tpu.memory_space<vmem_shared>>
      %dma_start3A_803 = tpu.memref_squeeze %dma_start3A_802 : memref<1x64xf32, #tpu.memory_space<vmem_shared>> -> memref<64xf32, #tpu.memory_space<vmem_shared>>
      tpu.enqueue_dma source(%dma_start3A_803 : memref<64xf32, #tpu.memory_space<vmem_shared>>) target(%arg21 : memref<64xf32, #tpu.memory_space<vmem>>) target_semaphore(%run_scoped3A : memref<!tpu.dma_semaphore, #tpu.memory_space<semaphore_mem>>)
      %dma_wait3A = arith.constant 0 : i32
      %dma_wait3A_804 = tpu.memref_slice %arg24[%xor3A_81, %dma_wait3A] : memref<16x64xf32, #tpu.memory_space<vmem_shared>> -> memref<1x64xf32, #tpu.memory_space<vmem_shared>>
      %dma_wait3A_805 = tpu.memref_squeeze %dma_wait3A_804 : memref<1x64xf32, #tpu.memory_space<vmem_shared>> -> memref<64xf32, #tpu.memory_space<vmem_shared>>
      %dma_wait3A_806 = arith.constant 0 : i32
      %dma_wait3A_807 = tpu.memref_slice %arg24[%xor3A_81, %dma_wait3A_806] : memref<16x64xf32, #tpu.memory_space<vmem_shared>> -> memref<1x64xf32, #tpu.memory_space<vmem_shared>>
      %dma_wait3A_808 = tpu.memref_squeeze %dma_wait3A_807 : memref<1x64xf32, #tpu.memory_space<vmem_shared>> -> memref<64xf32, #tpu.memory_space<vmem_shared>>
      tpu.wait_dma2 semaphore(%run_scoped3A : memref<!tpu.dma_semaphore, #tpu.memory_space<semaphore_mem>>) src(%dma_wait3A_808 : memref<64xf32, #tpu.memory_space<vmem_shared>>) dst(%arg21 : memref<64xf32, #tpu.memory_space<vmem>>)
      tpu.yield
    }) : () -> ()
    %barrier3A_82 = arith.constant 0 : index
    tpu.barrier barrier_id(%barrier3A_82)
    %get3A_83 = arith.constant 0 : index
    %get3A_84 = tpu.vector_load %arg21[%get3A_83] {strides = array<i32>} : memref<64xf32, #tpu.memory_space<vmem>>, vector<16xf32>,
    %get3A_85 = arith.constant 16 : index
    %get3A_86 = tpu.vector_load %arg21[%get3A_85] {strides = array<i32>} : memref<64xf32, #tpu.memory_space<vmem>>, vector<16xf32>,
    %get3A_87 = arith.constant 32 : index
    %get3A_88 = tpu.vector_load %arg21[%get3A_87] {strides = array<i32>} : memref<64xf32, #tpu.memory_space<vmem>>, vector<16xf32>,
    %convert_element_type3A_89 = arith.fptosi %get3A_88 : vector<16xf32> to vector<16xi32>
    %get3A_90 = arith.constant 48 : index
    %get3A_91 = tpu.vector_load %arg21[%get3A_90] {strides = array<i32>} : memref<64xf32, #tpu.memory_space<vmem>>, vector<16xf32>,
    %convert_element_type3A_92 = arith.fptosi %get3A_91 : vector<16xf32> to vector<16xi32>
    %eq3A = arith.constant 0 : i32
    %eq3A_93 = arith.cmpi eq, %shift_right_arithmetic3A_2, %eq3A : i32
    %select_n3A = arith.select %eq3A_93, %scan3A_68#0, %get3A_84 : vector<16xf32>
    %select_n3A_94 = arith.select %eq3A_93, %get3A_84, %scan3A_68#0 : vector<16xf32>
    %select_n3A_95 = arith.select %eq3A_93, %scan3A_68#2, %convert_element_type3A_89 : vector<16xi32>
    %select_n3A_96 = arith.select %eq3A_93, %convert_element_type3A_89, %scan3A_68#2 : vector<16xi32>
    %ge3A = arith.cmpf oge, %select_n3A, %select_n3A_94 : vector<16xf32>
    %select_n3A_97 = arith.select %ge3A, %select_n3A_95, %select_n3A_96 : vector<16xi1>, vector<16xi32>
    %select_n3A_98 = arith.select %eq3A_93, %scan3A_68#1, %get3A_86 : vector<16xf32>
    %select_n3A_99 = arith.select %eq3A_93, %get3A_86, %scan3A_68#1 : vector<16xf32>
    %select_n3A_100 = arith.select %eq3A_93, %scan3A_68#3, %convert_element_type3A_92 : vector<16xi32>
    %select_n3A_101 = arith.select %eq3A_93, %convert_element_type3A_92, %scan3A_68#3 : vector<16xi32>
    %ge3A_102 = arith.cmpf oge, %select_n3A_98, %select_n3A_99 : vector<16xf32>
    %select_n3A_103 = arith.select %ge3A_102, %select_n3A_100, %select_n3A_101 : vector<16xi1>, vector<16xi32>
    %iota3A = tpu.iota {dimensions = array<i32: 0>} : vector<16xi32>
    %ge3A_104 = vector.broadcast %mul3A_4 : i32 to vector<16xi32>
    %ge3A_105 = arith.cmpi sge, %select_n3A_97, %ge3A_104 : vector<16xi32>
    %add3A_106 = arith.constant 8448 : i32
    %add3A_107 = arith.addi %mul3A_4, %add3A_106 : i32
    %lt3A = vector.broadcast %add3A_107 : i32 to vector<16xi32>
    %lt3A_108 = arith.cmpi slt, %select_n3A_97, %lt3A : vector<16xi32>
    %and3A_109 = arith.andi %ge3A_105, %lt3A_108 : vector<16xi1>
    %ge3A_110 = vector.broadcast %mul3A_4 : i32 to vector<16xi32>
    %ge3A_111 = arith.cmpi sge, %select_n3A_103, %ge3A_110 : vector<16xi32>
    %add3A_112 = arith.constant 8448 : i32
    %add3A_113 = arith.addi %mul3A_4, %add3A_112 : i32
    %lt3A_114 = vector.broadcast %add3A_113 : i32 to vector<16xi32>
    %lt3A_115 = arith.cmpi slt, %select_n3A_103, %lt3A_114 : vector<16xi32>
    %and3A_116 = arith.andi %ge3A_111, %lt3A_115 : vector<16xi1>
    %sub3A_117 = vector.broadcast %mul3A_4 : i32 to vector<16xi32>
    %sub3A_118 = arith.subi %select_n3A_97, %sub3A_117 : vector<16xi32>
    %jit3A = arith.constant 0 : i32
    %jit3A_119 = arith.constant 8447 : i32
    %max3A = vector.broadcast %jit3A : i32 to vector<16xi32>
    %max3A_120 = arith.maxsi %max3A, %sub3A_118 : vector<16xi32>
    %min3A = vector.broadcast %jit3A_119 : i32 to vector<16xi32>
    %min3A_121 = arith.minsi %min3A, %max3A_120 : vector<16xi32>
    %sub3A_122 = vector.broadcast %mul3A_4 : i32 to vector<16xi32>
    %sub3A_123 = arith.subi %select_n3A_103, %sub3A_122 : vector<16xi32>
    %jit3A_124 = arith.constant 0 : i32
    %jit3A_125 = arith.constant 8447 : i32
    %max3A_126 = vector.broadcast %jit3A_124 : i32 to vector<16xi32>
    %max3A_127 = arith.maxsi %max3A_126, %sub3A_123 : vector<16xi32>
    %min3A_128 = vector.broadcast %jit3A_125 : i32 to vector<16xi32>
    %min3A_129 = arith.minsi %min3A_128, %max3A_127 : vector<16xi32>
    %broadcast_in_dim3A_130 = arith.constant 2.000000e+00 : f32
    %broadcast_in_dim3A_131 = vector.broadcast %broadcast_in_dim3A_130 : f32 to vector<16xf32>
    tpu.vector_store_idx %arg13[%min3A_121], %broadcast_in_dim3A_131 masked %and3A_109 : memref<8448xf32, #tpu.memory_space<vmem>>[vector<16xi32>], vector<16xf32>, vector<16xi1>
    tpu.vector_store_idx %arg13[%min3A_129], %broadcast_in_dim3A_131 masked %and3A_116 : memref<8448xf32, #tpu.memory_space<vmem>>[vector<16xi32>], vector<16xf32>, vector<16xi1>
    %eq3A_132 = arith.constant 0 : i32
    %eq3A_133 = vector.broadcast %eq3A_132 : i32 to vector<16xi32>
    %eq3A_134 = arith.cmpi eq, %iota3A, %eq3A_133 : vector<16xi32>
    %and3A_135 = arith.andi %and3A_109, %eq3A_134 : vector<16xi1>
    tpu.vector_store_idx %arg14[%min3A_121], %iota3A masked %and3A_135 : memref<8448xi32, #tpu.memory_space<vmem>>[vector<16xi32>], vector<16xi32>, vector<16xi1>
    %eq3A_136 = arith.constant 1 : i32
    %eq3A_137 = vector.broadcast %eq3A_136 : i32 to vector<16xi32>
    %eq3A_138 = arith.cmpi eq, %iota3A, %eq3A_137 : vector<16xi32>
    %and3A_139 = arith.andi %and3A_109, %eq3A_138 : vector<16xi1>
    tpu.vector_store_idx %arg14[%min3A_121], %iota3A masked %and3A_139 : memref<8448xi32, #tpu.memory_space<vmem>>[vector<16xi32>], vector<16xi32>, vector<16xi1>
    %eq3A_140 = arith.constant 2 : i32
    %eq3A_141 = vector.broadcast %eq3A_140 : i32 to vector<16xi32>
    %eq3A_142 = arith.cmpi eq, %iota3A, %eq3A_141 : vector<16xi32>
    %and3A_143 = arith.andi %and3A_109, %eq3A_142 : vector<16xi1>
    tpu.vector_store_idx %arg14[%min3A_121], %iota3A masked %and3A_143 : memref<8448xi32, #tpu.memory_space<vmem>>[vector<16xi32>], vector<16xi32>, vector<16xi1>
    %eq3A_144 = arith.constant 3 : i32
    %eq3A_145 = vector.broadcast %eq3A_144 : i32 to vector<16xi32>
    %eq3A_146 = arith.cmpi eq, %iota3A, %eq3A_145 : vector<16xi32>
    %and3A_147 = arith.andi %and3A_109, %eq3A_146 : vector<16xi1>
    tpu.vector_store_idx %arg14[%min3A_121], %iota3A masked %and3A_147 : memref<8448xi32, #tpu.memory_space<vmem>>[vector<16xi32>], vector<16xi32>, vector<16xi1>
    %eq3A_148 = arith.constant 4 : i32
    %eq3A_149 = vector.broadcast %eq3A_148 : i32 to vector<16xi32>
    %eq3A_150 = arith.cmpi eq, %iota3A, %eq3A_149 : vector<16xi32>
    %and3A_151 = arith.andi %and3A_109, %eq3A_150 : vector<16xi1>
    tpu.vector_store_idx %arg14[%min3A_121], %iota3A masked %and3A_151 : memref<8448xi32, #tpu.memory_space<vmem>>[vector<16xi32>], vector<16xi32>, vector<16xi1>
    %eq3A_152 = arith.constant 5 : i32
    %eq3A_153 = vector.broadcast %eq3A_152 : i32 to vector<16xi32>
    %eq3A_154 = arith.cmpi eq, %iota3A, %eq3A_153 : vector<16xi32>
    %and3A_155 = arith.andi %and3A_109, %eq3A_154 : vector<16xi1>
    tpu.vector_store_idx %arg14[%min3A_121], %iota3A masked %and3A_155 : memref<8448xi32, #tpu.memory_space<vmem>>[vector<16xi32>], vector<16xi32>, vector<16xi1>
    %eq3A_156 = arith.constant 6 : i32
    %eq3A_157 = vector.broadcast %eq3A_156 : i32 to vector<16xi32>
    %eq3A_158 = arith.cmpi eq, %iota3A, %eq3A_157 : vector<16xi32>
    %and3A_159 = arith.andi %and3A_109, %eq3A_158 : vector<16xi1>
    tpu.vector_store_idx %arg14[%min3A_121], %iota3A masked %and3A_159 : memref<8448xi32, #tpu.memory_space<vmem>>[vector<16xi32>], vector<16xi32>, vector<16xi1>
    %eq3A_160 = arith.constant 7 : i32
    %eq3A_161 = vector.broadcast %eq3A_160 : i32 to vector<16xi32>
    %eq3A_162 = arith.cmpi eq, %iota3A, %eq3A_161 : vector<16xi32>
    %and3A_163 = arith.andi %and3A_109, %eq3A_162 : vector<16xi1>
    tpu.vector_store_idx %arg14[%min3A_121], %iota3A masked %and3A_163 : memref<8448xi32, #tpu.memory_space<vmem>>[vector<16xi32>], vector<16xi32>, vector<16xi1>
    %eq3A_164 = arith.constant 8 : i32
    %eq3A_165 = vector.broadcast %eq3A_164 : i32 to vector<16xi32>
    %eq3A_166 = arith.cmpi eq, %iota3A, %eq3A_165 : vector<16xi32>
    %and3A_167 = arith.andi %and3A_109, %eq3A_166 : vector<16xi1>
    tpu.vector_store_idx %arg14[%min3A_121], %iota3A masked %and3A_167 : memref<8448xi32, #tpu.memory_space<vmem>>[vector<16xi32>], vector<16xi32>, vector<16xi1>
    %eq3A_168 = arith.constant 9 : i32
    %eq3A_169 = vector.broadcast %eq3A_168 : i32 to vector<16xi32>
    %eq3A_170 = arith.cmpi eq, %iota3A, %eq3A_169 : vector<16xi32>
    %and3A_171 = arith.andi %and3A_109, %eq3A_170 : vector<16xi1>
    tpu.vector_store_idx %arg14[%min3A_121], %iota3A masked %and3A_171 : memref<8448xi32, #tpu.memory_space<vmem>>[vector<16xi32>], vector<16xi32>, vector<16xi1>
    %eq3A_172 = arith.constant 10 : i32
    %eq3A_173 = vector.broadcast %eq3A_172 : i32 to vector<16xi32>
    %eq3A_174 = arith.cmpi eq, %iota3A, %eq3A_173 : vector<16xi32>
    %and3A_175 = arith.andi %and3A_109, %eq3A_174 : vector<16xi1>
    tpu.vector_store_idx %arg14[%min3A_121], %iota3A masked %and3A_175 : memref<8448xi32, #tpu.memory_space<vmem>>[vector<16xi32>], vector<16xi32>, vector<16xi1>
    %eq3A_176 = arith.constant 11 : i32
    %eq3A_177 = vector.broadcast %eq3A_176 : i32 to vector<16xi32>
    %eq3A_178 = arith.cmpi eq, %iota3A, %eq3A_177 : vector<16xi32>
    %and3A_179 = arith.andi %and3A_109, %eq3A_178 : vector<16xi1>
    tpu.vector_store_idx %arg14[%min3A_121], %iota3A masked %and3A_179 : memref<8448xi32, #tpu.memory_space<vmem>>[vector<16xi32>], vector<16xi32>, vector<16xi1>
    %eq3A_180 = arith.constant 12 : i32
    %eq3A_181 = vector.broadcast %eq3A_180 : i32 to vector<16xi32>
    %eq3A_182 = arith.cmpi eq, %iota3A, %eq3A_181 : vector<16xi32>
    %and3A_183 = arith.andi %and3A_109, %eq3A_182 : vector<16xi1>
    tpu.vector_store_idx %arg14[%min3A_121], %iota3A masked %and3A_183 : memref<8448xi32, #tpu.memory_space<vmem>>[vector<16xi32>], vector<16xi32>, vector<16xi1>
    %eq3A_184 = arith.constant 13 : i32
    %eq3A_185 = vector.broadcast %eq3A_184 : i32 to vector<16xi32>
    %eq3A_186 = arith.cmpi eq, %iota3A, %eq3A_185 : vector<16xi32>
    %and3A_187 = arith.andi %and3A_109, %eq3A_186 : vector<16xi1>
    tpu.vector_store_idx %arg14[%min3A_121], %iota3A masked %and3A_187 : memref<8448xi32, #tpu.memory_space<vmem>>[vector<16xi32>], vector<16xi32>, vector<16xi1>
    %eq3A_188 = arith.constant 14 : i32
    %eq3A_189 = vector.broadcast %eq3A_188 : i32 to vector<16xi32>
    %eq3A_190 = arith.cmpi eq, %iota3A, %eq3A_189 : vector<16xi32>
    %and3A_191 = arith.andi %and3A_109, %eq3A_190 : vector<16xi1>
    tpu.vector_store_idx %arg14[%min3A_121], %iota3A masked %and3A_191 : memref<8448xi32, #tpu.memory_space<vmem>>[vector<16xi32>], vector<16xi32>, vector<16xi1>
    %eq3A_192 = arith.constant 15 : i32
    %eq3A_193 = vector.broadcast %eq3A_192 : i32 to vector<16xi32>
    %eq3A_194 = arith.cmpi eq, %iota3A, %eq3A_193 : vector<16xi32>
    %and3A_195 = arith.andi %and3A_109, %eq3A_194 : vector<16xi1>
    tpu.vector_store_idx %arg14[%min3A_121], %iota3A masked %and3A_195 : memref<8448xi32, #tpu.memory_space<vmem>>[vector<16xi32>], vector<16xi32>, vector<16xi1>
    %add3A_196 = arith.constant 16 : i32
    %add3A_197 = vector.broadcast %add3A_196 : i32 to vector<16xi32>
    %add3A_198 = arith.addi %iota3A, %add3A_197 : vector<16xi32>
    %eq3A_199 = arith.constant 0 : i32
    %eq3A_200 = vector.broadcast %eq3A_199 : i32 to vector<16xi32>
    %eq3A_201 = arith.cmpi eq, %iota3A, %eq3A_200 : vector<16xi32>
    %and3A_202 = arith.andi %and3A_116, %eq3A_201 : vector<16xi1>
    tpu.vector_store_idx %arg14[%min3A_129], %add3A_198 masked %and3A_202 : memref<8448xi32, #tpu.memory_space<vmem>>[vector<16xi32>], vector<16xi32>, vector<16xi1>
    %add3A_203 = arith.constant 16 : i32
    %add3A_204 = vector.broadcast %add3A_203 : i32 to vector<16xi32>
    %add3A_205 = arith.addi %iota3A, %add3A_204 : vector<16xi32>
    %eq3A_206 = arith.constant 1 : i32
    %eq3A_207 = vector.broadcast %eq3A_206 : i32 to vector<16xi32>
    %eq3A_208 = arith.cmpi eq, %iota3A, %eq3A_207 : vector<16xi32>
    %and3A_209 = arith.andi %and3A_116, %eq3A_208 : vector<16xi1>
    tpu.vector_store_idx %arg14[%min3A_129], %add3A_205 masked %and3A_209 : memref<8448xi32, #tpu.memory_space<vmem>>[vector<16xi32>], vector<16xi32>, vector<16xi1>
    %add3A_210 = arith.constant 16 : i32
    %add3A_211 = vector.broadcast %add3A_210 : i32 to vector<16xi32>
    %add3A_212 = arith.addi %iota3A, %add3A_211 : vector<16xi32>
    %eq3A_213 = arith.constant 2 : i32
    %eq3A_214 = vector.broadcast %eq3A_213 : i32 to vector<16xi32>
    %eq3A_215 = arith.cmpi eq, %iota3A, %eq3A_214 : vector<16xi32>
    %and3A_216 = arith.andi %and3A_116, %eq3A_215 : vector<16xi1>
    tpu.vector_store_idx %arg14[%min3A_129], %add3A_212 masked %and3A_216 : memref<8448xi32, #tpu.memory_space<vmem>>[vector<16xi32>], vector<16xi32>, vector<16xi1>
    %add3A_217 = arith.constant 16 : i32
    %add3A_218 = vector.broadcast %add3A_217 : i32 to vector<16xi32>
    %add3A_219 = arith.addi %iota3A, %add3A_218 : vector<16xi32>
    %eq3A_220 = arith.constant 3 : i32
    %eq3A_221 = vector.broadcast %eq3A_220 : i32 to vector<16xi32>
    %eq3A_222 = arith.cmpi eq, %iota3A, %eq3A_221 : vector<16xi32>
    %and3A_223 = arith.andi %and3A_116, %eq3A_222 : vector<16xi1>
    tpu.vector_store_idx %arg14[%min3A_129], %add3A_219 masked %and3A_223 : memref<8448xi32, #tpu.memory_space<vmem>>[vector<16xi32>], vector<16xi32>, vector<16xi1>
    %add3A_224 = arith.constant 16 : i32
    %add3A_225 = vector.broadcast %add3A_224 : i32 to vector<16xi32>
    %add3A_226 = arith.addi %iota3A, %add3A_225 : vector<16xi32>
    %eq3A_227 = arith.constant 4 : i32
    %eq3A_228 = vector.broadcast %eq3A_227 : i32 to vector<16xi32>
    %eq3A_229 = arith.cmpi eq, %iota3A, %eq3A_228 : vector<16xi32>
    %and3A_230 = arith.andi %and3A_116, %eq3A_229 : vector<16xi1>
    tpu.vector_store_idx %arg14[%min3A_129], %add3A_226 masked %and3A_230 : memref<8448xi32, #tpu.memory_space<vmem>>[vector<16xi32>], vector<16xi32>, vector<16xi1>
    %add3A_231 = arith.constant 16 : i32
    %add3A_232 = vector.broadcast %add3A_231 : i32 to vector<16xi32>
    %add3A_233 = arith.addi %iota3A, %add3A_232 : vector<16xi32>
    %eq3A_234 = arith.constant 5 : i32
    %eq3A_235 = vector.broadcast %eq3A_234 : i32 to vector<16xi32>
    %eq3A_236 = arith.cmpi eq, %iota3A, %eq3A_235 : vector<16xi32>
    %and3A_237 = arith.andi %and3A_116, %eq3A_236 : vector<16xi1>
    tpu.vector_store_idx %arg14[%min3A_129], %add3A_233 masked %and3A_237 : memref<8448xi32, #tpu.memory_space<vmem>>[vector<16xi32>], vector<16xi32>, vector<16xi1>
    %add3A_238 = arith.constant 16 : i32
    %add3A_239 = vector.broadcast %add3A_238 : i32 to vector<16xi32>
    %add3A_240 = arith.addi %iota3A, %add3A_239 : vector<16xi32>
    %eq3A_241 = arith.constant 6 : i32
    %eq3A_242 = vector.broadcast %eq3A_241 : i32 to vector<16xi32>
    %eq3A_243 = arith.cmpi eq, %iota3A, %eq3A_242 : vector<16xi32>
    %and3A_244 = arith.andi %and3A_116, %eq3A_243 : vector<16xi1>
    tpu.vector_store_idx %arg14[%min3A_129], %add3A_240 masked %and3A_244 : memref<8448xi32, #tpu.memory_space<vmem>>[vector<16xi32>], vector<16xi32>, vector<16xi1>
    %add3A_245 = arith.constant 16 : i32
    %add3A_246 = vector.broadcast %add3A_245 : i32 to vector<16xi32>
    %add3A_247 = arith.addi %iota3A, %add3A_246 : vector<16xi32>
    %eq3A_248 = arith.constant 7 : i32
    %eq3A_249 = vector.broadcast %eq3A_248 : i32 to vector<16xi32>
    %eq3A_250 = arith.cmpi eq, %iota3A, %eq3A_249 : vector<16xi32>
    %and3A_251 = arith.andi %and3A_116, %eq3A_250 : vector<16xi1>
    tpu.vector_store_idx %arg14[%min3A_129], %add3A_247 masked %and3A_251 : memref<8448xi32, #tpu.memory_space<vmem>>[vector<16xi32>], vector<16xi32>, vector<16xi1>
    %add3A_252 = arith.constant 16 : i32
    %add3A_253 = vector.broadcast %add3A_252 : i32 to vector<16xi32>
    %add3A_254 = arith.addi %iota3A, %add3A_253 : vector<16xi32>
    %eq3A_255 = arith.constant 8 : i32
    %eq3A_256 = vector.broadcast %eq3A_255 : i32 to vector<16xi32>
    %eq3A_257 = arith.cmpi eq, %iota3A, %eq3A_256 : vector<16xi32>
    %and3A_258 = arith.andi %and3A_116, %eq3A_257 : vector<16xi1>
    tpu.vector_store_idx %arg14[%min3A_129], %add3A_254 masked %and3A_258 : memref<8448xi32, #tpu.memory_space<vmem>>[vector<16xi32>], vector<16xi32>, vector<16xi1>
    %add3A_259 = arith.constant 16 : i32
    %add3A_260 = vector.broadcast %add3A_259 : i32 to vector<16xi32>
    %add3A_261 = arith.addi %iota3A, %add3A_260 : vector<16xi32>
    %eq3A_262 = arith.constant 9 : i32
    %eq3A_263 = vector.broadcast %eq3A_262 : i32 to vector<16xi32>
    %eq3A_264 = arith.cmpi eq, %iota3A, %eq3A_263 : vector<16xi32>
    %and3A_265 = arith.andi %and3A_116, %eq3A_264 : vector<16xi1>
    tpu.vector_store_idx %arg14[%min3A_129], %add3A_261 masked %and3A_265 : memref<8448xi32, #tpu.memory_space<vmem>>[vector<16xi32>], vector<16xi32>, vector<16xi1>
    %add3A_266 = arith.constant 16 : i32
    %add3A_267 = vector.broadcast %add3A_266 : i32 to vector<16xi32>
    %add3A_268 = arith.addi %iota3A, %add3A_267 : vector<16xi32>
    %eq3A_269 = arith.constant 10 : i32
    %eq3A_270 = vector.broadcast %eq3A_269 : i32 to vector<16xi32>
    %eq3A_271 = arith.cmpi eq, %iota3A, %eq3A_270 : vector<16xi32>
    %and3A_272 = arith.andi %and3A_116, %eq3A_271 : vector<16xi1>
    tpu.vector_store_idx %arg14[%min3A_129], %add3A_268 masked %and3A_272 : memref<8448xi32, #tpu.memory_space<vmem>>[vector<16xi32>], vector<16xi32>, vector<16xi1>
    %add3A_273 = arith.constant 16 : i32
    %add3A_274 = vector.broadcast %add3A_273 : i32 to vector<16xi32>
    %add3A_275 = arith.addi %iota3A, %add3A_274 : vector<16xi32>
    %eq3A_276 = arith.constant 11 : i32
    %eq3A_277 = vector.broadcast %eq3A_276 : i32 to vector<16xi32>
    %eq3A_278 = arith.cmpi eq, %iota3A, %eq3A_277 : vector<16xi32>
    %and3A_279 = arith.andi %and3A_116, %eq3A_278 : vector<16xi1>
    tpu.vector_store_idx %arg14[%min3A_129], %add3A_275 masked %and3A_279 : memref<8448xi32, #tpu.memory_space<vmem>>[vector<16xi32>], vector<16xi32>, vector<16xi1>
    %add3A_280 = arith.constant 16 : i32
    %add3A_281 = vector.broadcast %add3A_280 : i32 to vector<16xi32>
    %add3A_282 = arith.addi %iota3A, %add3A_281 : vector<16xi32>
    %eq3A_283 = arith.constant 12 : i32
    %eq3A_284 = vector.broadcast %eq3A_283 : i32 to vector<16xi32>
    %eq3A_285 = arith.cmpi eq, %iota3A, %eq3A_284 : vector<16xi32>
    %and3A_286 = arith.andi %and3A_116, %eq3A_285 : vector<16xi1>
    tpu.vector_store_idx %arg14[%min3A_129], %add3A_282 masked %and3A_286 : memref<8448xi32, #tpu.memory_space<vmem>>[vector<16xi32>], vector<16xi32>, vector<16xi1>
    %add3A_287 = arith.constant 16 : i32
    %add3A_288 = vector.broadcast %add3A_287 : i32 to vector<16xi32>
    %add3A_289 = arith.addi %iota3A, %add3A_288 : vector<16xi32>
    %eq3A_290 = arith.constant 13 : i32
    %eq3A_291 = vector.broadcast %eq3A_290 : i32 to vector<16xi32>
    %eq3A_292 = arith.cmpi eq, %iota3A, %eq3A_291 : vector<16xi32>
    %and3A_293 = arith.andi %and3A_116, %eq3A_292 : vector<16xi1>
    tpu.vector_store_idx %arg14[%min3A_129], %add3A_289 masked %and3A_293 : memref<8448xi32, #tpu.memory_space<vmem>>[vector<16xi32>], vector<16xi32>, vector<16xi1>
    %add3A_294 = arith.constant 16 : i32
    %add3A_295 = vector.broadcast %add3A_294 : i32 to vector<16xi32>
    %add3A_296 = arith.addi %iota3A, %add3A_295 : vector<16xi32>
    %eq3A_297 = arith.constant 14 : i32
    %eq3A_298 = vector.broadcast %eq3A_297 : i32 to vector<16xi32>
    %eq3A_299 = arith.cmpi eq, %iota3A, %eq3A_298 : vector<16xi32>
    %and3A_300 = arith.andi %and3A_116, %eq3A_299 : vector<16xi1>
    tpu.vector_store_idx %arg14[%min3A_129], %add3A_296 masked %and3A_300 : memref<8448xi32, #tpu.memory_space<vmem>>[vector<16xi32>], vector<16xi32>, vector<16xi1>
    %add3A_301 = arith.constant 16 : i32
    %add3A_302 = vector.broadcast %add3A_301 : i32 to vector<16xi32>
    %add3A_303 = arith.addi %iota3A, %add3A_302 : vector<16xi32>
    %eq3A_304 = arith.constant 15 : i32
    %eq3A_305 = vector.broadcast %eq3A_304 : i32 to vector<16xi32>
    %eq3A_306 = arith.cmpi eq, %iota3A, %eq3A_305 : vector<16xi32>
    %and3A_307 = arith.andi %and3A_116, %eq3A_306 : vector<16xi1>
    tpu.vector_store_idx %arg14[%min3A_129], %add3A_303 masked %and3A_307 : memref<8448xi32, #tpu.memory_space<vmem>>[vector<16xi32>], vector<16xi32>, vector<16xi1>
    %broadcast_in_dim3A_308 = arith.constant 0.000000e+00 : f32
    %broadcast_in_dim3A_309 = vector.broadcast %broadcast_in_dim3A_308 : f32 to vector<16xf32>
    %scan3A_310 = arith.constant 0 : i32
    %scan3A_311 = arith.constant 6 : i32
    %scan3A_312 = arith.addi %scan3A_310, %scan3A_311 : i32
    %scan3A_313 = arith.constant 1 : i32
    %scan3A_314:4 = scf.for %scan3A_799 = %scan3A_310 to %scan3A_312 step %scan3A_313 iter_args(%scan3A_800 = %broadcast_in_dim3A_309, %scan3A_801 = %broadcast_in_dim3A_309, %scan3A_802 = %broadcast_in_dim3A_309, %scan3A_803 = %broadcast_in_dim3A_309) -> (vector<16xf32>, vector<16xf32>, vector<16xf32>, vector<16xf32>)  : i32 {
      %mul3A_804 = arith.constant 1408 : i32
      %mul3A_805 = arith.muli %scan3A_799, %mul3A_804 : i32
      %add3A_806 = arith.addi %mul3A_4, %mul3A_805 : i32
      "tpu.region"() ({
        %run_scoped3A = tpu.sem_alloc : memref<!tpu.dma_semaphore, #tpu.memory_space<semaphore_mem>>
        %dma_start3A = arith.constant 0 : i32
        %dma_start3A_816 = tpu.memref_slice %arg5[%dma_start3A, %add3A_806] : memref<4x16896xf32, #tpu.memory_space<hbm>> -> memref<4x1408xf32, #tpu.memory_space<hbm>>
        %dma_start3A_817 = arith.constant 0 : i32
        %dma_start3A_818 = tpu.memref_slice %arg5[%dma_start3A_817, %add3A_806] : memref<4x16896xf32, #tpu.memory_space<hbm>> -> memref<4x1408xf32, #tpu.memory_space<hbm>>
        tpu.enqueue_dma source(%dma_start3A_818 : memref<4x1408xf32, #tpu.memory_space<hbm>>) target(%arg8 : memref<4x1408xf32, #tpu.memory_space<vmem>>) target_semaphore(%run_scoped3A : memref<!tpu.dma_semaphore, #tpu.memory_space<semaphore_mem>>)
        %dma_wait3A = arith.constant 0 : i32
        %dma_wait3A_819 = tpu.memref_slice %arg5[%dma_wait3A, %add3A_806] : memref<4x16896xf32, #tpu.memory_space<hbm>> -> memref<4x1408xf32, #tpu.memory_space<hbm>>
        %dma_wait3A_820 = arith.constant 0 : i32
        %dma_wait3A_821 = tpu.memref_slice %arg5[%dma_wait3A_820, %add3A_806] : memref<4x16896xf32, #tpu.memory_space<hbm>> -> memref<4x1408xf32, #tpu.memory_space<hbm>>
        tpu.wait_dma2 semaphore(%run_scoped3A : memref<!tpu.dma_semaphore, #tpu.memory_space<semaphore_mem>>) src(%dma_wait3A_821 : memref<4x1408xf32, #tpu.memory_space<hbm>>) dst(%arg8 : memref<4x1408xf32, #tpu.memory_space<vmem>>)
        tpu.yield
      }) : () -> ()
      %add3A_807 = arith.addi %mul3A_4, %mul3A_805 : i32
      "tpu.region"() ({
        %run_scoped3A = tpu.sem_alloc : memref<!tpu.dma_semaphore, #tpu.memory_space<semaphore_mem>>
        %dma_start3A = arith.constant 0 : i32
        %dma_start3A_816 = tpu.memref_slice %arg2[%add3A, %dma_start3A, %add3A_807] : memref<16x2x16896xf32, #tpu.memory_space<hbm>> -> memref<1x2x1408xf32, #tpu.memory_space<hbm>>
        %dma_start3A_817 = tpu.memref_squeeze %dma_start3A_816 : memref<1x2x1408xf32, #tpu.memory_space<hbm>> -> memref<2x1408xf32, #tpu.memory_space<hbm>>
        %dma_start3A_818 = arith.constant 0 : i32
        %dma_start3A_819 = tpu.memref_slice %arg2[%add3A, %dma_start3A_818, %add3A_807] : memref<16x2x16896xf32, #tpu.memory_space<hbm>> -> memref<1x2x1408xf32, #tpu.memory_space<hbm>>
        %dma_start3A_820 = tpu.memref_squeeze %dma_start3A_819 : memref<1x2x1408xf32, #tpu.memory_space<hbm>> -> memref<2x1408xf32, #tpu.memory_space<hbm>>
        tpu.enqueue_dma source(%dma_start3A_820 : memref<2x1408xf32, #tpu.memory_space<hbm>>) target(%arg9 : memref<2x1408xf32, #tpu.memory_space<vmem>>) target_semaphore(%run_scoped3A : memref<!tpu.dma_semaphore, #tpu.memory_space<semaphore_mem>>)
        %dma_wait3A = arith.constant 0 : i32
        %dma_wait3A_821 = tpu.memref_slice %arg2[%add3A, %dma_wait3A, %add3A_807] : memref<16x2x16896xf32, #tpu.memory_space<hbm>> -> memref<1x2x1408xf32, #tpu.memory_space<hbm>>
        %dma_wait3A_822 = tpu.memref_squeeze %dma_wait3A_821 : memref<1x2x1408xf32, #tpu.memory_space<hbm>> -> memref<2x1408xf32, #tpu.memory_space<hbm>>
        %dma_wait3A_823 = arith.constant 0 : i32
        %dma_wait3A_824 = tpu.memref_slice %arg2[%add3A, %dma_wait3A_823, %add3A_807] : memref<16x2x16896xf32, #tpu.memory_space<hbm>> -> memref<1x2x1408xf32, #tpu.memory_space<hbm>>
        %dma_wait3A_825 = tpu.memref_squeeze %dma_wait3A_824 : memref<1x2x1408xf32, #tpu.memory_space<hbm>> -> memref<2x1408xf32, #tpu.memory_space<hbm>>
        tpu.wait_dma2 semaphore(%run_scoped3A : memref<!tpu.dma_semaphore, #tpu.memory_space<semaphore_mem>>) src(%dma_wait3A_825 : memref<2x1408xf32, #tpu.memory_space<hbm>>) dst(%arg9 : memref<2x1408xf32, #tpu.memory_space<vmem>>)
        tpu.yield
      }) : () -> ()
      %add3A_808 = arith.addi %mul3A_4, %mul3A_805 : i32
      "tpu.region"() ({
        %run_scoped3A = tpu.sem_alloc : memref<!tpu.dma_semaphore, #tpu.memory_space<semaphore_mem>>
        %dma_start3A = arith.constant 0 : i32
        %dma_start3A_816 = tpu.memref_slice %arg3[%add3A, %dma_start3A, %add3A_808] : memref<16x4x16896xf32, #tpu.memory_space<hbm>> -> memref<1x4x1408xf32, #tpu.memory_space<hbm>>
        %dma_start3A_817 = tpu.memref_squeeze %dma_start3A_816 : memref<1x4x1408xf32, #tpu.memory_space<hbm>> -> memref<4x1408xf32, #tpu.memory_space<hbm>>
        %dma_start3A_818 = arith.constant 0 : i32
        %dma_start3A_819 = tpu.memref_slice %arg3[%add3A, %dma_start3A_818, %add3A_808] : memref<16x4x16896xf32, #tpu.memory_space<hbm>> -> memref<1x4x1408xf32, #tpu.memory_space<hbm>>
        %dma_start3A_820 = tpu.memref_squeeze %dma_start3A_819 : memref<1x4x1408xf32, #tpu.memory_space<hbm>> -> memref<4x1408xf32, #tpu.memory_space<hbm>>
        tpu.enqueue_dma source(%dma_start3A_820 : memref<4x1408xf32, #tpu.memory_space<hbm>>) target(%arg10 : memref<4x1408xf32, #tpu.memory_space<vmem>>) target_semaphore(%run_scoped3A : memref<!tpu.dma_semaphore, #tpu.memory_space<semaphore_mem>>)
        %dma_wait3A = arith.constant 0 : i32
        %dma_wait3A_821 = tpu.memref_slice %arg3[%add3A, %dma_wait3A, %add3A_808] : memref<16x4x16896xf32, #tpu.memory_space<hbm>> -> memref<1x4x1408xf32, #tpu.memory_space<hbm>>
        %dma_wait3A_822 = tpu.memref_squeeze %dma_wait3A_821 : memref<1x4x1408xf32, #tpu.memory_space<hbm>> -> memref<4x1408xf32, #tpu.memory_space<hbm>>
        %dma_wait3A_823 = arith.constant 0 : i32
        %dma_wait3A_824 = tpu.memref_slice %arg3[%add3A, %dma_wait3A_823, %add3A_808] : memref<16x4x16896xf32, #tpu.memory_space<hbm>> -> memref<1x4x1408xf32, #tpu.memory_space<hbm>>
        %dma_wait3A_825 = tpu.memref_squeeze %dma_wait3A_824 : memref<1x4x1408xf32, #tpu.memory_space<hbm>> -> memref<4x1408xf32, #tpu.memory_space<hbm>>
        tpu.wait_dma2 semaphore(%run_scoped3A : memref<!tpu.dma_semaphore, #tpu.memory_space<semaphore_mem>>) src(%dma_wait3A_825 : memref<4x1408xf32, #tpu.memory_space<hbm>>) dst(%arg10 : memref<4x1408xf32, #tpu.memory_space<vmem>>)
        tpu.yield
      }) : () -> ()
      %add3A_809 = arith.addi %mul3A_4, %mul3A_805 : i32
      "tpu.region"() ({
        %run_scoped3A = tpu.sem_alloc : memref<!tpu.dma_semaphore, #tpu.memory_space<semaphore_mem>>
        %dma_start3A = arith.constant 0 : i32
        %dma_start3A_816 = tpu.memref_slice %arg4[%add3A, %dma_start3A, %add3A_809] : memref<16x10x16896xf32, #tpu.memory_space<hbm>> -> memref<1x10x1408xf32, #tpu.memory_space<hbm>>
        %dma_start3A_817 = tpu.memref_squeeze %dma_start3A_816 : memref<1x10x1408xf32, #tpu.memory_space<hbm>> -> memref<10x1408xf32, #tpu.memory_space<hbm>>
        %dma_start3A_818 = arith.constant 0 : i32
        %dma_start3A_819 = tpu.memref_slice %arg4[%add3A, %dma_start3A_818, %add3A_809] : memref<16x10x16896xf32, #tpu.memory_space<hbm>> -> memref<1x10x1408xf32, #tpu.memory_space<hbm>>
        %dma_start3A_820 = tpu.memref_squeeze %dma_start3A_819 : memref<1x10x1408xf32, #tpu.memory_space<hbm>> -> memref<10x1408xf32, #tpu.memory_space<hbm>>
        tpu.enqueue_dma source(%dma_start3A_820 : memref<10x1408xf32, #tpu.memory_space<hbm>>) target(%arg11 : memref<10x1408xf32, #tpu.memory_space<vmem>>) target_semaphore(%run_scoped3A : memref<!tpu.dma_semaphore, #tpu.memory_space<semaphore_mem>>)
        %dma_wait3A = arith.constant 0 : i32
        %dma_wait3A_821 = tpu.memref_slice %arg4[%add3A, %dma_wait3A, %add3A_809] : memref<16x10x16896xf32, #tpu.memory_space<hbm>> -> memref<1x10x1408xf32, #tpu.memory_space<hbm>>
        %dma_wait3A_822 = tpu.memref_squeeze %dma_wait3A_821 : memref<1x10x1408xf32, #tpu.memory_space<hbm>> -> memref<10x1408xf32, #tpu.memory_space<hbm>>
        %dma_wait3A_823 = arith.constant 0 : i32
        %dma_wait3A_824 = tpu.memref_slice %arg4[%add3A, %dma_wait3A_823, %add3A_809] : memref<16x10x16896xf32, #tpu.memory_space<hbm>> -> memref<1x10x1408xf32, #tpu.memory_space<hbm>>
        %dma_wait3A_825 = tpu.memref_squeeze %dma_wait3A_824 : memref<1x10x1408xf32, #tpu.memory_space<hbm>> -> memref<10x1408xf32, #tpu.memory_space<hbm>>
        tpu.wait_dma2 semaphore(%run_scoped3A : memref<!tpu.dma_semaphore, #tpu.memory_space<semaphore_mem>>) src(%dma_wait3A_825 : memref<10x1408xf32, #tpu.memory_space<hbm>>) dst(%arg11 : memref<10x1408xf32, #tpu.memory_space<vmem>>)
        tpu.yield
      }) : () -> ()
      %scan3A_810 = arith.constant 0 : i32
      %scan3A_811 = arith.constant 88 : i32
      %scan3A_812 = arith.addi %scan3A_810, %scan3A_811 : i32
      %scan3A_813 = arith.constant 1 : i32
      %scan3A_814:4 = scf.for %scan3A_816 = %scan3A_810 to %scan3A_812 step %scan3A_813 iter_args(%scan3A_817 = %scan3A_800, %scan3A_818 = %scan3A_801, %scan3A_819 = %scan3A_802, %scan3A_820 = %scan3A_803) -> (vector<16xf32>, vector<16xf32>, vector<16xf32>, vector<16xf32>)  : i32 {
        %mul3A_821 = arith.constant 16 : i32
        %mul3A_822 = arith.muli %scan3A_816, %mul3A_821 : i32
        %add3A_823 = arith.addi %mul3A_805, %mul3A_822 : i32
        %get3A_824 = arith.constant 0 : i32
        %get3A_825 = arith.index_cast %get3A_824 : i32 to index
        %get3A_826 = arith.index_cast %mul3A_822 : i32 to index
        %get3A_827 = tpu.vector_load %arg8[%get3A_825, %get3A_826] {strides = array<i32>} : memref<4x1408xf32, #tpu.memory_space<vmem>>, vector<16xf32>,
        %get3A_828 = arith.constant 1 : i32
        %get3A_829 = arith.index_cast %get3A_828 : i32 to index
        %get3A_830 = arith.index_cast %mul3A_822 : i32 to index
        %get3A_831 = tpu.vector_load %arg8[%get3A_829, %get3A_830] {strides = array<i32>} : memref<4x1408xf32, #tpu.memory_space<vmem>>, vector<16xf32>,
        %get3A_832 = arith.constant 2 : i32
        %get3A_833 = arith.index_cast %get3A_832 : i32 to index
        %get3A_834 = arith.index_cast %mul3A_822 : i32 to index
        %get3A_835 = tpu.vector_load %arg8[%get3A_833, %get3A_834] {strides = array<i32>} : memref<4x1408xf32, #tpu.memory_space<vmem>>, vector<16xf32>,
        %get3A_836 = arith.constant 3 : i32
        %get3A_837 = arith.index_cast %get3A_836 : i32 to index
        %get3A_838 = arith.index_cast %mul3A_822 : i32 to index
        %get3A_839 = tpu.vector_load %arg8[%get3A_837, %get3A_838] {strides = array<i32>} : memref<4x1408xf32, #tpu.memory_space<vmem>>, vector<16xf32>,
        %div3A = arith.constant 1.000000e+00 : f32
        %div3A_840 = vector.broadcast %div3A : f32 to vector<16xf32>
        %div3A_841 = arith.divf %div3A_840, %get3A_835 : vector<16xf32>
        %div3A_842 = arith.constant 1.000000e+00 : f32
        %div3A_843 = vector.broadcast %div3A_842 : f32 to vector<16xf32>
        %div3A_844 = arith.divf %div3A_843, %get3A_839 : vector<16xf32>
        %get3A_845 = arith.index_cast %add3A_823 : i32 to index
        %get3A_846 = tpu.vector_load %arg14[%get3A_845] {strides = array<i32>} : memref<8448xi32, #tpu.memory_space<vmem>>, vector<16xi32>,
        %get3A_847 = arith.index_cast %add3A_823 : i32 to index
        %get3A_848 = tpu.vector_load %arg13[%get3A_847] {strides = array<i32>} : memref<8448xf32, #tpu.memory_space<vmem>>, vector<16xf32>,
        %ge3A_849 = arith.constant 3.500000e-01 : f32
        %ge3A_850 = vector.broadcast %ge3A_849 : f32 to vector<16xf32>
        %ge3A_851 = arith.cmpf oge, %get3A_848, %ge3A_850 : vector<16xf32>
        %jit3A_852 = arith.constant 1.000000e+00 : f32
        %jit3A_853 = arith.constant 0.000000e+00 : f32
        %broadcast_in_dim3A_854 = vector.broadcast %jit3A_852 : f32 to vector<16xf32>
        %broadcast_in_dim3A_855 = vector.broadcast %jit3A_853 : f32 to vector<16xf32>
        %select_n3A_856 = arith.select %ge3A_851, %broadcast_in_dim3A_854, %broadcast_in_dim3A_855 : vector<16xi1>, vector<16xf32>
        %broadcast_in_dim3A_857 = arith.constant 0 : i32
        %broadcast_in_dim3A_858 = vector.broadcast %broadcast_in_dim3A_857 : i32 to vector<16xi32>
        %gather3A_859 = tpu.vector_load_idx %arg12[%broadcast_in_dim3A_858, %get3A_846] : memref<15x128xf32, #tpu.memory_space<vmem>>[vector<16xi32>, vector<16xi32>], vector<16xf32>,
        %broadcast_in_dim3A_860 = arith.constant 1 : i32
        %broadcast_in_dim3A_861 = vector.broadcast %broadcast_in_dim3A_860 : i32 to vector<16xi32>
        %gather3A_862 = tpu.vector_load_idx %arg12[%broadcast_in_dim3A_861, %get3A_846] : memref<15x128xf32, #tpu.memory_space<vmem>>[vector<16xi32>, vector<16xi32>], vector<16xf32>,
        %broadcast_in_dim3A_863 = arith.constant 2 : i32
        %broadcast_in_dim3A_864 = vector.broadcast %broadcast_in_dim3A_863 : i32 to vector<16xi32>
        %gather3A_865 = tpu.vector_load_idx %arg12[%broadcast_in_dim3A_864, %get3A_846] : memref<15x128xf32, #tpu.memory_space<vmem>>[vector<16xi32>, vector<16xi32>], vector<16xf32>,
        %broadcast_in_dim3A_866 = arith.constant 3 : i32
        %broadcast_in_dim3A_867 = vector.broadcast %broadcast_in_dim3A_866 : i32 to vector<16xi32>
        %gather3A_868 = tpu.vector_load_idx %arg12[%broadcast_in_dim3A_867, %get3A_846] : memref<15x128xf32, #tpu.memory_space<vmem>>[vector<16xi32>, vector<16xi32>], vector<16xf32>,
        %add3A_869 = arith.addf %gather3A_859, %gather3A_865 : vector<16xf32>
        %mul3A_870 = arith.constant 5.000000e-01 : f32
        %mul3A_871 = vector.broadcast %mul3A_870 : f32 to vector<16xf32>
        %mul3A_872 = arith.mulf %add3A_869, %mul3A_871 : vector<16xf32>
        %sub3A_873 = arith.subf %mul3A_872, %get3A_827 : vector<16xf32>
        %mul3A_874 = arith.mulf %sub3A_873, %div3A_841 : vector<16xf32>
        %mul3A_875 = arith.constant 1.000000e+01 : f32
        %mul3A_876 = vector.broadcast %mul3A_875 : f32 to vector<16xf32>
        %mul3A_877 = arith.mulf %mul3A_874, %mul3A_876 : vector<16xf32>
        %add3A_878 = arith.addf %gather3A_862, %gather3A_868 : vector<16xf32>
        %mul3A_879 = arith.constant 5.000000e-01 : f32
        %mul3A_880 = vector.broadcast %mul3A_879 : f32 to vector<16xf32>
        %mul3A_881 = arith.mulf %add3A_878, %mul3A_880 : vector<16xf32>
        %sub3A_882 = arith.subf %mul3A_881, %get3A_831 : vector<16xf32>
        %mul3A_883 = arith.mulf %sub3A_882, %div3A_844 : vector<16xf32>
        %mul3A_884 = arith.constant 1.000000e+01 : f32
        %mul3A_885 = vector.broadcast %mul3A_884 : f32 to vector<16xf32>
        %mul3A_886 = arith.mulf %mul3A_883, %mul3A_885 : vector<16xf32>
        %sub3A_887 = arith.subf %gather3A_865, %gather3A_859 : vector<16xf32>
        %mul3A_888 = arith.mulf %sub3A_887, %div3A_841 : vector<16xf32>
        %bitcast3A_889 = vector.bitcast %mul3A_888 : vector<16xf32> to vector<16xi32>
        %shift_right_arithmetic3A_890 = arith.constant 23 : i32
        %shift_right_arithmetic3A_891 = vector.broadcast %shift_right_arithmetic3A_890 : i32 to vector<16xi32>
        %shift_right_arithmetic3A_892 = arith.shrsi %bitcast3A_889, %shift_right_arithmetic3A_891 : vector<16xi32>
        %and3A_893 = arith.constant 255 : i32
        %and3A_894 = vector.broadcast %and3A_893 : i32 to vector<16xi32>
        %and3A_895 = arith.andi %shift_right_arithmetic3A_892, %and3A_894 : vector<16xi32>
        %sub3A_896 = arith.constant 127 : i32
        %sub3A_897 = vector.broadcast %sub3A_896 : i32 to vector<16xi32>
        %sub3A_898 = arith.subi %and3A_895, %sub3A_897 : vector<16xi32>
        %and3A_899 = arith.constant 8388607 : i32
        %and3A_900 = vector.broadcast %and3A_899 : i32 to vector<16xi32>
        %and3A_901 = arith.andi %bitcast3A_889, %and3A_900 : vector<16xi32>
        %or3A = arith.constant 1065353216 : i32
        %or3A_902 = vector.broadcast %or3A : i32 to vector<16xi32>
        %or3A_903 = arith.ori %and3A_901, %or3A_902 : vector<16xi32>
        %bitcast3A_904 = vector.bitcast %or3A_903 : vector<16xi32> to vector<16xf32>
        %gt3A = arith.constant 1.41421354 : f32
        %gt3A_905 = vector.broadcast %gt3A : f32 to vector<16xf32>
        %gt3A_906 = arith.cmpf ogt, %bitcast3A_904, %gt3A_905 : vector<16xf32>
        %mul3A_907 = arith.constant 5.000000e-01 : f32
        %mul3A_908 = vector.broadcast %mul3A_907 : f32 to vector<16xf32>
        %mul3A_909 = arith.mulf %bitcast3A_904, %mul3A_908 : vector<16xf32>
        %select_n3A_910 = arith.select %gt3A_906, %mul3A_909, %bitcast3A_904 : vector<16xi1>, vector<16xf32>
        %add3A_911 = arith.constant 1 : i32
        %add3A_912 = vector.broadcast %add3A_911 : i32 to vector<16xi32>
        %add3A_913 = arith.addi %sub3A_898, %add3A_912 : vector<16xi32>
        %select_n3A_914 = arith.select %gt3A_906, %add3A_913, %sub3A_898 : vector<16xi1>, vector<16xi32>
        %sub3A_915 = arith.constant 1.000000e+00 : f32
        %sub3A_916 = vector.broadcast %sub3A_915 : f32 to vector<16xf32>
        %sub3A_917 = arith.subf %select_n3A_910, %sub3A_916 : vector<16xf32>
        %add3A_918 = arith.constant 1.000000e+00 : f32
        %add3A_919 = vector.broadcast %add3A_918 : f32 to vector<16xf32>
        %add3A_920 = arith.addf %select_n3A_910, %add3A_919 : vector<16xf32>
        %div3A_921 = arith.divf %sub3A_917, %add3A_920 : vector<16xf32>
        %mul3A_922 = arith.mulf %div3A_921, %div3A_921 : vector<16xf32>
        %mul3A_923 = arith.constant 0.222222224 : f32
        %mul3A_924 = vector.broadcast %mul3A_923 : f32 to vector<16xf32>
        %mul3A_925 = arith.mulf %mul3A_924, %mul3A_922 : vector<16xf32>
        %add3A_926 = arith.constant 0.285714298 : f32
        %add3A_927 = vector.broadcast %add3A_926 : f32 to vector<16xf32>
        %add3A_928 = arith.addf %mul3A_925, %add3A_927 : vector<16xf32>
        %mul3A_929 = arith.mulf %add3A_928, %mul3A_922 : vector<16xf32>
        %add3A_930 = arith.constant 4.000000e-01 : f32
        %add3A_931 = vector.broadcast %add3A_930 : f32 to vector<16xf32>
        %add3A_932 = arith.addf %mul3A_929, %add3A_931 : vector<16xf32>
        %mul3A_933 = arith.mulf %add3A_932, %mul3A_922 : vector<16xf32>
        %add3A_934 = arith.constant 0.666666686 : f32
        %add3A_935 = vector.broadcast %add3A_934 : f32 to vector<16xf32>
        %add3A_936 = arith.addf %mul3A_933, %add3A_935 : vector<16xf32>
        %mul3A_937 = arith.mulf %add3A_936, %mul3A_922 : vector<16xf32>
        %add3A_938 = arith.constant 2.000000e+00 : f32
        %add3A_939 = vector.broadcast %add3A_938 : f32 to vector<16xf32>
        %add3A_940 = arith.addf %mul3A_937, %add3A_939 : vector<16xf32>
        %convert_element_type3A_941 = arith.sitofp %select_n3A_914 : vector<16xi32> to vector<16xf32>
        %mul3A_942 = arith.constant 0.693147182 : f32
        %mul3A_943 = vector.broadcast %mul3A_942 : f32 to vector<16xf32>
        %mul3A_944 = arith.mulf %convert_element_type3A_941, %mul3A_943 : vector<16xf32>
        %mul3A_945 = arith.mulf %div3A_921, %add3A_940 : vector<16xf32>
        %add3A_946 = arith.addf %mul3A_944, %mul3A_945 : vector<16xf32>
        %mul3A_947 = arith.constant 5.000000e+00 : f32
        %mul3A_948 = vector.broadcast %mul3A_947 : f32 to vector<16xf32>
        %mul3A_949 = arith.mulf %add3A_946, %mul3A_948 : vector<16xf32>
        %sub3A_950 = arith.subf %gather3A_868, %gather3A_862 : vector<16xf32>
        %mul3A_951 = arith.mulf %sub3A_950, %div3A_844 : vector<16xf32>
        %bitcast3A_952 = vector.bitcast %mul3A_951 : vector<16xf32> to vector<16xi32>
        %shift_right_arithmetic3A_953 = arith.constant 23 : i32
        %shift_right_arithmetic3A_954 = vector.broadcast %shift_right_arithmetic3A_953 : i32 to vector<16xi32>
        %shift_right_arithmetic3A_955 = arith.shrsi %bitcast3A_952, %shift_right_arithmetic3A_954 : vector<16xi32>
        %and3A_956 = arith.constant 255 : i32
        %and3A_957 = vector.broadcast %and3A_956 : i32 to vector<16xi32>
        %and3A_958 = arith.andi %shift_right_arithmetic3A_955, %and3A_957 : vector<16xi32>
        %sub3A_959 = arith.constant 127 : i32
        %sub3A_960 = vector.broadcast %sub3A_959 : i32 to vector<16xi32>
        %sub3A_961 = arith.subi %and3A_958, %sub3A_960 : vector<16xi32>
        %and3A_962 = arith.constant 8388607 : i32
        %and3A_963 = vector.broadcast %and3A_962 : i32 to vector<16xi32>
        %and3A_964 = arith.andi %bitcast3A_952, %and3A_963 : vector<16xi32>
        %or3A_965 = arith.constant 1065353216 : i32
        %or3A_966 = vector.broadcast %or3A_965 : i32 to vector<16xi32>
        %or3A_967 = arith.ori %and3A_964, %or3A_966 : vector<16xi32>
        %bitcast3A_968 = vector.bitcast %or3A_967 : vector<16xi32> to vector<16xf32>
        %gt3A_969 = arith.constant 1.41421354 : f32
        %gt3A_970 = vector.broadcast %gt3A_969 : f32 to vector<16xf32>
        %gt3A_971 = arith.cmpf ogt, %bitcast3A_968, %gt3A_970 : vector<16xf32>
        %mul3A_972 = arith.constant 5.000000e-01 : f32
        %mul3A_973 = vector.broadcast %mul3A_972 : f32 to vector<16xf32>
        %mul3A_974 = arith.mulf %bitcast3A_968, %mul3A_973 : vector<16xf32>
        %select_n3A_975 = arith.select %gt3A_971, %mul3A_974, %bitcast3A_968 : vector<16xi1>, vector<16xf32>
        %add3A_976 = arith.constant 1 : i32
        %add3A_977 = vector.broadcast %add3A_976 : i32 to vector<16xi32>
        %add3A_978 = arith.addi %sub3A_961, %add3A_977 : vector<16xi32>
        %select_n3A_979 = arith.select %gt3A_971, %add3A_978, %sub3A_961 : vector<16xi1>, vector<16xi32>
        %sub3A_980 = arith.constant 1.000000e+00 : f32
        %sub3A_981 = vector.broadcast %sub3A_980 : f32 to vector<16xf32>
        %sub3A_982 = arith.subf %select_n3A_975, %sub3A_981 : vector<16xf32>
        %add3A_983 = arith.constant 1.000000e+00 : f32
        %add3A_984 = vector.broadcast %add3A_983 : f32 to vector<16xf32>
        %add3A_985 = arith.addf %select_n3A_975, %add3A_984 : vector<16xf32>
        %div3A_986 = arith.divf %sub3A_982, %add3A_985 : vector<16xf32>
        %mul3A_987 = arith.mulf %div3A_986, %div3A_986 : vector<16xf32>
        %mul3A_988 = arith.constant 0.222222224 : f32
        %mul3A_989 = vector.broadcast %mul3A_988 : f32 to vector<16xf32>
        %mul3A_990 = arith.mulf %mul3A_989, %mul3A_987 : vector<16xf32>
        %add3A_991 = arith.constant 0.285714298 : f32
        %add3A_992 = vector.broadcast %add3A_991 : f32 to vector<16xf32>
        %add3A_993 = arith.addf %mul3A_990, %add3A_992 : vector<16xf32>
        %mul3A_994 = arith.mulf %add3A_993, %mul3A_987 : vector<16xf32>
        %add3A_995 = arith.constant 4.000000e-01 : f32
        %add3A_996 = vector.broadcast %add3A_995 : f32 to vector<16xf32>
        %add3A_997 = arith.addf %mul3A_994, %add3A_996 : vector<16xf32>
        %mul3A_998 = arith.mulf %add3A_997, %mul3A_987 : vector<16xf32>
        %add3A_999 = arith.constant 0.666666686 : f32
        %add3A_1000 = vector.broadcast %add3A_999 : f32 to vector<16xf32>
        %add3A_1001 = arith.addf %mul3A_998, %add3A_1000 : vector<16xf32>
        %mul3A_1002 = arith.mulf %add3A_1001, %mul3A_987 : vector<16xf32>
        %add3A_1003 = arith.constant 2.000000e+00 : f32
        %add3A_1004 = vector.broadcast %add3A_1003 : f32 to vector<16xf32>
        %add3A_1005 = arith.addf %mul3A_1002, %add3A_1004 : vector<16xf32>
        %convert_element_type3A_1006 = arith.sitofp %select_n3A_979 : vector<16xi32> to vector<16xf32>
        %mul3A_1007 = arith.constant 0.693147182 : f32
        %mul3A_1008 = vector.broadcast %mul3A_1007 : f32 to vector<16xf32>
        %mul3A_1009 = arith.mulf %convert_element_type3A_1006, %mul3A_1008 : vector<16xf32>
        %mul3A_1010 = arith.mulf %div3A_986, %add3A_1005 : vector<16xf32>
        %add3A_1011 = arith.addf %mul3A_1009, %mul3A_1010 : vector<16xf32>
        %mul3A_1012 = arith.constant 5.000000e+00 : f32
        %mul3A_1013 = vector.broadcast %mul3A_1012 : f32 to vector<16xf32>
        %mul3A_1014 = arith.mulf %add3A_1011, %mul3A_1013 : vector<16xf32>
        %get3A_1015 = arith.constant 0 : i32
        %get3A_1016 = arith.index_cast %get3A_1015 : i32 to index
        %get3A_1017 = arith.index_cast %mul3A_822 : i32 to index
        %get3A_1018 = tpu.vector_load %arg10[%get3A_1016, %get3A_1017] {strides = array<i32>} : memref<4x1408xf32, #tpu.memory_space<vmem>>, vector<16xf32>,
        %sub3A_1019 = arith.subf %get3A_1018, %mul3A_877 : vector<16xf32>
        %abs3A = math.absf %sub3A_1019 : vector<16xf32>
        %lt3A_1020 = arith.constant 1.000000e+00 : f32
        %lt3A_1021 = vector.broadcast %lt3A_1020 : f32 to vector<16xf32>
        %lt3A_1022 = arith.cmpf olt, %abs3A, %lt3A_1021 : vector<16xf32>
        %mul3A_1023 = arith.constant 5.000000e-01 : f32
        %mul3A_1024 = vector.broadcast %mul3A_1023 : f32 to vector<16xf32>
        %mul3A_1025 = arith.mulf %mul3A_1024, %abs3A : vector<16xf32>
        %mul3A_1026 = arith.mulf %mul3A_1025, %abs3A : vector<16xf32>
        %sub3A_1027 = arith.constant 5.000000e-01 : f32
        %sub3A_1028 = vector.broadcast %sub3A_1027 : f32 to vector<16xf32>
        %sub3A_1029 = arith.subf %abs3A, %sub3A_1028 : vector<16xf32>
        %select_n3A_1030 = arith.select %lt3A_1022, %mul3A_1026, %sub3A_1029 : vector<16xi1>, vector<16xf32>
        %get3A_1031 = arith.constant 1 : i32
        %get3A_1032 = arith.index_cast %get3A_1031 : i32 to index
        %get3A_1033 = arith.index_cast %mul3A_822 : i32 to index
        %get3A_1034 = tpu.vector_load %arg10[%get3A_1032, %get3A_1033] {strides = array<i32>} : memref<4x1408xf32, #tpu.memory_space<vmem>>, vector<16xf32>,
        %sub3A_1035 = arith.subf %get3A_1034, %mul3A_886 : vector<16xf32>
        %abs3A_1036 = math.absf %sub3A_1035 : vector<16xf32>
        %lt3A_1037 = arith.constant 1.000000e+00 : f32
        %lt3A_1038 = vector.broadcast %lt3A_1037 : f32 to vector<16xf32>
        %lt3A_1039 = arith.cmpf olt, %abs3A_1036, %lt3A_1038 : vector<16xf32>
        %mul3A_1040 = arith.constant 5.000000e-01 : f32
        %mul3A_1041 = vector.broadcast %mul3A_1040 : f32 to vector<16xf32>
        %mul3A_1042 = arith.mulf %mul3A_1041, %abs3A_1036 : vector<16xf32>
        %mul3A_1043 = arith.mulf %mul3A_1042, %abs3A_1036 : vector<16xf32>
        %sub3A_1044 = arith.constant 5.000000e-01 : f32
        %sub3A_1045 = vector.broadcast %sub3A_1044 : f32 to vector<16xf32>
        %sub3A_1046 = arith.subf %abs3A_1036, %sub3A_1045 : vector<16xf32>
        %select_n3A_1047 = arith.select %lt3A_1039, %mul3A_1043, %sub3A_1046 : vector<16xi1>, vector<16xf32>
        %add3A_1048 = arith.addf %select_n3A_1030, %select_n3A_1047 : vector<16xf32>
        %get3A_1049 = arith.constant 2 : i32
        %get3A_1050 = arith.index_cast %get3A_1049 : i32 to index
        %get3A_1051 = arith.index_cast %mul3A_822 : i32 to index
        %get3A_1052 = tpu.vector_load %arg10[%get3A_1050, %get3A_1051] {strides = array<i32>} : memref<4x1408xf32, #tpu.memory_space<vmem>>, vector<16xf32>,
        %sub3A_1053 = arith.subf %get3A_1052, %mul3A_949 : vector<16xf32>
        %abs3A_1054 = math.absf %sub3A_1053 : vector<16xf32>
        %lt3A_1055 = arith.constant 1.000000e+00 : f32
        %lt3A_1056 = vector.broadcast %lt3A_1055 : f32 to vector<16xf32>
        %lt3A_1057 = arith.cmpf olt, %abs3A_1054, %lt3A_1056 : vector<16xf32>
        %mul3A_1058 = arith.constant 5.000000e-01 : f32
        %mul3A_1059 = vector.broadcast %mul3A_1058 : f32 to vector<16xf32>
        %mul3A_1060 = arith.mulf %mul3A_1059, %abs3A_1054 : vector<16xf32>
        %mul3A_1061 = arith.mulf %mul3A_1060, %abs3A_1054 : vector<16xf32>
        %sub3A_1062 = arith.constant 5.000000e-01 : f32
        %sub3A_1063 = vector.broadcast %sub3A_1062 : f32 to vector<16xf32>
        %sub3A_1064 = arith.subf %abs3A_1054, %sub3A_1063 : vector<16xf32>
        %select_n3A_1065 = arith.select %lt3A_1057, %mul3A_1061, %sub3A_1064 : vector<16xi1>, vector<16xf32>
        %add3A_1066 = arith.addf %add3A_1048, %select_n3A_1065 : vector<16xf32>
        %get3A_1067 = arith.constant 3 : i32
        %get3A_1068 = arith.index_cast %get3A_1067 : i32 to index
        %get3A_1069 = arith.index_cast %mul3A_822 : i32 to index
        %get3A_1070 = tpu.vector_load %arg10[%get3A_1068, %get3A_1069] {strides = array<i32>} : memref<4x1408xf32, #tpu.memory_space<vmem>>, vector<16xf32>,
        %sub3A_1071 = arith.subf %get3A_1070, %mul3A_1014 : vector<16xf32>
        %abs3A_1072 = math.absf %sub3A_1071 : vector<16xf32>
        %lt3A_1073 = arith.constant 1.000000e+00 : f32
        %lt3A_1074 = vector.broadcast %lt3A_1073 : f32 to vector<16xf32>
        %lt3A_1075 = arith.cmpf olt, %abs3A_1072, %lt3A_1074 : vector<16xf32>
        %mul3A_1076 = arith.constant 5.000000e-01 : f32
        %mul3A_1077 = vector.broadcast %mul3A_1076 : f32 to vector<16xf32>
        %mul3A_1078 = arith.mulf %mul3A_1077, %abs3A_1072 : vector<16xf32>
        %mul3A_1079 = arith.mulf %mul3A_1078, %abs3A_1072 : vector<16xf32>
        %sub3A_1080 = arith.constant 5.000000e-01 : f32
        %sub3A_1081 = vector.broadcast %sub3A_1080 : f32 to vector<16xf32>
        %sub3A_1082 = arith.subf %abs3A_1072, %sub3A_1081 : vector<16xf32>
        %select_n3A_1083 = arith.select %lt3A_1075, %mul3A_1079, %sub3A_1082 : vector<16xi1>, vector<16xf32>
        %add3A_1084 = arith.addf %add3A_1066, %select_n3A_1083 : vector<16xf32>
        %mul3A_1085 = arith.mulf %select_n3A_856, %add3A_1084 : vector<16xf32>
        %add3A_1086 = arith.addf %scan3A_817, %mul3A_1085 : vector<16xf32>
        %broadcast_in_dim3A_1087 = arith.constant 0.000000e+00 : f32
        %broadcast_in_dim3A_1088 = vector.broadcast %broadcast_in_dim3A_1087 : f32 to vector<16xf32>
        %broadcast_in_dim3A_1089 = arith.constant 4 : i32
        %broadcast_in_dim3A_1090 = vector.broadcast %broadcast_in_dim3A_1089 : i32 to vector<16xi32>
        %gather3A_1091 = tpu.vector_load_idx %arg12[%broadcast_in_dim3A_1090, %get3A_846] : memref<15x128xf32, #tpu.memory_space<vmem>>[vector<16xi32>, vector<16xi32>], vector<16xf32>,
        %broadcast_in_dim3A_1092 = arith.constant 5 : i32
        %broadcast_in_dim3A_1093 = vector.broadcast %broadcast_in_dim3A_1092 : i32 to vector<16xi32>
        %gather3A_1094 = tpu.vector_load_idx %arg12[%broadcast_in_dim3A_1093, %get3A_846] : memref<15x128xf32, #tpu.memory_space<vmem>>[vector<16xi32>, vector<16xi32>], vector<16xf32>,
        %sub3A_1095 = arith.subf %gather3A_1091, %get3A_827 : vector<16xf32>
        %mul3A_1096 = arith.mulf %sub3A_1095, %div3A_841 : vector<16xf32>
        %mul3A_1097 = arith.constant 1.000000e+01 : f32
        %mul3A_1098 = vector.broadcast %mul3A_1097 : f32 to vector<16xf32>
        %mul3A_1099 = arith.mulf %mul3A_1096, %mul3A_1098 : vector<16xf32>
        %sub3A_1100 = arith.subf %gather3A_1094, %get3A_831 : vector<16xf32>
        %mul3A_1101 = arith.mulf %sub3A_1100, %div3A_844 : vector<16xf32>
        %mul3A_1102 = arith.constant 1.000000e+01 : f32
        %mul3A_1103 = vector.broadcast %mul3A_1102 : f32 to vector<16xf32>
        %mul3A_1104 = arith.mulf %mul3A_1101, %mul3A_1103 : vector<16xf32>
        %get3A_1105 = arith.constant 0 : i32
        %get3A_1106 = arith.index_cast %get3A_1105 : i32 to index
        %get3A_1107 = arith.index_cast %mul3A_822 : i32 to index
        %get3A_1108 = tpu.vector_load %arg11[%get3A_1106, %get3A_1107] {strides = array<i32>} : memref<10x1408xf32, #tpu.memory_space<vmem>>, vector<16xf32>,
        %sub3A_1109 = arith.subf %get3A_1108, %mul3A_1099 : vector<16xf32>
        %abs3A_1110 = math.absf %sub3A_1109 : vector<16xf32>
        %lt3A_1111 = arith.constant 1.000000e+00 : f32
        %lt3A_1112 = vector.broadcast %lt3A_1111 : f32 to vector<16xf32>
        %lt3A_1113 = arith.cmpf olt, %abs3A_1110, %lt3A_1112 : vector<16xf32>
        %mul3A_1114 = arith.constant 5.000000e-01 : f32
        %mul3A_1115 = vector.broadcast %mul3A_1114 : f32 to vector<16xf32>
        %mul3A_1116 = arith.mulf %mul3A_1115, %abs3A_1110 : vector<16xf32>
        %mul3A_1117 = arith.mulf %mul3A_1116, %abs3A_1110 : vector<16xf32>
        %sub3A_1118 = arith.constant 5.000000e-01 : f32
        %sub3A_1119 = vector.broadcast %sub3A_1118 : f32 to vector<16xf32>
        %sub3A_1120 = arith.subf %abs3A_1110, %sub3A_1119 : vector<16xf32>
        %select_n3A_1121 = arith.select %lt3A_1113, %mul3A_1117, %sub3A_1120 : vector<16xi1>, vector<16xf32>
        %add3A_1122 = arith.addf %broadcast_in_dim3A_1088, %select_n3A_1121 : vector<16xf32>
        %get3A_1123 = arith.constant 1 : i32
        %get3A_1124 = arith.index_cast %get3A_1123 : i32 to index
        %get3A_1125 = arith.index_cast %mul3A_822 : i32 to index
        %get3A_1126 = tpu.vector_load %arg11[%get3A_1124, %get3A_1125] {strides = array<i32>} : memref<10x1408xf32, #tpu.memory_space<vmem>>, vector<16xf32>,
        %sub3A_1127 = arith.subf %get3A_1126, %mul3A_1104 : vector<16xf32>
        %abs3A_1128 = math.absf %sub3A_1127 : vector<16xf32>
        %lt3A_1129 = arith.constant 1.000000e+00 : f32
        %lt3A_1130 = vector.broadcast %lt3A_1129 : f32 to vector<16xf32>
        %lt3A_1131 = arith.cmpf olt, %abs3A_1128, %lt3A_1130 : vector<16xf32>
        %mul3A_1132 = arith.constant 5.000000e-01 : f32
        %mul3A_1133 = vector.broadcast %mul3A_1132 : f32 to vector<16xf32>
        %mul3A_1134 = arith.mulf %mul3A_1133, %abs3A_1128 : vector<16xf32>
        %mul3A_1135 = arith.mulf %mul3A_1134, %abs3A_1128 : vector<16xf32>
        %sub3A_1136 = arith.constant 5.000000e-01 : f32
        %sub3A_1137 = vector.broadcast %sub3A_1136 : f32 to vector<16xf32>
        %sub3A_1138 = arith.subf %abs3A_1128, %sub3A_1137 : vector<16xf32>
        %select_n3A_1139 = arith.select %lt3A_1131, %mul3A_1135, %sub3A_1138 : vector<16xi1>, vector<16xf32>
        %add3A_1140 = arith.addf %add3A_1122, %select_n3A_1139 : vector<16xf32>
        %broadcast_in_dim3A_1141 = arith.constant 6 : i32
        %broadcast_in_dim3A_1142 = vector.broadcast %broadcast_in_dim3A_1141 : i32 to vector<16xi32>
        %gather3A_1143 = tpu.vector_load_idx %arg12[%broadcast_in_dim3A_1142, %get3A_846] : memref<15x128xf32, #tpu.memory_space<vmem>>[vector<16xi32>, vector<16xi32>], vector<16xf32>,
        %broadcast_in_dim3A_1144 = arith.constant 7 : i32
        %broadcast_in_dim3A_1145 = vector.broadcast %broadcast_in_dim3A_1144 : i32 to vector<16xi32>
        %gather3A_1146 = tpu.vector_load_idx %arg12[%broadcast_in_dim3A_1145, %get3A_846] : memref<15x128xf32, #tpu.memory_space<vmem>>[vector<16xi32>, vector<16xi32>], vector<16xf32>,
        %sub3A_1147 = arith.subf %gather3A_1143, %get3A_827 : vector<16xf32>
        %mul3A_1148 = arith.mulf %sub3A_1147, %div3A_841 : vector<16xf32>
        %mul3A_1149 = arith.constant 1.000000e+01 : f32
        %mul3A_1150 = vector.broadcast %mul3A_1149 : f32 to vector<16xf32>
        %mul3A_1151 = arith.mulf %mul3A_1148, %mul3A_1150 : vector<16xf32>
        %sub3A_1152 = arith.subf %gather3A_1146, %get3A_831 : vector<16xf32>
        %mul3A_1153 = arith.mulf %sub3A_1152, %div3A_844 : vector<16xf32>
        %mul3A_1154 = arith.constant 1.000000e+01 : f32
        %mul3A_1155 = vector.broadcast %mul3A_1154 : f32 to vector<16xf32>
        %mul3A_1156 = arith.mulf %mul3A_1153, %mul3A_1155 : vector<16xf32>
        %get3A_1157 = arith.constant 2 : i32
        %get3A_1158 = arith.index_cast %get3A_1157 : i32 to index
        %get3A_1159 = arith.index_cast %mul3A_822 : i32 to index
        %get3A_1160 = tpu.vector_load %arg11[%get3A_1158, %get3A_1159] {strides = array<i32>} : memref<10x1408xf32, #tpu.memory_space<vmem>>, vector<16xf32>,
        %sub3A_1161 = arith.subf %get3A_1160, %mul3A_1151 : vector<16xf32>
        %abs3A_1162 = math.absf %sub3A_1161 : vector<16xf32>
        %lt3A_1163 = arith.constant 1.000000e+00 : f32
        %lt3A_1164 = vector.broadcast %lt3A_1163 : f32 to vector<16xf32>
        %lt3A_1165 = arith.cmpf olt, %abs3A_1162, %lt3A_1164 : vector<16xf32>
        %mul3A_1166 = arith.constant 5.000000e-01 : f32
        %mul3A_1167 = vector.broadcast %mul3A_1166 : f32 to vector<16xf32>
        %mul3A_1168 = arith.mulf %mul3A_1167, %abs3A_1162 : vector<16xf32>
        %mul3A_1169 = arith.mulf %mul3A_1168, %abs3A_1162 : vector<16xf32>
        %sub3A_1170 = arith.constant 5.000000e-01 : f32
        %sub3A_1171 = vector.broadcast %sub3A_1170 : f32 to vector<16xf32>
        %sub3A_1172 = arith.subf %abs3A_1162, %sub3A_1171 : vector<16xf32>
        %select_n3A_1173 = arith.select %lt3A_1165, %mul3A_1169, %sub3A_1172 : vector<16xi1>, vector<16xf32>
        %add3A_1174 = arith.addf %add3A_1140, %select_n3A_1173 : vector<16xf32>
        %get3A_1175 = arith.constant 3 : i32
        %get3A_1176 = arith.index_cast %get3A_1175 : i32 to index
        %get3A_1177 = arith.index_cast %mul3A_822 : i32 to index
        %get3A_1178 = tpu.vector_load %arg11[%get3A_1176, %get3A_1177] {strides = array<i32>} : memref<10x1408xf32, #tpu.memory_space<vmem>>, vector<16xf32>,
        %sub3A_1179 = arith.subf %get3A_1178, %mul3A_1156 : vector<16xf32>
        %abs3A_1180 = math.absf %sub3A_1179 : vector<16xf32>
        %lt3A_1181 = arith.constant 1.000000e+00 : f32
        %lt3A_1182 = vector.broadcast %lt3A_1181 : f32 to vector<16xf32>
        %lt3A_1183 = arith.cmpf olt, %abs3A_1180, %lt3A_1182 : vector<16xf32>
        %mul3A_1184 = arith.constant 5.000000e-01 : f32
        %mul3A_1185 = vector.broadcast %mul3A_1184 : f32 to vector<16xf32>
        %mul3A_1186 = arith.mulf %mul3A_1185, %abs3A_1180 : vector<16xf32>
        %mul3A_1187 = arith.mulf %mul3A_1186, %abs3A_1180 : vector<16xf32>
        %sub3A_1188 = arith.constant 5.000000e-01 : f32
        %sub3A_1189 = vector.broadcast %sub3A_1188 : f32 to vector<16xf32>
        %sub3A_1190 = arith.subf %abs3A_1180, %sub3A_1189 : vector<16xf32>
        %select_n3A_1191 = arith.select %lt3A_1183, %mul3A_1187, %sub3A_1190 : vector<16xi1>, vector<16xf32>
        %add3A_1192 = arith.addf %add3A_1174, %select_n3A_1191 : vector<16xf32>
        %broadcast_in_dim3A_1193 = arith.constant 8 : i32
        %broadcast_in_dim3A_1194 = vector.broadcast %broadcast_in_dim3A_1193 : i32 to vector<16xi32>
        %gather3A_1195 = tpu.vector_load_idx %arg12[%broadcast_in_dim3A_1194, %get3A_846] : memref<15x128xf32, #tpu.memory_space<vmem>>[vector<16xi32>, vector<16xi32>], vector<16xf32>,
        %broadcast_in_dim3A_1196 = arith.constant 9 : i32
        %broadcast_in_dim3A_1197 = vector.broadcast %broadcast_in_dim3A_1196 : i32 to vector<16xi32>
        %gather3A_1198 = tpu.vector_load_idx %arg12[%broadcast_in_dim3A_1197, %get3A_846] : memref<15x128xf32, #tpu.memory_space<vmem>>[vector<16xi32>, vector<16xi32>], vector<16xf32>,
        %sub3A_1199 = arith.subf %gather3A_1195, %get3A_827 : vector<16xf32>
        %mul3A_1200 = arith.mulf %sub3A_1199, %div3A_841 : vector<16xf32>
        %mul3A_1201 = arith.constant 1.000000e+01 : f32
        %mul3A_1202 = vector.broadcast %mul3A_1201 : f32 to vector<16xf32>
        %mul3A_1203 = arith.mulf %mul3A_1200, %mul3A_1202 : vector<16xf32>
        %sub3A_1204 = arith.subf %gather3A_1198, %get3A_831 : vector<16xf32>
        %mul3A_1205 = arith.mulf %sub3A_1204, %div3A_844 : vector<16xf32>
        %mul3A_1206 = arith.constant 1.000000e+01 : f32
        %mul3A_1207 = vector.broadcast %mul3A_1206 : f32 to vector<16xf32>
        %mul3A_1208 = arith.mulf %mul3A_1205, %mul3A_1207 : vector<16xf32>
        %get3A_1209 = arith.constant 4 : i32
        %get3A_1210 = arith.index_cast %get3A_1209 : i32 to index
        %get3A_1211 = arith.index_cast %mul3A_822 : i32 to index
        %get3A_1212 = tpu.vector_load %arg11[%get3A_1210, %get3A_1211] {strides = array<i32>} : memref<10x1408xf32, #tpu.memory_space<vmem>>, vector<16xf32>,
        %sub3A_1213 = arith.subf %get3A_1212, %mul3A_1203 : vector<16xf32>
        %abs3A_1214 = math.absf %sub3A_1213 : vector<16xf32>
        %lt3A_1215 = arith.constant 1.000000e+00 : f32
        %lt3A_1216 = vector.broadcast %lt3A_1215 : f32 to vector<16xf32>
        %lt3A_1217 = arith.cmpf olt, %abs3A_1214, %lt3A_1216 : vector<16xf32>
        %mul3A_1218 = arith.constant 5.000000e-01 : f32
        %mul3A_1219 = vector.broadcast %mul3A_1218 : f32 to vector<16xf32>
        %mul3A_1220 = arith.mulf %mul3A_1219, %abs3A_1214 : vector<16xf32>
        %mul3A_1221 = arith.mulf %mul3A_1220, %abs3A_1214 : vector<16xf32>
        %sub3A_1222 = arith.constant 5.000000e-01 : f32
        %sub3A_1223 = vector.broadcast %sub3A_1222 : f32 to vector<16xf32>
        %sub3A_1224 = arith.subf %abs3A_1214, %sub3A_1223 : vector<16xf32>
        %select_n3A_1225 = arith.select %lt3A_1217, %mul3A_1221, %sub3A_1224 : vector<16xi1>, vector<16xf32>
        %add3A_1226 = arith.addf %add3A_1192, %select_n3A_1225 : vector<16xf32>
        %get3A_1227 = arith.constant 5 : i32
        %get3A_1228 = arith.index_cast %get3A_1227 : i32 to index
        %get3A_1229 = arith.index_cast %mul3A_822 : i32 to index
        %get3A_1230 = tpu.vector_load %arg11[%get3A_1228, %get3A_1229] {strides = array<i32>} : memref<10x1408xf32, #tpu.memory_space<vmem>>, vector<16xf32>,
        %sub3A_1231 = arith.subf %get3A_1230, %mul3A_1208 : vector<16xf32>
        %abs3A_1232 = math.absf %sub3A_1231 : vector<16xf32>
        %lt3A_1233 = arith.constant 1.000000e+00 : f32
        %lt3A_1234 = vector.broadcast %lt3A_1233 : f32 to vector<16xf32>
        %lt3A_1235 = arith.cmpf olt, %abs3A_1232, %lt3A_1234 : vector<16xf32>
        %mul3A_1236 = arith.constant 5.000000e-01 : f32
        %mul3A_1237 = vector.broadcast %mul3A_1236 : f32 to vector<16xf32>
        %mul3A_1238 = arith.mulf %mul3A_1237, %abs3A_1232 : vector<16xf32>
        %mul3A_1239 = arith.mulf %mul3A_1238, %abs3A_1232 : vector<16xf32>
        %sub3A_1240 = arith.constant 5.000000e-01 : f32
        %sub3A_1241 = vector.broadcast %sub3A_1240 : f32 to vector<16xf32>
        %sub3A_1242 = arith.subf %abs3A_1232, %sub3A_1241 : vector<16xf32>
        %select_n3A_1243 = arith.select %lt3A_1235, %mul3A_1239, %sub3A_1242 : vector<16xi1>, vector<16xf32>
        %add3A_1244 = arith.addf %add3A_1226, %select_n3A_1243 : vector<16xf32>
        %broadcast_in_dim3A_1245 = arith.constant 10 : i32
        %broadcast_in_dim3A_1246 = vector.broadcast %broadcast_in_dim3A_1245 : i32 to vector<16xi32>
        %gather3A_1247 = tpu.vector_load_idx %arg12[%broadcast_in_dim3A_1246, %get3A_846] : memref<15x128xf32, #tpu.memory_space<vmem>>[vector<16xi32>, vector<16xi32>], vector<16xf32>,
        %broadcast_in_dim3A_1248 = arith.constant 11 : i32
        %broadcast_in_dim3A_1249 = vector.broadcast %broadcast_in_dim3A_1248 : i32 to vector<16xi32>
        %gather3A_1250 = tpu.vector_load_idx %arg12[%broadcast_in_dim3A_1249, %get3A_846] : memref<15x128xf32, #tpu.memory_space<vmem>>[vector<16xi32>, vector<16xi32>], vector<16xf32>,
        %sub3A_1251 = arith.subf %gather3A_1247, %get3A_827 : vector<16xf32>
        %mul3A_1252 = arith.mulf %sub3A_1251, %div3A_841 : vector<16xf32>
        %mul3A_1253 = arith.constant 1.000000e+01 : f32
        %mul3A_1254 = vector.broadcast %mul3A_1253 : f32 to vector<16xf32>
        %mul3A_1255 = arith.mulf %mul3A_1252, %mul3A_1254 : vector<16xf32>
        %sub3A_1256 = arith.subf %gather3A_1250, %get3A_831 : vector<16xf32>
        %mul3A_1257 = arith.mulf %sub3A_1256, %div3A_844 : vector<16xf32>
        %mul3A_1258 = arith.constant 1.000000e+01 : f32
        %mul3A_1259 = vector.broadcast %mul3A_1258 : f32 to vector<16xf32>
        %mul3A_1260 = arith.mulf %mul3A_1257, %mul3A_1259 : vector<16xf32>
        %get3A_1261 = arith.constant 6 : i32
        %get3A_1262 = arith.index_cast %get3A_1261 : i32 to index
        %get3A_1263 = arith.index_cast %mul3A_822 : i32 to index
        %get3A_1264 = tpu.vector_load %arg11[%get3A_1262, %get3A_1263] {strides = array<i32>} : memref<10x1408xf32, #tpu.memory_space<vmem>>, vector<16xf32>,
        %sub3A_1265 = arith.subf %get3A_1264, %mul3A_1255 : vector<16xf32>
        %abs3A_1266 = math.absf %sub3A_1265 : vector<16xf32>
        %lt3A_1267 = arith.constant 1.000000e+00 : f32
        %lt3A_1268 = vector.broadcast %lt3A_1267 : f32 to vector<16xf32>
        %lt3A_1269 = arith.cmpf olt, %abs3A_1266, %lt3A_1268 : vector<16xf32>
        %mul3A_1270 = arith.constant 5.000000e-01 : f32
        %mul3A_1271 = vector.broadcast %mul3A_1270 : f32 to vector<16xf32>
        %mul3A_1272 = arith.mulf %mul3A_1271, %abs3A_1266 : vector<16xf32>
        %mul3A_1273 = arith.mulf %mul3A_1272, %abs3A_1266 : vector<16xf32>
        %sub3A_1274 = arith.constant 5.000000e-01 : f32
        %sub3A_1275 = vector.broadcast %sub3A_1274 : f32 to vector<16xf32>
        %sub3A_1276 = arith.subf %abs3A_1266, %sub3A_1275 : vector<16xf32>
        %select_n3A_1277 = arith.select %lt3A_1269, %mul3A_1273, %sub3A_1276 : vector<16xi1>, vector<16xf32>
        %add3A_1278 = arith.addf %add3A_1244, %select_n3A_1277 : vector<16xf32>
        %get3A_1279 = arith.constant 7 : i32
        %get3A_1280 = arith.index_cast %get3A_1279 : i32 to index
        %get3A_1281 = arith.index_cast %mul3A_822 : i32 to index
        %get3A_1282 = tpu.vector_load %arg11[%get3A_1280, %get3A_1281] {strides = array<i32>} : memref<10x1408xf32, #tpu.memory_space<vmem>>, vector<16xf32>,
        %sub3A_1283 = arith.subf %get3A_1282, %mul3A_1260 : vector<16xf32>
        %abs3A_1284 = math.absf %sub3A_1283 : vector<16xf32>
        %lt3A_1285 = arith.constant 1.000000e+00 : f32
        %lt3A_1286 = vector.broadcast %lt3A_1285 : f32 to vector<16xf32>
        %lt3A_1287 = arith.cmpf olt, %abs3A_1284, %lt3A_1286 : vector<16xf32>
        %mul3A_1288 = arith.constant 5.000000e-01 : f32
        %mul3A_1289 = vector.broadcast %mul3A_1288 : f32 to vector<16xf32>
        %mul3A_1290 = arith.mulf %mul3A_1289, %abs3A_1284 : vector<16xf32>
        %mul3A_1291 = arith.mulf %mul3A_1290, %abs3A_1284 : vector<16xf32>
        %sub3A_1292 = arith.constant 5.000000e-01 : f32
        %sub3A_1293 = vector.broadcast %sub3A_1292 : f32 to vector<16xf32>
        %sub3A_1294 = arith.subf %abs3A_1284, %sub3A_1293 : vector<16xf32>
        %select_n3A_1295 = arith.select %lt3A_1287, %mul3A_1291, %sub3A_1294 : vector<16xi1>, vector<16xf32>
        %add3A_1296 = arith.addf %add3A_1278, %select_n3A_1295 : vector<16xf32>
        %broadcast_in_dim3A_1297 = arith.constant 12 : i32
        %broadcast_in_dim3A_1298 = vector.broadcast %broadcast_in_dim3A_1297 : i32 to vector<16xi32>
        %gather3A_1299 = tpu.vector_load_idx %arg12[%broadcast_in_dim3A_1298, %get3A_846] : memref<15x128xf32, #tpu.memory_space<vmem>>[vector<16xi32>, vector<16xi32>], vector<16xf32>,
        %broadcast_in_dim3A_1300 = arith.constant 13 : i32
        %broadcast_in_dim3A_1301 = vector.broadcast %broadcast_in_dim3A_1300 : i32 to vector<16xi32>
        %gather3A_1302 = tpu.vector_load_idx %arg12[%broadcast_in_dim3A_1301, %get3A_846] : memref<15x128xf32, #tpu.memory_space<vmem>>[vector<16xi32>, vector<16xi32>], vector<16xf32>,
        %sub3A_1303 = arith.subf %gather3A_1299, %get3A_827 : vector<16xf32>
        %mul3A_1304 = arith.mulf %sub3A_1303, %div3A_841 : vector<16xf32>
        %mul3A_1305 = arith.constant 1.000000e+01 : f32
        %mul3A_1306 = vector.broadcast %mul3A_1305 : f32 to vector<16xf32>
        %mul3A_1307 = arith.mulf %mul3A_1304, %mul3A_1306 : vector<16xf32>
        %sub3A_1308 = arith.subf %gather3A_1302, %get3A_831 : vector<16xf32>
        %mul3A_1309 = arith.mulf %sub3A_1308, %div3A_844 : vector<16xf32>
        %mul3A_1310 = arith.constant 1.000000e+01 : f32
        %mul3A_1311 = vector.broadcast %mul3A_1310 : f32 to vector<16xf32>
        %mul3A_1312 = arith.mulf %mul3A_1309, %mul3A_1311 : vector<16xf32>
        %get3A_1313 = arith.constant 8 : i32
        %get3A_1314 = arith.index_cast %get3A_1313 : i32 to index
        %get3A_1315 = arith.index_cast %mul3A_822 : i32 to index
        %get3A_1316 = tpu.vector_load %arg11[%get3A_1314, %get3A_1315] {strides = array<i32>} : memref<10x1408xf32, #tpu.memory_space<vmem>>, vector<16xf32>,
        %sub3A_1317 = arith.subf %get3A_1316, %mul3A_1307 : vector<16xf32>
        %abs3A_1318 = math.absf %sub3A_1317 : vector<16xf32>
        %lt3A_1319 = arith.constant 1.000000e+00 : f32
        %lt3A_1320 = vector.broadcast %lt3A_1319 : f32 to vector<16xf32>
        %lt3A_1321 = arith.cmpf olt, %abs3A_1318, %lt3A_1320 : vector<16xf32>
        %mul3A_1322 = arith.constant 5.000000e-01 : f32
        %mul3A_1323 = vector.broadcast %mul3A_1322 : f32 to vector<16xf32>
        %mul3A_1324 = arith.mulf %mul3A_1323, %abs3A_1318 : vector<16xf32>
        %mul3A_1325 = arith.mulf %mul3A_1324, %abs3A_1318 : vector<16xf32>
        %sub3A_1326 = arith.constant 5.000000e-01 : f32
        %sub3A_1327 = vector.broadcast %sub3A_1326 : f32 to vector<16xf32>
        %sub3A_1328 = arith.subf %abs3A_1318, %sub3A_1327 : vector<16xf32>
        %select_n3A_1329 = arith.select %lt3A_1321, %mul3A_1325, %sub3A_1328 : vector<16xi1>, vector<16xf32>
        %add3A_1330 = arith.addf %add3A_1296, %select_n3A_1329 : vector<16xf32>
        %get3A_1331 = arith.constant 9 : i32
        %get3A_1332 = arith.index_cast %get3A_1331 : i32 to index
        %get3A_1333 = arith.index_cast %mul3A_822 : i32 to index
        %get3A_1334 = tpu.vector_load %arg11[%get3A_1332, %get3A_1333] {strides = array<i32>} : memref<10x1408xf32, #tpu.memory_space<vmem>>, vector<16xf32>,
        %sub3A_1335 = arith.subf %get3A_1334, %mul3A_1312 : vector<16xf32>
        %abs3A_1336 = math.absf %sub3A_1335 : vector<16xf32>
        %lt3A_1337 = arith.constant 1.000000e+00 : f32
        %lt3A_1338 = vector.broadcast %lt3A_1337 : f32 to vector<16xf32>
        %lt3A_1339 = arith.cmpf olt, %abs3A_1336, %lt3A_1338 : vector<16xf32>
        %mul3A_1340 = arith.constant 5.000000e-01 : f32
        %mul3A_1341 = vector.broadcast %mul3A_1340 : f32 to vector<16xf32>
        %mul3A_1342 = arith.mulf %mul3A_1341, %abs3A_1336 : vector<16xf32>
        %mul3A_1343 = arith.mulf %mul3A_1342, %abs3A_1336 : vector<16xf32>
        %sub3A_1344 = arith.constant 5.000000e-01 : f32
        %sub3A_1345 = vector.broadcast %sub3A_1344 : f32 to vector<16xf32>
        %sub3A_1346 = arith.subf %abs3A_1336, %sub3A_1345 : vector<16xf32>
        %select_n3A_1347 = arith.select %lt3A_1339, %mul3A_1343, %sub3A_1346 : vector<16xi1>, vector<16xf32>
        %add3A_1348 = arith.addf %add3A_1330, %select_n3A_1347 : vector<16xf32>
        %mul3A_1349 = arith.mulf %select_n3A_856, %add3A_1348 : vector<16xf32>
        %add3A_1350 = arith.addf %scan3A_818, %mul3A_1349 : vector<16xf32>
        %get3A_1351 = arith.constant 0 : i32
        %get3A_1352 = arith.index_cast %get3A_1351 : i32 to index
        %get3A_1353 = arith.index_cast %mul3A_822 : i32 to index
        %get3A_1354 = tpu.vector_load %arg9[%get3A_1352, %get3A_1353] {strides = array<i32>} : memref<2x1408xf32, #tpu.memory_space<vmem>>, vector<16xf32>,
        %get3A_1355 = arith.constant 1 : i32
        %get3A_1356 = arith.index_cast %get3A_1355 : i32 to index
        %get3A_1357 = arith.index_cast %mul3A_822 : i32 to index
        %get3A_1358 = tpu.vector_load %arg9[%get3A_1356, %get3A_1357] {strides = array<i32>} : memref<2x1408xf32, #tpu.memory_space<vmem>>, vector<16xf32>,
        %sub3A_1359 = arith.subf %get3A_1354, %get3A_1358 : vector<16xf32>
        %sub3A_1360 = arith.subf %get3A_1358, %get3A_1354 : vector<16xf32>
        %select_n3A_1361 = arith.select %ge3A_851, %sub3A_1359, %sub3A_1360 : vector<16xi1>, vector<16xf32>
        %max3A_1362 = arith.constant 0.000000e+00 : f32
        %max3A_1363 = vector.broadcast %max3A_1362 : f32 to vector<16xf32>
        %max3A_1364 = arith.maximumf %select_n3A_1361, %max3A_1363 : vector<16xf32>
        %abs3A_1365 = math.absf %select_n3A_1361 : vector<16xf32>
        %neg3A = arith.constant 0.000000e+00 : f32
        %neg3A_1366 = vector.broadcast %neg3A : f32 to vector<16xf32>
        %neg3A_1367 = arith.subf %neg3A_1366, %abs3A_1365 : vector<16xf32>
        %exp3A = math.exp %neg3A_1367 : vector<16xf32>
        %add3A_1368 = arith.constant 1.000000e+00 : f32
        %add3A_1369 = vector.broadcast %add3A_1368 : f32 to vector<16xf32>
        %add3A_1370 = arith.addf %add3A_1369, %exp3A : vector<16xf32>
        %bitcast3A_1371 = vector.bitcast %add3A_1370 : vector<16xf32> to vector<16xi32>
        %shift_right_arithmetic3A_1372 = arith.constant 23 : i32
        %shift_right_arithmetic3A_1373 = vector.broadcast %shift_right_arithmetic3A_1372 : i32 to vector<16xi32>
        %shift_right_arithmetic3A_1374 = arith.shrsi %bitcast3A_1371, %shift_right_arithmetic3A_1373 : vector<16xi32>
        %and3A_1375 = arith.constant 255 : i32
        %and3A_1376 = vector.broadcast %and3A_1375 : i32 to vector<16xi32>
        %and3A_1377 = arith.andi %shift_right_arithmetic3A_1374, %and3A_1376 : vector<16xi32>
        %sub3A_1378 = arith.constant 127 : i32
        %sub3A_1379 = vector.broadcast %sub3A_1378 : i32 to vector<16xi32>
        %sub3A_1380 = arith.subi %and3A_1377, %sub3A_1379 : vector<16xi32>
        %and3A_1381 = arith.constant 8388607 : i32
        %and3A_1382 = vector.broadcast %and3A_1381 : i32 to vector<16xi32>
        %and3A_1383 = arith.andi %bitcast3A_1371, %and3A_1382 : vector<16xi32>
        %or3A_1384 = arith.constant 1065353216 : i32
        %or3A_1385 = vector.broadcast %or3A_1384 : i32 to vector<16xi32>
        %or3A_1386 = arith.ori %and3A_1383, %or3A_1385 : vector<16xi32>
        %bitcast3A_1387 = vector.bitcast %or3A_1386 : vector<16xi32> to vector<16xf32>
        %gt3A_1388 = arith.constant 1.41421354 : f32
        %gt3A_1389 = vector.broadcast %gt3A_1388 : f32 to vector<16xf32>
        %gt3A_1390 = arith.cmpf ogt, %bitcast3A_1387, %gt3A_1389 : vector<16xf32>
        %mul3A_1391 = arith.constant 5.000000e-01 : f32
        %mul3A_1392 = vector.broadcast %mul3A_1391 : f32 to vector<16xf32>
        %mul3A_1393 = arith.mulf %bitcast3A_1387, %mul3A_1392 : vector<16xf32>
        %select_n3A_1394 = arith.select %gt3A_1390, %mul3A_1393, %bitcast3A_1387 : vector<16xi1>, vector<16xf32>
        %add3A_1395 = arith.constant 1 : i32
        %add3A_1396 = vector.broadcast %add3A_1395 : i32 to vector<16xi32>
        %add3A_1397 = arith.addi %sub3A_1380, %add3A_1396 : vector<16xi32>
        %select_n3A_1398 = arith.select %gt3A_1390, %add3A_1397, %sub3A_1380 : vector<16xi1>, vector<16xi32>
        %sub3A_1399 = arith.constant 1.000000e+00 : f32
        %sub3A_1400 = vector.broadcast %sub3A_1399 : f32 to vector<16xf32>
        %sub3A_1401 = arith.subf %select_n3A_1394, %sub3A_1400 : vector<16xf32>
        %add3A_1402 = arith.constant 1.000000e+00 : f32
        %add3A_1403 = vector.broadcast %add3A_1402 : f32 to vector<16xf32>
        %add3A_1404 = arith.addf %select_n3A_1394, %add3A_1403 : vector<16xf32>
        %div3A_1405 = arith.divf %sub3A_1401, %add3A_1404 : vector<16xf32>
        %mul3A_1406 = arith.mulf %div3A_1405, %div3A_1405 : vector<16xf32>
        %mul3A_1407 = arith.constant 0.222222224 : f32
        %mul3A_1408 = vector.broadcast %mul3A_1407 : f32 to vector<16xf32>
        %mul3A_1409 = arith.mulf %mul3A_1408, %mul3A_1406 : vector<16xf32>
        %add3A_1410 = arith.constant 0.285714298 : f32
        %add3A_1411 = vector.broadcast %add3A_1410 : f32 to vector<16xf32>
        %add3A_1412 = arith.addf %mul3A_1409, %add3A_1411 : vector<16xf32>
        %mul3A_1413 = arith.mulf %add3A_1412, %mul3A_1406 : vector<16xf32>
        %add3A_1414 = arith.constant 4.000000e-01 : f32
        %add3A_1415 = vector.broadcast %add3A_1414 : f32 to vector<16xf32>
        %add3A_1416 = arith.addf %mul3A_1413, %add3A_1415 : vector<16xf32>
        %mul3A_1417 = arith.mulf %add3A_1416, %mul3A_1406 : vector<16xf32>
        %add3A_1418 = arith.constant 0.666666686 : f32
        %add3A_1419 = vector.broadcast %add3A_1418 : f32 to vector<16xf32>
        %add3A_1420 = arith.addf %mul3A_1417, %add3A_1419 : vector<16xf32>
        %mul3A_1421 = arith.mulf %add3A_1420, %mul3A_1406 : vector<16xf32>
        %add3A_1422 = arith.constant 2.000000e+00 : f32
        %add3A_1423 = vector.broadcast %add3A_1422 : f32 to vector<16xf32>
        %add3A_1424 = arith.addf %mul3A_1421, %add3A_1423 : vector<16xf32>
        %convert_element_type3A_1425 = arith.sitofp %select_n3A_1398 : vector<16xi32> to vector<16xf32>
        %mul3A_1426 = arith.constant 0.693147182 : f32
        %mul3A_1427 = vector.broadcast %mul3A_1426 : f32 to vector<16xf32>
        %mul3A_1428 = arith.mulf %convert_element_type3A_1425, %mul3A_1427 : vector<16xf32>
        %mul3A_1429 = arith.mulf %div3A_1405, %add3A_1424 : vector<16xf32>
        %add3A_1430 = arith.addf %mul3A_1428, %mul3A_1429 : vector<16xf32>
        %add3A_1431 = arith.addf %max3A_1364, %add3A_1430 : vector<16xf32>
        %mul3A_1432 = arith.mulf %select_n3A_856, %add3A_1431 : vector<16xf32>
        %add3A_1433 = arith.addf %scan3A_819, %mul3A_1432 : vector<16xf32>
        %add3A_1434 = arith.addf %scan3A_820, %select_n3A_856 : vector<16xf32>
        %add3A_1435 = arith.addi %mul3A_4, %mul3A_805 : i32
        %add3A_1436 = arith.addi %add3A_1435, %mul3A_822 : i32
        %iota3A_1437 = tpu.iota {dimensions = array<i32: 0>} : vector<16xi32>
        %add3A_1438 = vector.broadcast %add3A_1436 : i32 to vector<16xi32>
        %add3A_1439 = arith.addi %add3A_1438, %iota3A_1437 : vector<16xi32>
        %lt3A_1440 = arith.constant 16800 : i32
        %lt3A_1441 = vector.broadcast %lt3A_1440 : i32 to vector<16xi32>
        %lt3A_1442 = arith.cmpi slt, %add3A_1439, %lt3A_1441 : vector<16xi32>
        %not3A = arith.constant dense<true> : vector<16xi1>
        %not3A_1443 = arith.xori %lt3A_1442, %not3A : vector<16xi1>
        %or3A_1444 = arith.ori %ge3A_851, %not3A_1443 : vector<16xi1>
        %jit3A_1445 = arith.constant 0.000000e+00 : f32
        %broadcast_in_dim3A_1446 = vector.broadcast %jit3A_1445 : f32 to vector<16xf32>
        %select_n3A_1447 = arith.select %or3A_1444, %broadcast_in_dim3A_1446, %add3A_1431 : vector<16xi1>, vector<16xf32>
        %swap3A_1448 = arith.index_cast %add3A_823 : i32 to index
        %swap3A_1449 = tpu.vector_load %arg15[%swap3A_1448] {strides = array<i32>} : memref<8448xf32, #tpu.memory_space<vmem>>, vector<16xf32>,
        tpu.vector_store %arg15[%swap3A_1448], %select_n3A_1447 {strides = array<i32>} : memref<8448xf32, #tpu.memory_space<vmem>>, vector<16xf32>,
        scf.yield %add3A_1086, %add3A_1350, %add3A_1433, %add3A_1434 : vector<16xf32>, vector<16xf32>, vector<16xf32>, vector<16xf32>
      }
      %scan3A_815 = arith.constant 88 : i32
      scf.yield %scan3A_814#0, %scan3A_814#1, %scan3A_814#2, %scan3A_814#3 : vector<16xf32>, vector<16xf32>, vector<16xf32>, vector<16xf32>
    }
    %scan3A_315 = arith.constant 6 : i32
    %iota3A_316 = tpu.iota {dimensions = array<i32: 0>} : vector<16xi32>
    %add3A_317 = arith.constant 1 : i32
    %add3A_318 = vector.broadcast %add3A_317 : i32 to vector<16xi32>
    %add3A_319 = arith.addi %iota3A_316, %add3A_318 : vector<16xi32>
    %and3A_320 = arith.constant 15 : i32
    %and3A_321 = vector.broadcast %and3A_320 : i32 to vector<16xi32>
    %and3A_322 = arith.andi %add3A_319, %and3A_321 : vector<16xi32>
    %lt3A_323 = arith.constant 0 : i32
    %lt3A_324 = vector.broadcast %lt3A_323 : i32 to vector<16xi32>
    %lt3A_325 = arith.cmpi slt, %and3A_322, %lt3A_324 : vector<16xi32>
    %add3A_326 = arith.constant 16 : i32
    %add3A_327 = vector.broadcast %add3A_326 : i32 to vector<16xi32>
    %add3A_328 = arith.addi %and3A_322, %add3A_327 : vector<16xi32>
    %select_n3A_329 = arith.select %lt3A_325, %add3A_328, %and3A_322 : vector<16xi1>, vector<16xi32>
    %broadcast_in_dim3A_330 = vector.shape_cast %select_n3A_329 : vector<16xi32> to vector<16x1xi32>
    %gather3A = vector.shape_cast %broadcast_in_dim3A_330 : vector<16x1xi32> to vector<16xi32>
    %gather3A_331 = tpu.dynamic_gather %scan3A_314#3[%gather3A] in [0] : vector<16xf32>, vector<16xi32> -> vector<16xf32>
    %add3A_332 = arith.addf %scan3A_314#3, %gather3A_331 : vector<16xf32>
    %iota3A_333 = tpu.iota {dimensions = array<i32: 0>} : vector<16xi32>
    %add3A_334 = arith.constant 2 : i32
    %add3A_335 = vector.broadcast %add3A_334 : i32 to vector<16xi32>
    %add3A_336 = arith.addi %iota3A_333, %add3A_335 : vector<16xi32>
    %and3A_337 = arith.constant 15 : i32
    %and3A_338 = vector.broadcast %and3A_337 : i32 to vector<16xi32>
    %and3A_339 = arith.andi %add3A_336, %and3A_338 : vector<16xi32>
    %lt3A_340 = arith.constant 0 : i32
    %lt3A_341 = vector.broadcast %lt3A_340 : i32 to vector<16xi32>
    %lt3A_342 = arith.cmpi slt, %and3A_339, %lt3A_341 : vector<16xi32>
    %add3A_343 = arith.constant 16 : i32
    %add3A_344 = vector.broadcast %add3A_343 : i32 to vector<16xi32>
    %add3A_345 = arith.addi %and3A_339, %add3A_344 : vector<16xi32>
    %select_n3A_346 = arith.select %lt3A_342, %add3A_345, %and3A_339 : vector<16xi1>, vector<16xi32>
    %broadcast_in_dim3A_347 = vector.shape_cast %select_n3A_346 : vector<16xi32> to vector<16x1xi32>
    %gather3A_348 = vector.shape_cast %broadcast_in_dim3A_347 : vector<16x1xi32> to vector<16xi32>
    %gather3A_349 = tpu.dynamic_gather %add3A_332[%gather3A_348] in [0] : vector<16xf32>, vector<16xi32> -> vector<16xf32>
    %add3A_350 = arith.addf %add3A_332, %gather3A_349 : vector<16xf32>
    %iota3A_351 = tpu.iota {dimensions = array<i32: 0>} : vector<16xi32>
    %add3A_352 = arith.constant 4 : i32
    %add3A_353 = vector.broadcast %add3A_352 : i32 to vector<16xi32>
    %add3A_354 = arith.addi %iota3A_351, %add3A_353 : vector<16xi32>
    %and3A_355 = arith.constant 15 : i32
    %and3A_356 = vector.broadcast %and3A_355 : i32 to vector<16xi32>
    %and3A_357 = arith.andi %add3A_354, %and3A_356 : vector<16xi32>
    %lt3A_358 = arith.constant 0 : i32
    %lt3A_359 = vector.broadcast %lt3A_358 : i32 to vector<16xi32>
    %lt3A_360 = arith.cmpi slt, %and3A_357, %lt3A_359 : vector<16xi32>
    %add3A_361 = arith.constant 16 : i32
    %add3A_362 = vector.broadcast %add3A_361 : i32 to vector<16xi32>
    %add3A_363 = arith.addi %and3A_357, %add3A_362 : vector<16xi32>
    %select_n3A_364 = arith.select %lt3A_360, %add3A_363, %and3A_357 : vector<16xi1>, vector<16xi32>
    %broadcast_in_dim3A_365 = vector.shape_cast %select_n3A_364 : vector<16xi32> to vector<16x1xi32>
    %gather3A_366 = vector.shape_cast %broadcast_in_dim3A_365 : vector<16x1xi32> to vector<16xi32>
    %gather3A_367 = tpu.dynamic_gather %add3A_350[%gather3A_366] in [0] : vector<16xf32>, vector<16xi32> -> vector<16xf32>
    %add3A_368 = arith.addf %add3A_350, %gather3A_367 : vector<16xf32>
    %iota3A_369 = tpu.iota {dimensions = array<i32: 0>} : vector<16xi32>
    %add3A_370 = arith.constant 8 : i32
    %add3A_371 = vector.broadcast %add3A_370 : i32 to vector<16xi32>
    %add3A_372 = arith.addi %iota3A_369, %add3A_371 : vector<16xi32>
    %and3A_373 = arith.constant 15 : i32
    %and3A_374 = vector.broadcast %and3A_373 : i32 to vector<16xi32>
    %and3A_375 = arith.andi %add3A_372, %and3A_374 : vector<16xi32>
    %lt3A_376 = arith.constant 0 : i32
    %lt3A_377 = vector.broadcast %lt3A_376 : i32 to vector<16xi32>
    %lt3A_378 = arith.cmpi slt, %and3A_375, %lt3A_377 : vector<16xi32>
    %add3A_379 = arith.constant 16 : i32
    %add3A_380 = vector.broadcast %add3A_379 : i32 to vector<16xi32>
    %add3A_381 = arith.addi %and3A_375, %add3A_380 : vector<16xi32>
    %select_n3A_382 = arith.select %lt3A_378, %add3A_381, %and3A_375 : vector<16xi1>, vector<16xi32>
    %broadcast_in_dim3A_383 = vector.shape_cast %select_n3A_382 : vector<16xi32> to vector<16x1xi32>
    %gather3A_384 = vector.shape_cast %broadcast_in_dim3A_383 : vector<16x1xi32> to vector<16xi32>
    %gather3A_385 = tpu.dynamic_gather %add3A_368[%gather3A_384] in [0] : vector<16xf32>, vector<16xi32> -> vector<16xf32>
    %add3A_386 = arith.addf %add3A_368, %gather3A_385 : vector<16xf32>
    %slice3A = vector.extract_strided_slice %add3A_386 {offsets = [0], sizes = [1], strides = [1]} : vector<16xf32> to vector<1xf32>
    %squeeze3A = vector.extract %slice3A[0] : f32 from vector<1xf32>
    %iota3A_387 = tpu.iota {dimensions = array<i32: 0>} : vector<16xi32>
    %add3A_388 = arith.constant 1 : i32
    %add3A_389 = vector.broadcast %add3A_388 : i32 to vector<16xi32>
    %add3A_390 = arith.addi %iota3A_387, %add3A_389 : vector<16xi32>
    %and3A_391 = arith.constant 15 : i32
    %and3A_392 = vector.broadcast %and3A_391 : i32 to vector<16xi32>
    %and3A_393 = arith.andi %add3A_390, %and3A_392 : vector<16xi32>
    %lt3A_394 = arith.constant 0 : i32
    %lt3A_395 = vector.broadcast %lt3A_394 : i32 to vector<16xi32>
    %lt3A_396 = arith.cmpi slt, %and3A_393, %lt3A_395 : vector<16xi32>
    %add3A_397 = arith.constant 16 : i32
    %add3A_398 = vector.broadcast %add3A_397 : i32 to vector<16xi32>
    %add3A_399 = arith.addi %and3A_393, %add3A_398 : vector<16xi32>
    %select_n3A_400 = arith.select %lt3A_396, %add3A_399, %and3A_393 : vector<16xi1>, vector<16xi32>
    %broadcast_in_dim3A_401 = vector.shape_cast %select_n3A_400 : vector<16xi32> to vector<16x1xi32>
    %gather3A_402 = vector.shape_cast %broadcast_in_dim3A_401 : vector<16x1xi32> to vector<16xi32>
    %gather3A_403 = tpu.dynamic_gather %scan3A_314#0[%gather3A_402] in [0] : vector<16xf32>, vector<16xi32> -> vector<16xf32>
    %add3A_404 = arith.addf %scan3A_314#0, %gather3A_403 : vector<16xf32>
    %iota3A_405 = tpu.iota {dimensions = array<i32: 0>} : vector<16xi32>
    %add3A_406 = arith.constant 2 : i32
    %add3A_407 = vector.broadcast %add3A_406 : i32 to vector<16xi32>
    %add3A_408 = arith.addi %iota3A_405, %add3A_407 : vector<16xi32>
    %and3A_409 = arith.constant 15 : i32
    %and3A_410 = vector.broadcast %and3A_409 : i32 to vector<16xi32>
    %and3A_411 = arith.andi %add3A_408, %and3A_410 : vector<16xi32>
    %lt3A_412 = arith.constant 0 : i32
    %lt3A_413 = vector.broadcast %lt3A_412 : i32 to vector<16xi32>
    %lt3A_414 = arith.cmpi slt, %and3A_411, %lt3A_413 : vector<16xi32>
    %add3A_415 = arith.constant 16 : i32
    %add3A_416 = vector.broadcast %add3A_415 : i32 to vector<16xi32>
    %add3A_417 = arith.addi %and3A_411, %add3A_416 : vector<16xi32>
    %select_n3A_418 = arith.select %lt3A_414, %add3A_417, %and3A_411 : vector<16xi1>, vector<16xi32>
    %broadcast_in_dim3A_419 = vector.shape_cast %select_n3A_418 : vector<16xi32> to vector<16x1xi32>
    %gather3A_420 = vector.shape_cast %broadcast_in_dim3A_419 : vector<16x1xi32> to vector<16xi32>
    %gather3A_421 = tpu.dynamic_gather %add3A_404[%gather3A_420] in [0] : vector<16xf32>, vector<16xi32> -> vector<16xf32>
    %add3A_422 = arith.addf %add3A_404, %gather3A_421 : vector<16xf32>
    %iota3A_423 = tpu.iota {dimensions = array<i32: 0>} : vector<16xi32>
    %add3A_424 = arith.constant 4 : i32
    %add3A_425 = vector.broadcast %add3A_424 : i32 to vector<16xi32>
    %add3A_426 = arith.addi %iota3A_423, %add3A_425 : vector<16xi32>
    %and3A_427 = arith.constant 15 : i32
    %and3A_428 = vector.broadcast %and3A_427 : i32 to vector<16xi32>
    %and3A_429 = arith.andi %add3A_426, %and3A_428 : vector<16xi32>
    %lt3A_430 = arith.constant 0 : i32
    %lt3A_431 = vector.broadcast %lt3A_430 : i32 to vector<16xi32>
    %lt3A_432 = arith.cmpi slt, %and3A_429, %lt3A_431 : vector<16xi32>
    %add3A_433 = arith.constant 16 : i32
    %add3A_434 = vector.broadcast %add3A_433 : i32 to vector<16xi32>
    %add3A_435 = arith.addi %and3A_429, %add3A_434 : vector<16xi32>
    %select_n3A_436 = arith.select %lt3A_432, %add3A_435, %and3A_429 : vector<16xi1>, vector<16xi32>
    %broadcast_in_dim3A_437 = vector.shape_cast %select_n3A_436 : vector<16xi32> to vector<16x1xi32>
    %gather3A_438 = vector.shape_cast %broadcast_in_dim3A_437 : vector<16x1xi32> to vector<16xi32>
    %gather3A_439 = tpu.dynamic_gather %add3A_422[%gather3A_438] in [0] : vector<16xf32>, vector<16xi32> -> vector<16xf32>
    %add3A_440 = arith.addf %add3A_422, %gather3A_439 : vector<16xf32>
    %iota3A_441 = tpu.iota {dimensions = array<i32: 0>} : vector<16xi32>
    %add3A_442 = arith.constant 8 : i32
    %add3A_443 = vector.broadcast %add3A_442 : i32 to vector<16xi32>
    %add3A_444 = arith.addi %iota3A_441, %add3A_443 : vector<16xi32>
    %and3A_445 = arith.constant 15 : i32
    %and3A_446 = vector.broadcast %and3A_445 : i32 to vector<16xi32>
    %and3A_447 = arith.andi %add3A_444, %and3A_446 : vector<16xi32>
    %lt3A_448 = arith.constant 0 : i32
    %lt3A_449 = vector.broadcast %lt3A_448 : i32 to vector<16xi32>
    %lt3A_450 = arith.cmpi slt, %and3A_447, %lt3A_449 : vector<16xi32>
    %add3A_451 = arith.constant 16 : i32
    %add3A_452 = vector.broadcast %add3A_451 : i32 to vector<16xi32>
    %add3A_453 = arith.addi %and3A_447, %add3A_452 : vector<16xi32>
    %select_n3A_454 = arith.select %lt3A_450, %add3A_453, %and3A_447 : vector<16xi1>, vector<16xi32>
    %broadcast_in_dim3A_455 = vector.shape_cast %select_n3A_454 : vector<16xi32> to vector<16x1xi32>
    %gather3A_456 = vector.shape_cast %broadcast_in_dim3A_455 : vector<16x1xi32> to vector<16xi32>
    %gather3A_457 = tpu.dynamic_gather %add3A_440[%gather3A_456] in [0] : vector<16xf32>, vector<16xi32> -> vector<16xf32>
    %add3A_458 = arith.addf %add3A_440, %gather3A_457 : vector<16xf32>
    %slice3A_459 = vector.extract_strided_slice %add3A_458 {offsets = [0], sizes = [1], strides = [1]} : vector<16xf32> to vector<1xf32>
    %squeeze3A_460 = vector.extract %slice3A_459[0] : f32 from vector<1xf32>
    %iota3A_461 = tpu.iota {dimensions = array<i32: 0>} : vector<16xi32>
    %add3A_462 = arith.constant 1 : i32
    %add3A_463 = vector.broadcast %add3A_462 : i32 to vector<16xi32>
    %add3A_464 = arith.addi %iota3A_461, %add3A_463 : vector<16xi32>
    %and3A_465 = arith.constant 15 : i32
    %and3A_466 = vector.broadcast %and3A_465 : i32 to vector<16xi32>
    %and3A_467 = arith.andi %add3A_464, %and3A_466 : vector<16xi32>
    %lt3A_468 = arith.constant 0 : i32
    %lt3A_469 = vector.broadcast %lt3A_468 : i32 to vector<16xi32>
    %lt3A_470 = arith.cmpi slt, %and3A_467, %lt3A_469 : vector<16xi32>
    %add3A_471 = arith.constant 16 : i32
    %add3A_472 = vector.broadcast %add3A_471 : i32 to vector<16xi32>
    %add3A_473 = arith.addi %and3A_467, %add3A_472 : vector<16xi32>
    %select_n3A_474 = arith.select %lt3A_470, %add3A_473, %and3A_467 : vector<16xi1>, vector<16xi32>
    %broadcast_in_dim3A_475 = vector.shape_cast %select_n3A_474 : vector<16xi32> to vector<16x1xi32>
    %gather3A_476 = vector.shape_cast %broadcast_in_dim3A_475 : vector<16x1xi32> to vector<16xi32>
    %gather3A_477 = tpu.dynamic_gather %scan3A_314#1[%gather3A_476] in [0] : vector<16xf32>, vector<16xi32> -> vector<16xf32>
    %add3A_478 = arith.addf %scan3A_314#1, %gather3A_477 : vector<16xf32>
    %iota3A_479 = tpu.iota {dimensions = array<i32: 0>} : vector<16xi32>
    %add3A_480 = arith.constant 2 : i32
    %add3A_481 = vector.broadcast %add3A_480 : i32 to vector<16xi32>
    %add3A_482 = arith.addi %iota3A_479, %add3A_481 : vector<16xi32>
    %and3A_483 = arith.constant 15 : i32
    %and3A_484 = vector.broadcast %and3A_483 : i32 to vector<16xi32>
    %and3A_485 = arith.andi %add3A_482, %and3A_484 : vector<16xi32>
    %lt3A_486 = arith.constant 0 : i32
    %lt3A_487 = vector.broadcast %lt3A_486 : i32 to vector<16xi32>
    %lt3A_488 = arith.cmpi slt, %and3A_485, %lt3A_487 : vector<16xi32>
    %add3A_489 = arith.constant 16 : i32
    %add3A_490 = vector.broadcast %add3A_489 : i32 to vector<16xi32>
    %add3A_491 = arith.addi %and3A_485, %add3A_490 : vector<16xi32>
    %select_n3A_492 = arith.select %lt3A_488, %add3A_491, %and3A_485 : vector<16xi1>, vector<16xi32>
    %broadcast_in_dim3A_493 = vector.shape_cast %select_n3A_492 : vector<16xi32> to vector<16x1xi32>
    %gather3A_494 = vector.shape_cast %broadcast_in_dim3A_493 : vector<16x1xi32> to vector<16xi32>
    %gather3A_495 = tpu.dynamic_gather %add3A_478[%gather3A_494] in [0] : vector<16xf32>, vector<16xi32> -> vector<16xf32>
    %add3A_496 = arith.addf %add3A_478, %gather3A_495 : vector<16xf32>
    %iota3A_497 = tpu.iota {dimensions = array<i32: 0>} : vector<16xi32>
    %add3A_498 = arith.constant 4 : i32
    %add3A_499 = vector.broadcast %add3A_498 : i32 to vector<16xi32>
    %add3A_500 = arith.addi %iota3A_497, %add3A_499 : vector<16xi32>
    %and3A_501 = arith.constant 15 : i32
    %and3A_502 = vector.broadcast %and3A_501 : i32 to vector<16xi32>
    %and3A_503 = arith.andi %add3A_500, %and3A_502 : vector<16xi32>
    %lt3A_504 = arith.constant 0 : i32
    %lt3A_505 = vector.broadcast %lt3A_504 : i32 to vector<16xi32>
    %lt3A_506 = arith.cmpi slt, %and3A_503, %lt3A_505 : vector<16xi32>
    %add3A_507 = arith.constant 16 : i32
    %add3A_508 = vector.broadcast %add3A_507 : i32 to vector<16xi32>
    %add3A_509 = arith.addi %and3A_503, %add3A_508 : vector<16xi32>
    %select_n3A_510 = arith.select %lt3A_506, %add3A_509, %and3A_503 : vector<16xi1>, vector<16xi32>
    %broadcast_in_dim3A_511 = vector.shape_cast %select_n3A_510 : vector<16xi32> to vector<16x1xi32>
    %gather3A_512 = vector.shape_cast %broadcast_in_dim3A_511 : vector<16x1xi32> to vector<16xi32>
    %gather3A_513 = tpu.dynamic_gather %add3A_496[%gather3A_512] in [0] : vector<16xf32>, vector<16xi32> -> vector<16xf32>
    %add3A_514 = arith.addf %add3A_496, %gather3A_513 : vector<16xf32>
    %iota3A_515 = tpu.iota {dimensions = array<i32: 0>} : vector<16xi32>
    %add3A_516 = arith.constant 8 : i32
    %add3A_517 = vector.broadcast %add3A_516 : i32 to vector<16xi32>
    %add3A_518 = arith.addi %iota3A_515, %add3A_517 : vector<16xi32>
    %and3A_519 = arith.constant 15 : i32
    %and3A_520 = vector.broadcast %and3A_519 : i32 to vector<16xi32>
    %and3A_521 = arith.andi %add3A_518, %and3A_520 : vector<16xi32>
    %lt3A_522 = arith.constant 0 : i32
    %lt3A_523 = vector.broadcast %lt3A_522 : i32 to vector<16xi32>
    %lt3A_524 = arith.cmpi slt, %and3A_521, %lt3A_523 : vector<16xi32>
    %add3A_525 = arith.constant 16 : i32
    %add3A_526 = vector.broadcast %add3A_525 : i32 to vector<16xi32>
    %add3A_527 = arith.addi %and3A_521, %add3A_526 : vector<16xi32>
    %select_n3A_528 = arith.select %lt3A_524, %add3A_527, %and3A_521 : vector<16xi1>, vector<16xi32>
    %broadcast_in_dim3A_529 = vector.shape_cast %select_n3A_528 : vector<16xi32> to vector<16x1xi32>
    %gather3A_530 = vector.shape_cast %broadcast_in_dim3A_529 : vector<16x1xi32> to vector<16xi32>
    %gather3A_531 = tpu.dynamic_gather %add3A_514[%gather3A_530] in [0] : vector<16xf32>, vector<16xi32> -> vector<16xf32>
    %add3A_532 = arith.addf %add3A_514, %gather3A_531 : vector<16xf32>
    %slice3A_533 = vector.extract_strided_slice %add3A_532 {offsets = [0], sizes = [1], strides = [1]} : vector<16xf32> to vector<1xf32>
    %squeeze3A_534 = vector.extract %slice3A_533[0] : f32 from vector<1xf32>
    %iota3A_535 = tpu.iota {dimensions = array<i32: 0>} : vector<16xi32>
    %add3A_536 = arith.constant 1 : i32
    %add3A_537 = vector.broadcast %add3A_536 : i32 to vector<16xi32>
    %add3A_538 = arith.addi %iota3A_535, %add3A_537 : vector<16xi32>
    %and3A_539 = arith.constant 15 : i32
    %and3A_540 = vector.broadcast %and3A_539 : i32 to vector<16xi32>
    %and3A_541 = arith.andi %add3A_538, %and3A_540 : vector<16xi32>
    %lt3A_542 = arith.constant 0 : i32
    %lt3A_543 = vector.broadcast %lt3A_542 : i32 to vector<16xi32>
    %lt3A_544 = arith.cmpi slt, %and3A_541, %lt3A_543 : vector<16xi32>
    %add3A_545 = arith.constant 16 : i32
    %add3A_546 = vector.broadcast %add3A_545 : i32 to vector<16xi32>
    %add3A_547 = arith.addi %and3A_541, %add3A_546 : vector<16xi32>
    %select_n3A_548 = arith.select %lt3A_544, %add3A_547, %and3A_541 : vector<16xi1>, vector<16xi32>
    %broadcast_in_dim3A_549 = vector.shape_cast %select_n3A_548 : vector<16xi32> to vector<16x1xi32>
    %gather3A_550 = vector.shape_cast %broadcast_in_dim3A_549 : vector<16x1xi32> to vector<16xi32>
    %gather3A_551 = tpu.dynamic_gather %scan3A_314#2[%gather3A_550] in [0] : vector<16xf32>, vector<16xi32> -> vector<16xf32>
    %add3A_552 = arith.addf %scan3A_314#2, %gather3A_551 : vector<16xf32>
    %iota3A_553 = tpu.iota {dimensions = array<i32: 0>} : vector<16xi32>
    %add3A_554 = arith.constant 2 : i32
    %add3A_555 = vector.broadcast %add3A_554 : i32 to vector<16xi32>
    %add3A_556 = arith.addi %iota3A_553, %add3A_555 : vector<16xi32>
    %and3A_557 = arith.constant 15 : i32
    %and3A_558 = vector.broadcast %and3A_557 : i32 to vector<16xi32>
    %and3A_559 = arith.andi %add3A_556, %and3A_558 : vector<16xi32>
    %lt3A_560 = arith.constant 0 : i32
    %lt3A_561 = vector.broadcast %lt3A_560 : i32 to vector<16xi32>
    %lt3A_562 = arith.cmpi slt, %and3A_559, %lt3A_561 : vector<16xi32>
    %add3A_563 = arith.constant 16 : i32
    %add3A_564 = vector.broadcast %add3A_563 : i32 to vector<16xi32>
    %add3A_565 = arith.addi %and3A_559, %add3A_564 : vector<16xi32>
    %select_n3A_566 = arith.select %lt3A_562, %add3A_565, %and3A_559 : vector<16xi1>, vector<16xi32>
    %broadcast_in_dim3A_567 = vector.shape_cast %select_n3A_566 : vector<16xi32> to vector<16x1xi32>
    %gather3A_568 = vector.shape_cast %broadcast_in_dim3A_567 : vector<16x1xi32> to vector<16xi32>
    %gather3A_569 = tpu.dynamic_gather %add3A_552[%gather3A_568] in [0] : vector<16xf32>, vector<16xi32> -> vector<16xf32>
    %add3A_570 = arith.addf %add3A_552, %gather3A_569 : vector<16xf32>
    %iota3A_571 = tpu.iota {dimensions = array<i32: 0>} : vector<16xi32>
    %add3A_572 = arith.constant 4 : i32
    %add3A_573 = vector.broadcast %add3A_572 : i32 to vector<16xi32>
    %add3A_574 = arith.addi %iota3A_571, %add3A_573 : vector<16xi32>
    %and3A_575 = arith.constant 15 : i32
    %and3A_576 = vector.broadcast %and3A_575 : i32 to vector<16xi32>
    %and3A_577 = arith.andi %add3A_574, %and3A_576 : vector<16xi32>
    %lt3A_578 = arith.constant 0 : i32
    %lt3A_579 = vector.broadcast %lt3A_578 : i32 to vector<16xi32>
    %lt3A_580 = arith.cmpi slt, %and3A_577, %lt3A_579 : vector<16xi32>
    %add3A_581 = arith.constant 16 : i32
    %add3A_582 = vector.broadcast %add3A_581 : i32 to vector<16xi32>
    %add3A_583 = arith.addi %and3A_577, %add3A_582 : vector<16xi32>
    %select_n3A_584 = arith.select %lt3A_580, %add3A_583, %and3A_577 : vector<16xi1>, vector<16xi32>
    %broadcast_in_dim3A_585 = vector.shape_cast %select_n3A_584 : vector<16xi32> to vector<16x1xi32>
    %gather3A_586 = vector.shape_cast %broadcast_in_dim3A_585 : vector<16x1xi32> to vector<16xi32>
    %gather3A_587 = tpu.dynamic_gather %add3A_570[%gather3A_586] in [0] : vector<16xf32>, vector<16xi32> -> vector<16xf32>
    %add3A_588 = arith.addf %add3A_570, %gather3A_587 : vector<16xf32>
    %iota3A_589 = tpu.iota {dimensions = array<i32: 0>} : vector<16xi32>
    %add3A_590 = arith.constant 8 : i32
    %add3A_591 = vector.broadcast %add3A_590 : i32 to vector<16xi32>
    %add3A_592 = arith.addi %iota3A_589, %add3A_591 : vector<16xi32>
    %and3A_593 = arith.constant 15 : i32
    %and3A_594 = vector.broadcast %and3A_593 : i32 to vector<16xi32>
    %and3A_595 = arith.andi %add3A_592, %and3A_594 : vector<16xi32>
    %lt3A_596 = arith.constant 0 : i32
    %lt3A_597 = vector.broadcast %lt3A_596 : i32 to vector<16xi32>
    %lt3A_598 = arith.cmpi slt, %and3A_595, %lt3A_597 : vector<16xi32>
    %add3A_599 = arith.constant 16 : i32
    %add3A_600 = vector.broadcast %add3A_599 : i32 to vector<16xi32>
    %add3A_601 = arith.addi %and3A_595, %add3A_600 : vector<16xi32>
    %select_n3A_602 = arith.select %lt3A_598, %add3A_601, %and3A_595 : vector<16xi1>, vector<16xi32>
    %broadcast_in_dim3A_603 = vector.shape_cast %select_n3A_602 : vector<16xi32> to vector<16x1xi32>
    %gather3A_604 = vector.shape_cast %broadcast_in_dim3A_603 : vector<16x1xi32> to vector<16xi32>
    %gather3A_605 = tpu.dynamic_gather %add3A_588[%gather3A_604] in [0] : vector<16xf32>, vector<16xi32> -> vector<16xf32>
    %add3A_606 = arith.addf %add3A_588, %gather3A_605 : vector<16xf32>
    %slice3A_607 = vector.extract_strided_slice %add3A_606 {offsets = [0], sizes = [1], strides = [1]} : vector<16xf32> to vector<1xf32>
    %squeeze3A_608 = vector.extract %slice3A_607[0] : f32 from vector<1xf32>
    %broadcast_in_dim3A_609 = arith.constant 1.000000e+00 : f32
    %broadcast_in_dim3A_610 = vector.broadcast %broadcast_in_dim3A_609 : f32 to vector<16xf32>
    %mul3A_611 = vector.broadcast %squeeze3A : f32 to vector<16xf32>
    %mul3A_612 = arith.mulf %broadcast_in_dim3A_610, %mul3A_611 : vector<16xf32>
    %swap3A_613 = arith.constant 0 : index
    %swap3A_614 = tpu.vector_load %arg22[%swap3A_613] {strides = array<i32>} : memref<16xf32, #tpu.memory_space<vmem>>, vector<16xf32>,
    tpu.vector_store %arg22[%swap3A_613], %mul3A_612 {strides = array<i32>} : memref<16xf32, #tpu.memory_space<vmem>>, vector<16xf32>,
    %barrier3A_615 = arith.constant 0 : index
    tpu.barrier barrier_id(%barrier3A_615)
    "tpu.region"() ({
      %run_scoped3A = tpu.sem_alloc : memref<!tpu.dma_semaphore, #tpu.memory_space<semaphore_mem>>
      %dma_start3A = arith.constant 0 : i32
      %dma_start3A_799 = tpu.memref_slice %arg25[%arg1, %dma_start3A] : memref<16x16xf32, #tpu.memory_space<vmem_shared>> -> memref<1x16xf32, #tpu.memory_space<vmem_shared>>
      %dma_start3A_800 = tpu.memref_squeeze %dma_start3A_799 : memref<1x16xf32, #tpu.memory_space<vmem_shared>> -> memref<16xf32, #tpu.memory_space<vmem_shared>>
      %dma_start3A_801 = arith.constant 0 : i32
      %dma_start3A_802 = tpu.memref_slice %arg25[%arg1, %dma_start3A_801] : memref<16x16xf32, #tpu.memory_space<vmem_shared>> -> memref<1x16xf32, #tpu.memory_space<vmem_shared>>
      %dma_start3A_803 = tpu.memref_squeeze %dma_start3A_802 : memref<1x16xf32, #tpu.memory_space<vmem_shared>> -> memref<16xf32, #tpu.memory_space<vmem_shared>>
      tpu.enqueue_dma source(%arg22 : memref<16xf32, #tpu.memory_space<vmem>>) target(%dma_start3A_803 : memref<16xf32, #tpu.memory_space<vmem_shared>>) target_semaphore(%run_scoped3A : memref<!tpu.dma_semaphore, #tpu.memory_space<semaphore_mem>>)
      %dma_wait3A = arith.constant 0 : i32
      %dma_wait3A_804 = tpu.memref_slice %arg25[%arg1, %dma_wait3A] : memref<16x16xf32, #tpu.memory_space<vmem_shared>> -> memref<1x16xf32, #tpu.memory_space<vmem_shared>>
      %dma_wait3A_805 = tpu.memref_squeeze %dma_wait3A_804 : memref<1x16xf32, #tpu.memory_space<vmem_shared>> -> memref<16xf32, #tpu.memory_space<vmem_shared>>
      %dma_wait3A_806 = arith.constant 0 : i32
      %dma_wait3A_807 = tpu.memref_slice %arg25[%arg1, %dma_wait3A_806] : memref<16x16xf32, #tpu.memory_space<vmem_shared>> -> memref<1x16xf32, #tpu.memory_space<vmem_shared>>
      %dma_wait3A_808 = tpu.memref_squeeze %dma_wait3A_807 : memref<1x16xf32, #tpu.memory_space<vmem_shared>> -> memref<16xf32, #tpu.memory_space<vmem_shared>>
      tpu.wait_dma2 semaphore(%run_scoped3A : memref<!tpu.dma_semaphore, #tpu.memory_space<semaphore_mem>>) src(%arg22 : memref<16xf32, #tpu.memory_space<vmem>>) dst(%dma_wait3A_808 : memref<16xf32, #tpu.memory_space<vmem_shared>>)
      tpu.yield
    }) : () -> ()
    %barrier3A_616 = arith.constant 0 : index
    tpu.barrier barrier_id(%barrier3A_616)
    %barrier3A_617 = arith.constant 0 : index
    tpu.barrier barrier_id(%barrier3A_617)
    %xor3A_618 = arith.constant 8 : i32
    %xor3A_619 = arith.xori %arg1, %xor3A_618 : i32
    "tpu.region"() ({
      %run_scoped3A = tpu.sem_alloc : memref<!tpu.dma_semaphore, #tpu.memory_space<semaphore_mem>>
      %dma_start3A = arith.constant 0 : i32
      %dma_start3A_799 = tpu.memref_slice %arg25[%xor3A_619, %dma_start3A] : memref<16x16xf32, #tpu.memory_space<vmem_shared>> -> memref<1x16xf32, #tpu.memory_space<vmem_shared>>
      %dma_start3A_800 = tpu.memref_squeeze %dma_start3A_799 : memref<1x16xf32, #tpu.memory_space<vmem_shared>> -> memref<16xf32, #tpu.memory_space<vmem_shared>>
      %dma_start3A_801 = arith.constant 0 : i32
      %dma_start3A_802 = tpu.memref_slice %arg25[%xor3A_619, %dma_start3A_801] : memref<16x16xf32, #tpu.memory_space<vmem_shared>> -> memref<1x16xf32, #tpu.memory_space<vmem_shared>>
      %dma_start3A_803 = tpu.memref_squeeze %dma_start3A_802 : memref<1x16xf32, #tpu.memory_space<vmem_shared>> -> memref<16xf32, #tpu.memory_space<vmem_shared>>
      tpu.enqueue_dma source(%dma_start3A_803 : memref<16xf32, #tpu.memory_space<vmem_shared>>) target(%arg23 : memref<16xf32, #tpu.memory_space<vmem>>) target_semaphore(%run_scoped3A : memref<!tpu.dma_semaphore, #tpu.memory_space<semaphore_mem>>)
      %dma_wait3A = arith.constant 0 : i32
      %dma_wait3A_804 = tpu.memref_slice %arg25[%xor3A_619, %dma_wait3A] : memref<16x16xf32, #tpu.memory_space<vmem_shared>> -> memref<1x16xf32, #tpu.memory_space<vmem_shared>>
      %dma_wait3A_805 = tpu.memref_squeeze %dma_wait3A_804 : memref<1x16xf32, #tpu.memory_space<vmem_shared>> -> memref<16xf32, #tpu.memory_space<vmem_shared>>
      %dma_wait3A_806 = arith.constant 0 : i32
      %dma_wait3A_807 = tpu.memref_slice %arg25[%xor3A_619, %dma_wait3A_806] : memref<16x16xf32, #tpu.memory_space<vmem_shared>> -> memref<1x16xf32, #tpu.memory_space<vmem_shared>>
      %dma_wait3A_808 = tpu.memref_squeeze %dma_wait3A_807 : memref<1x16xf32, #tpu.memory_space<vmem_shared>> -> memref<16xf32, #tpu.memory_space<vmem_shared>>
      tpu.wait_dma2 semaphore(%run_scoped3A : memref<!tpu.dma_semaphore, #tpu.memory_space<semaphore_mem>>) src(%dma_wait3A_808 : memref<16xf32, #tpu.memory_space<vmem_shared>>) dst(%arg23 : memref<16xf32, #tpu.memory_space<vmem>>)
      tpu.yield
    }) : () -> ()
    %barrier3A_620 = arith.constant 0 : index
    tpu.barrier barrier_id(%barrier3A_620)
    %get3A_621 = arith.constant 0 : index
    %get3A_622 = tpu.vector_load %arg23[%get3A_621] {strides = array<i32>} : memref<16xf32, #tpu.memory_space<vmem>>, vector<16xf32>,
    %slice3A_623 = vector.extract_strided_slice %get3A_622 {offsets = [0], sizes = [1], strides = [1]} : vector<16xf32> to vector<1xf32>
    %squeeze3A_624 = vector.extract %slice3A_623[0] : f32 from vector<1xf32>
    %add3A_625 = arith.addf %squeeze3A, %squeeze3A_624 : f32
    %convert_element_type3A_626 = arith.fptosi %add3A_625 : f32 to i32
    %mul3A_627 = arith.constant 7 : i32
    %mul3A_628 = arith.muli %convert_element_type3A_626, %mul3A_627 : i32
    %min3A_629 = arith.constant 16799 : i32
    %min3A_630 = arith.minsi %mul3A_628, %min3A_629 : i32
    %scan3A_631 = arith.constant 0 : i32
    %scan3A_632 = arith.constant 2139095040 : i32
    %scan3A_633 = arith.constant 0 : i32
    %scan3A_634 = arith.constant 31 : i32
    %scan3A_635 = arith.addi %scan3A_633, %scan3A_634 : i32
    %scan3A_636 = arith.constant 1 : i32
    %scan3A_637:2 = scf.for %scan3A_799 = %scan3A_633 to %scan3A_635 step %scan3A_636 iter_args(%scan3A_800 = %scan3A_631, %scan3A_801 = %scan3A_632) -> (i32, i32)  : i32 {
      %sub3A_802 = arith.subi %scan3A_801, %scan3A_800 : i32
      %add3A_803 = arith.constant 1 : i32
      %add3A_804 = arith.addi %sub3A_802, %add3A_803 : i32
      %shift_right_arithmetic3A_805 = arith.constant 1 : i32
      %shift_right_arithmetic3A_806 = arith.shrsi %add3A_804, %shift_right_arithmetic3A_805 : i32
      %add3A_807 = arith.addi %scan3A_800, %shift_right_arithmetic3A_806 : i32
      %broadcast_in_dim3A_808 = arith.constant 1 : i32
      %broadcast_in_dim3A_809 = vector.broadcast %broadcast_in_dim3A_808 : i32 to vector<16xi32>
      %mul3A_810 = vector.broadcast %add3A_807 : i32 to vector<16xi32>
      %mul3A_811 = arith.muli %broadcast_in_dim3A_809, %mul3A_810 : vector<16xi32>
      %broadcast_in_dim3A_812 = arith.constant 0 : i32
      %broadcast_in_dim3A_813 = vector.broadcast %broadcast_in_dim3A_812 : i32 to vector<16xi32>
      %scan3A_814 = arith.constant 0 : i32
      %scan3A_815 = arith.constant 528 : i32
      %scan3A_816 = arith.addi %scan3A_814, %scan3A_815 : i32
      %scan3A_817 = arith.constant 1 : i32
      %scan3A_818 = scf.for %scan3A_848 = %scan3A_814 to %scan3A_816 step %scan3A_817 iter_args(%scan3A_849 = %broadcast_in_dim3A_813) -> (vector<16xi32>)  : i32 {
        %mul3A_850 = arith.constant 16 : i32
        %mul3A_851 = arith.muli %scan3A_848, %mul3A_850 : i32
        %get3A_852 = arith.index_cast %mul3A_851 : i32 to index
        %get3A_853 = tpu.vector_load %arg15[%get3A_852] {strides = array<i32>} : memref<8448xf32, #tpu.memory_space<vmem>>, vector<16xf32>,
        %bitcast3A_854 = vector.bitcast %get3A_853 : vector<16xf32> to vector<16xi32>
        %ge3A_855 = arith.cmpi sge, %bitcast3A_854, %mul3A_811 : vector<16xi32>
        %all_reduce_population_count3A = tpu.all_reduce %ge3A_855 {dim = 0 : i64, kind = #tpu.reduction_kind<sum>} : vector<16xi1> -> vector<16xi32>
        %add3A_856 = arith.addi %scan3A_849, %all_reduce_population_count3A : vector<16xi32>
        scf.yield %add3A_856 : vector<16xi32>
      }
      %scan3A_819 = arith.constant 528 : i32
      %broadcast_in_dim3A_820 = arith.constant 1.000000e+00 : f32
      %broadcast_in_dim3A_821 = vector.broadcast %broadcast_in_dim3A_820 : f32 to vector<16xf32>
      %slice3A_822 = vector.extract_strided_slice %scan3A_818 {offsets = [0], sizes = [1], strides = [1]} : vector<16xi32> to vector<1xi32>
      %squeeze3A_823 = vector.extract %slice3A_822[0] : i32 from vector<1xi32>
      %convert_element_type3A_824 = arith.sitofp %squeeze3A_823 : i32 to f32
      %mul3A_825 = vector.broadcast %convert_element_type3A_824 : f32 to vector<16xf32>
      %mul3A_826 = arith.mulf %broadcast_in_dim3A_821, %mul3A_825 : vector<16xf32>
      %swap3A_827 = arith.constant 0 : index
      %swap3A_828 = tpu.vector_load %arg22[%swap3A_827] {strides = array<i32>} : memref<16xf32, #tpu.memory_space<vmem>>, vector<16xf32>,
      tpu.vector_store %arg22[%swap3A_827], %mul3A_826 {strides = array<i32>} : memref<16xf32, #tpu.memory_space<vmem>>, vector<16xf32>,
      %barrier3A_829 = arith.constant 0 : index
      tpu.barrier barrier_id(%barrier3A_829)
      "tpu.region"() ({
        %run_scoped3A = tpu.sem_alloc : memref<!tpu.dma_semaphore, #tpu.memory_space<semaphore_mem>>
        %dma_start3A = arith.constant 0 : i32
        %dma_start3A_848 = tpu.memref_slice %arg25[%arg1, %dma_start3A] : memref<16x16xf32, #tpu.memory_space<vmem_shared>> -> memref<1x16xf32, #tpu.memory_space<vmem_shared>>
        %dma_start3A_849 = tpu.memref_squeeze %dma_start3A_848 : memref<1x16xf32, #tpu.memory_space<vmem_shared>> -> memref<16xf32, #tpu.memory_space<vmem_shared>>
        %dma_start3A_850 = arith.constant 0 : i32
        %dma_start3A_851 = tpu.memref_slice %arg25[%arg1, %dma_start3A_850] : memref<16x16xf32, #tpu.memory_space<vmem_shared>> -> memref<1x16xf32, #tpu.memory_space<vmem_shared>>
        %dma_start3A_852 = tpu.memref_squeeze %dma_start3A_851 : memref<1x16xf32, #tpu.memory_space<vmem_shared>> -> memref<16xf32, #tpu.memory_space<vmem_shared>>
        tpu.enqueue_dma source(%arg22 : memref<16xf32, #tpu.memory_space<vmem>>) target(%dma_start3A_852 : memref<16xf32, #tpu.memory_space<vmem_shared>>) target_semaphore(%run_scoped3A : memref<!tpu.dma_semaphore, #tpu.memory_space<semaphore_mem>>)
        %dma_wait3A = arith.constant 0 : i32
        %dma_wait3A_853 = tpu.memref_slice %arg25[%arg1, %dma_wait3A] : memref<16x16xf32, #tpu.memory_space<vmem_shared>> -> memref<1x16xf32, #tpu.memory_space<vmem_shared>>
        %dma_wait3A_854 = tpu.memref_squeeze %dma_wait3A_853 : memref<1x16xf32, #tpu.memory_space<vmem_shared>> -> memref<16xf32, #tpu.memory_space<vmem_shared>>
        %dma_wait3A_855 = arith.constant 0 : i32
        %dma_wait3A_856 = tpu.memref_slice %arg25[%arg1, %dma_wait3A_855] : memref<16x16xf32, #tpu.memory_space<vmem_shared>> -> memref<1x16xf32, #tpu.memory_space<vmem_shared>>
        %dma_wait3A_857 = tpu.memref_squeeze %dma_wait3A_856 : memref<1x16xf32, #tpu.memory_space<vmem_shared>> -> memref<16xf32, #tpu.memory_space<vmem_shared>>
        tpu.wait_dma2 semaphore(%run_scoped3A : memref<!tpu.dma_semaphore, #tpu.memory_space<semaphore_mem>>) src(%arg22 : memref<16xf32, #tpu.memory_space<vmem>>) dst(%dma_wait3A_857 : memref<16xf32, #tpu.memory_space<vmem_shared>>)
        tpu.yield
      }) : () -> ()
      %barrier3A_830 = arith.constant 0 : index
      tpu.barrier barrier_id(%barrier3A_830)
      %barrier3A_831 = arith.constant 0 : index
      tpu.barrier barrier_id(%barrier3A_831)
      %xor3A_832 = arith.constant 8 : i32
      %xor3A_833 = arith.xori %arg1, %xor3A_832 : i32
      "tpu.region"() ({
        %run_scoped3A = tpu.sem_alloc : memref<!tpu.dma_semaphore, #tpu.memory_space<semaphore_mem>>
        %dma_start3A = arith.constant 0 : i32
        %dma_start3A_848 = tpu.memref_slice %arg25[%xor3A_833, %dma_start3A] : memref<16x16xf32, #tpu.memory_space<vmem_shared>> -> memref<1x16xf32, #tpu.memory_space<vmem_shared>>
        %dma_start3A_849 = tpu.memref_squeeze %dma_start3A_848 : memref<1x16xf32, #tpu.memory_space<vmem_shared>> -> memref<16xf32, #tpu.memory_space<vmem_shared>>
        %dma_start3A_850 = arith.constant 0 : i32
        %dma_start3A_851 = tpu.memref_slice %arg25[%xor3A_833, %dma_start3A_850] : memref<16x16xf32, #tpu.memory_space<vmem_shared>> -> memref<1x16xf32, #tpu.memory_space<vmem_shared>>
        %dma_start3A_852 = tpu.memref_squeeze %dma_start3A_851 : memref<1x16xf32, #tpu.memory_space<vmem_shared>> -> memref<16xf32, #tpu.memory_space<vmem_shared>>
        tpu.enqueue_dma source(%dma_start3A_852 : memref<16xf32, #tpu.memory_space<vmem_shared>>) target(%arg23 : memref<16xf32, #tpu.memory_space<vmem>>) target_semaphore(%run_scoped3A : memref<!tpu.dma_semaphore, #tpu.memory_space<semaphore_mem>>)
        %dma_wait3A = arith.constant 0 : i32
        %dma_wait3A_853 = tpu.memref_slice %arg25[%xor3A_833, %dma_wait3A] : memref<16x16xf32, #tpu.memory_space<vmem_shared>> -> memref<1x16xf32, #tpu.memory_space<vmem_shared>>
        %dma_wait3A_854 = tpu.memref_squeeze %dma_wait3A_853 : memref<1x16xf32, #tpu.memory_space<vmem_shared>> -> memref<16xf32, #tpu.memory_space<vmem_shared>>
        %dma_wait3A_855 = arith.constant 0 : i32
        %dma_wait3A_856 = tpu.memref_slice %arg25[%xor3A_833, %dma_wait3A_855] : memref<16x16xf32, #tpu.memory_space<vmem_shared>> -> memref<1x16xf32, #tpu.memory_space<vmem_shared>>
        %dma_wait3A_857 = tpu.memref_squeeze %dma_wait3A_856 : memref<1x16xf32, #tpu.memory_space<vmem_shared>> -> memref<16xf32, #tpu.memory_space<vmem_shared>>
        tpu.wait_dma2 semaphore(%run_scoped3A : memref<!tpu.dma_semaphore, #tpu.memory_space<semaphore_mem>>) src(%dma_wait3A_857 : memref<16xf32, #tpu.memory_space<vmem_shared>>) dst(%arg23 : memref<16xf32, #tpu.memory_space<vmem>>)
        tpu.yield
      }) : () -> ()
      %barrier3A_834 = arith.constant 0 : index
      tpu.barrier barrier_id(%barrier3A_834)
      %slice3A_835 = vector.extract_strided_slice %scan3A_818 {offsets = [0], sizes = [1], strides = [1]} : vector<16xi32> to vector<1xi32>
      %squeeze3A_836 = vector.extract %slice3A_835[0] : i32 from vector<1xi32>
      %get3A_837 = arith.constant 0 : index
      %get3A_838 = tpu.vector_load %arg23[%get3A_837] {strides = array<i32>} : memref<16xf32, #tpu.memory_space<vmem>>, vector<16xf32>,
      %slice3A_839 = vector.extract_strided_slice %get3A_838 {offsets = [0], sizes = [1], strides = [1]} : vector<16xf32> to vector<1xf32>
      %squeeze3A_840 = vector.extract %slice3A_839[0] : f32 from vector<1xf32>
      %convert_element_type3A_841 = arith.fptosi %squeeze3A_840 : f32 to i32
      %add3A_842 = arith.addi %squeeze3A_836, %convert_element_type3A_841 : i32
      %ge3A_843 = arith.cmpi sge, %add3A_842, %min3A_630 : i32
      %select_n3A_844 = arith.select %ge3A_843, %add3A_807, %scan3A_800 : i32
      %sub3A_845 = arith.constant 1 : i32
      %sub3A_846 = arith.subi %add3A_807, %sub3A_845 : i32
      %select_n3A_847 = arith.select %ge3A_843, %scan3A_801, %sub3A_846 : i32
      scf.yield %select_n3A_844, %select_n3A_847 : i32, i32
    }
    %scan3A_638 = arith.constant 31 : i32
    %broadcast_in_dim3A_639 = arith.constant 1 : i32
    %broadcast_in_dim3A_640 = vector.broadcast %broadcast_in_dim3A_639 : i32 to vector<16xi32>
    %mul3A_641 = vector.broadcast %scan3A_637#0 : i32 to vector<16xi32>
    %mul3A_642 = arith.muli %broadcast_in_dim3A_640, %mul3A_641 : vector<16xi32>
    %bitcast3A = vector.bitcast %mul3A_642 : vector<16xi32> to vector<16xf32>
    %broadcast_in_dim3A_643 = arith.constant 0.000000e+00 : f32
    %broadcast_in_dim3A_644 = vector.broadcast %broadcast_in_dim3A_643 : f32 to vector<16xf32>
    %broadcast_in_dim3A_645 = arith.constant 0 : i32
    %broadcast_in_dim3A_646 = vector.broadcast %broadcast_in_dim3A_645 : i32 to vector<16xi32>
    %scan3A_647 = arith.constant 0 : i32
    %scan3A_648 = arith.constant 528 : i32
    %scan3A_649 = arith.addi %scan3A_647, %scan3A_648 : i32
    %scan3A_650 = arith.constant 1 : i32
    %scan3A_651:2 = scf.for %scan3A_799 = %scan3A_647 to %scan3A_649 step %scan3A_650 iter_args(%scan3A_800 = %broadcast_in_dim3A_644, %scan3A_801 = %broadcast_in_dim3A_646) -> (vector<16xf32>, vector<16xi32>)  : i32 {
      %mul3A_802 = arith.constant 16 : i32
      %mul3A_803 = arith.muli %scan3A_799, %mul3A_802 : i32
      %get3A_804 = arith.index_cast %mul3A_803 : i32 to index
      %get3A_805 = tpu.vector_load %arg15[%get3A_804] {strides = array<i32>} : memref<8448xf32, #tpu.memory_space<vmem>>, vector<16xf32>,
      %gt3A = arith.cmpf ogt, %get3A_805, %bitcast3A : vector<16xf32>
      %jit3A_806 = arith.constant 0.000000e+00 : f32
      %broadcast_in_dim3A_807 = vector.broadcast %jit3A_806 : f32 to vector<16xf32>
      %select_n3A_808 = arith.select %gt3A, %get3A_805, %broadcast_in_dim3A_807 : vector<16xi1>, vector<16xf32>
      %add3A_809 = arith.addf %scan3A_800, %select_n3A_808 : vector<16xf32>
      %all_reduce_population_count3A = tpu.all_reduce %gt3A {dim = 0 : i64, kind = #tpu.reduction_kind<sum>} : vector<16xi1> -> vector<16xi32>
      %add3A_810 = arith.addi %scan3A_801, %all_reduce_population_count3A : vector<16xi32>
      scf.yield %add3A_809, %add3A_810 : vector<16xf32>, vector<16xi32>
    }
    %scan3A_652 = arith.constant 528 : i32
    %iota3A_653 = tpu.iota {dimensions = array<i32: 0>} : vector<16xi32>
    %add3A_654 = arith.constant 1 : i32
    %add3A_655 = vector.broadcast %add3A_654 : i32 to vector<16xi32>
    %add3A_656 = arith.addi %iota3A_653, %add3A_655 : vector<16xi32>
    %and3A_657 = arith.constant 15 : i32
    %and3A_658 = vector.broadcast %and3A_657 : i32 to vector<16xi32>
    %and3A_659 = arith.andi %add3A_656, %and3A_658 : vector<16xi32>
    %lt3A_660 = arith.constant 0 : i32
    %lt3A_661 = vector.broadcast %lt3A_660 : i32 to vector<16xi32>
    %lt3A_662 = arith.cmpi slt, %and3A_659, %lt3A_661 : vector<16xi32>
    %add3A_663 = arith.constant 16 : i32
    %add3A_664 = vector.broadcast %add3A_663 : i32 to vector<16xi32>
    %add3A_665 = arith.addi %and3A_659, %add3A_664 : vector<16xi32>
    %select_n3A_666 = arith.select %lt3A_662, %add3A_665, %and3A_659 : vector<16xi1>, vector<16xi32>
    %broadcast_in_dim3A_667 = vector.shape_cast %select_n3A_666 : vector<16xi32> to vector<16x1xi32>
    %gather3A_668 = vector.shape_cast %broadcast_in_dim3A_667 : vector<16x1xi32> to vector<16xi32>
    %gather3A_669 = tpu.dynamic_gather %scan3A_651#0[%gather3A_668] in [0] : vector<16xf32>, vector<16xi32> -> vector<16xf32>
    %add3A_670 = arith.addf %scan3A_651#0, %gather3A_669 : vector<16xf32>
    %iota3A_671 = tpu.iota {dimensions = array<i32: 0>} : vector<16xi32>
    %add3A_672 = arith.constant 2 : i32
    %add3A_673 = vector.broadcast %add3A_672 : i32 to vector<16xi32>
    %add3A_674 = arith.addi %iota3A_671, %add3A_673 : vector<16xi32>
    %and3A_675 = arith.constant 15 : i32
    %and3A_676 = vector.broadcast %and3A_675 : i32 to vector<16xi32>
    %and3A_677 = arith.andi %add3A_674, %and3A_676 : vector<16xi32>
    %lt3A_678 = arith.constant 0 : i32
    %lt3A_679 = vector.broadcast %lt3A_678 : i32 to vector<16xi32>
    %lt3A_680 = arith.cmpi slt, %and3A_677, %lt3A_679 : vector<16xi32>
    %add3A_681 = arith.constant 16 : i32
    %add3A_682 = vector.broadcast %add3A_681 : i32 to vector<16xi32>
    %add3A_683 = arith.addi %and3A_677, %add3A_682 : vector<16xi32>
    %select_n3A_684 = arith.select %lt3A_680, %add3A_683, %and3A_677 : vector<16xi1>, vector<16xi32>
    %broadcast_in_dim3A_685 = vector.shape_cast %select_n3A_684 : vector<16xi32> to vector<16x1xi32>
    %gather3A_686 = vector.shape_cast %broadcast_in_dim3A_685 : vector<16x1xi32> to vector<16xi32>
    %gather3A_687 = tpu.dynamic_gather %add3A_670[%gather3A_686] in [0] : vector<16xf32>, vector<16xi32> -> vector<16xf32>
    %add3A_688 = arith.addf %add3A_670, %gather3A_687 : vector<16xf32>
    %iota3A_689 = tpu.iota {dimensions = array<i32: 0>} : vector<16xi32>
    %add3A_690 = arith.constant 4 : i32
    %add3A_691 = vector.broadcast %add3A_690 : i32 to vector<16xi32>
    %add3A_692 = arith.addi %iota3A_689, %add3A_691 : vector<16xi32>
    %and3A_693 = arith.constant 15 : i32
    %and3A_694 = vector.broadcast %and3A_693 : i32 to vector<16xi32>
    %and3A_695 = arith.andi %add3A_692, %and3A_694 : vector<16xi32>
    %lt3A_696 = arith.constant 0 : i32
    %lt3A_697 = vector.broadcast %lt3A_696 : i32 to vector<16xi32>
    %lt3A_698 = arith.cmpi slt, %and3A_695, %lt3A_697 : vector<16xi32>
    %add3A_699 = arith.constant 16 : i32
    %add3A_700 = vector.broadcast %add3A_699 : i32 to vector<16xi32>
    %add3A_701 = arith.addi %and3A_695, %add3A_700 : vector<16xi32>
    %select_n3A_702 = arith.select %lt3A_698, %add3A_701, %and3A_695 : vector<16xi1>, vector<16xi32>
    %broadcast_in_dim3A_703 = vector.shape_cast %select_n3A_702 : vector<16xi32> to vector<16x1xi32>
    %gather3A_704 = vector.shape_cast %broadcast_in_dim3A_703 : vector<16x1xi32> to vector<16xi32>
    %gather3A_705 = tpu.dynamic_gather %add3A_688[%gather3A_704] in [0] : vector<16xf32>, vector<16xi32> -> vector<16xf32>
    %add3A_706 = arith.addf %add3A_688, %gather3A_705 : vector<16xf32>
    %iota3A_707 = tpu.iota {dimensions = array<i32: 0>} : vector<16xi32>
    %add3A_708 = arith.constant 8 : i32
    %add3A_709 = vector.broadcast %add3A_708 : i32 to vector<16xi32>
    %add3A_710 = arith.addi %iota3A_707, %add3A_709 : vector<16xi32>
    %and3A_711 = arith.constant 15 : i32
    %and3A_712 = vector.broadcast %and3A_711 : i32 to vector<16xi32>
    %and3A_713 = arith.andi %add3A_710, %and3A_712 : vector<16xi32>
    %lt3A_714 = arith.constant 0 : i32
    %lt3A_715 = vector.broadcast %lt3A_714 : i32 to vector<16xi32>
    %lt3A_716 = arith.cmpi slt, %and3A_713, %lt3A_715 : vector<16xi32>
    %add3A_717 = arith.constant 16 : i32
    %add3A_718 = vector.broadcast %add3A_717 : i32 to vector<16xi32>
    %add3A_719 = arith.addi %and3A_713, %add3A_718 : vector<16xi32>
    %select_n3A_720 = arith.select %lt3A_716, %add3A_719, %and3A_713 : vector<16xi1>, vector<16xi32>
    %broadcast_in_dim3A_721 = vector.shape_cast %select_n3A_720 : vector<16xi32> to vector<16x1xi32>
    %gather3A_722 = vector.shape_cast %broadcast_in_dim3A_721 : vector<16x1xi32> to vector<16xi32>
    %gather3A_723 = tpu.dynamic_gather %add3A_706[%gather3A_722] in [0] : vector<16xf32>, vector<16xi32> -> vector<16xf32>
    %add3A_724 = arith.addf %add3A_706, %gather3A_723 : vector<16xf32>
    %slice3A_725 = vector.extract_strided_slice %add3A_724 {offsets = [0], sizes = [1], strides = [1]} : vector<16xf32> to vector<1xf32>
    %squeeze3A_726 = vector.extract %slice3A_725[0] : f32 from vector<1xf32>
    %iota3A_727 = tpu.iota {dimensions = array<i32: 0>} : vector<16xi32>
    %eq3A_728 = arith.constant 0 : i32
    %eq3A_729 = vector.broadcast %eq3A_728 : i32 to vector<16xi32>
    %eq3A_730 = arith.cmpi eq, %iota3A_727, %eq3A_729 : vector<16xi32>
    %jit3A_731 = arith.constant 0.000000e+00 : f32
    %broadcast_in_dim3A_732 = vector.broadcast %squeeze3A : f32 to vector<16xf32>
    %broadcast_in_dim3A_733 = vector.broadcast %jit3A_731 : f32 to vector<16xf32>
    %select_n3A_734 = arith.select %eq3A_730, %broadcast_in_dim3A_732, %broadcast_in_dim3A_733 : vector<16xi1>, vector<16xf32>
    %eq3A_735 = arith.constant 1 : i32
    %eq3A_736 = vector.broadcast %eq3A_735 : i32 to vector<16xi32>
    %eq3A_737 = arith.cmpi eq, %iota3A_727, %eq3A_736 : vector<16xi32>
    %jit3A_738 = arith.constant 0.000000e+00 : f32
    %broadcast_in_dim3A_739 = vector.broadcast %squeeze3A_460 : f32 to vector<16xf32>
    %broadcast_in_dim3A_740 = vector.broadcast %jit3A_738 : f32 to vector<16xf32>
    %select_n3A_741 = arith.select %eq3A_737, %broadcast_in_dim3A_739, %broadcast_in_dim3A_740 : vector<16xi1>, vector<16xf32>
    %add3A_742 = arith.addf %select_n3A_734, %select_n3A_741 : vector<16xf32>
    %eq3A_743 = arith.constant 2 : i32
    %eq3A_744 = vector.broadcast %eq3A_743 : i32 to vector<16xi32>
    %eq3A_745 = arith.cmpi eq, %iota3A_727, %eq3A_744 : vector<16xi32>
    %jit3A_746 = arith.constant 0.000000e+00 : f32
    %broadcast_in_dim3A_747 = vector.broadcast %squeeze3A_608 : f32 to vector<16xf32>
    %broadcast_in_dim3A_748 = vector.broadcast %jit3A_746 : f32 to vector<16xf32>
    %select_n3A_749 = arith.select %eq3A_745, %broadcast_in_dim3A_747, %broadcast_in_dim3A_748 : vector<16xi1>, vector<16xf32>
    %add3A_750 = arith.addf %add3A_742, %select_n3A_749 : vector<16xf32>
    %eq3A_751 = arith.constant 3 : i32
    %eq3A_752 = vector.broadcast %eq3A_751 : i32 to vector<16xi32>
    %eq3A_753 = arith.cmpi eq, %iota3A_727, %eq3A_752 : vector<16xi32>
    %jit3A_754 = arith.constant 0.000000e+00 : f32
    %broadcast_in_dim3A_755 = vector.broadcast %squeeze3A_534 : f32 to vector<16xf32>
    %broadcast_in_dim3A_756 = vector.broadcast %jit3A_754 : f32 to vector<16xf32>
    %select_n3A_757 = arith.select %eq3A_753, %broadcast_in_dim3A_755, %broadcast_in_dim3A_756 : vector<16xi1>, vector<16xf32>
    %add3A_758 = arith.addf %add3A_750, %select_n3A_757 : vector<16xf32>
    %eq3A_759 = arith.constant 4 : i32
    %eq3A_760 = vector.broadcast %eq3A_759 : i32 to vector<16xi32>
    %eq3A_761 = arith.cmpi eq, %iota3A_727, %eq3A_760 : vector<16xi32>
    %jit3A_762 = arith.constant 0.000000e+00 : f32
    %broadcast_in_dim3A_763 = vector.broadcast %squeeze3A_726 : f32 to vector<16xf32>
    %broadcast_in_dim3A_764 = vector.broadcast %jit3A_762 : f32 to vector<16xf32>
    %select_n3A_765 = arith.select %eq3A_761, %broadcast_in_dim3A_763, %broadcast_in_dim3A_764 : vector<16xi1>, vector<16xf32>
    %add3A_766 = arith.addf %add3A_758, %select_n3A_765 : vector<16xf32>
    %eq3A_767 = arith.constant 5 : i32
    %eq3A_768 = vector.broadcast %eq3A_767 : i32 to vector<16xi32>
    %eq3A_769 = arith.cmpi eq, %iota3A_727, %eq3A_768 : vector<16xi32>
    %slice3A_770 = vector.extract_strided_slice %scan3A_651#1 {offsets = [0], sizes = [1], strides = [1]} : vector<16xi32> to vector<1xi32>
    %squeeze3A_771 = vector.extract %slice3A_770[0] : i32 from vector<1xi32>
    %convert_element_type3A_772 = arith.sitofp %squeeze3A_771 : i32 to f32
    %jit3A_773 = arith.constant 0.000000e+00 : f32
    %broadcast_in_dim3A_774 = vector.broadcast %convert_element_type3A_772 : f32 to vector<16xf32>
    %broadcast_in_dim3A_775 = vector.broadcast %jit3A_773 : f32 to vector<16xf32>
    %select_n3A_776 = arith.select %eq3A_769, %broadcast_in_dim3A_774, %broadcast_in_dim3A_775 : vector<16xi1>, vector<16xf32>
    %add3A_777 = arith.addf %add3A_766, %select_n3A_776 : vector<16xf32>
    %eq3A_778 = arith.constant 6 : i32
    %eq3A_779 = vector.broadcast %eq3A_778 : i32 to vector<16xi32>
    %eq3A_780 = arith.cmpi eq, %iota3A_727, %eq3A_779 : vector<16xi32>
    %jit3A_781 = arith.constant 0.000000e+00 : f32
    %broadcast_in_dim3A_782 = vector.broadcast %jit3A_781 : f32 to vector<16xf32>
    %select_n3A_783 = arith.select %eq3A_780, %bitcast3A, %broadcast_in_dim3A_782 : vector<16xi1>, vector<16xf32>
    %add3A_784 = arith.addf %add3A_777, %select_n3A_783 : vector<16xf32>
    %eq3A_785 = arith.constant 7 : i32
    %eq3A_786 = vector.broadcast %eq3A_785 : i32 to vector<16xi32>
    %eq3A_787 = arith.cmpi eq, %iota3A_727, %eq3A_786 : vector<16xi32>
    %convert_element_type3A_788 = arith.sitofp %min3A_630 : i32 to f32
    %jit3A_789 = arith.constant 0.000000e+00 : f32
    %broadcast_in_dim3A_790 = vector.broadcast %convert_element_type3A_788 : f32 to vector<16xf32>
    %broadcast_in_dim3A_791 = vector.broadcast %jit3A_789 : f32 to vector<16xf32>
    %select_n3A_792 = arith.select %eq3A_787, %broadcast_in_dim3A_790, %broadcast_in_dim3A_791 : vector<16xi1>, vector<16xf32>
    %add3A_793 = arith.addf %add3A_784, %select_n3A_792 : vector<16xf32>
    %swap3A_794 = arith.constant 0 : index
    %swap3A_795 = tpu.vector_load %arg19[%swap3A_794] {strides = array<i32>} : memref<128xf32, #tpu.memory_space<vmem>>, vector<16xf32>,
    tpu.vector_store %arg19[%swap3A_794], %add3A_793 {strides = array<i32>} : memref<128xf32, #tpu.memory_space<vmem>>, vector<16xf32>,
    %mul3A_796 = arith.constant 16 : i32
    %mul3A_797 = arith.muli %arg0, %mul3A_796 : i32
    %add3A_798 = arith.addi %mul3A_797, %arg1 : i32
    "tpu.region"() ({
      %run_scoped3A = tpu.sem_alloc : memref<!tpu.dma_semaphore, #tpu.memory_space<semaphore_mem>>
      %dma_start3A = arith.constant 0 : i32
      %dma_start3A_799 = tpu.memref_slice %arg7[%add3A_798, %dma_start3A] : memref<32x128xf32, #tpu.memory_space<hbm>> -> memref<1x128xf32, #tpu.memory_space<hbm>>
      %dma_start3A_800 = tpu.memref_squeeze %dma_start3A_799 : memref<1x128xf32, #tpu.memory_space<hbm>> -> memref<128xf32, #tpu.memory_space<hbm>>
      %dma_start3A_801 = arith.constant 0 : i32
      %dma_start3A_802 = tpu.memref_slice %arg7[%add3A_798, %dma_start3A_801] : memref<32x128xf32, #tpu.memory_space<hbm>> -> memref<1x128xf32, #tpu.memory_space<hbm>>
      %dma_start3A_803 = tpu.memref_squeeze %dma_start3A_802 : memref<1x128xf32, #tpu.memory_space<hbm>> -> memref<128xf32, #tpu.memory_space<hbm>>
      tpu.enqueue_dma source(%arg19 : memref<128xf32, #tpu.memory_space<vmem>>) target(%dma_start3A_803 : memref<128xf32, #tpu.memory_space<hbm>>) target_semaphore(%run_scoped3A : memref<!tpu.dma_semaphore, #tpu.memory_space<semaphore_mem>>)
      %dma_wait3A = arith.constant 0 : i32
      %dma_wait3A_804 = tpu.memref_slice %arg7[%add3A_798, %dma_wait3A] : memref<32x128xf32, #tpu.memory_space<hbm>> -> memref<1x128xf32, #tpu.memory_space<hbm>>
      %dma_wait3A_805 = tpu.memref_squeeze %dma_wait3A_804 : memref<1x128xf32, #tpu.memory_space<hbm>> -> memref<128xf32, #tpu.memory_space<hbm>>
      %dma_wait3A_806 = arith.constant 0 : i32
      %dma_wait3A_807 = tpu.memref_slice %arg7[%add3A_798, %dma_wait3A_806] : memref<32x128xf32, #tpu.memory_space<hbm>> -> memref<1x128xf32, #tpu.memory_space<hbm>>
      %dma_wait3A_808 = tpu.memref_squeeze %dma_wait3A_807 : memref<1x128xf32, #tpu.memory_space<hbm>> -> memref<128xf32, #tpu.memory_space<hbm>>
      tpu.wait_dma2 semaphore(%run_scoped3A : memref<!tpu.dma_semaphore, #tpu.memory_space<semaphore_mem>>) src(%arg19 : memref<128xf32, #tpu.memory_space<vmem>>) dst(%dma_wait3A_808 : memref<128xf32, #tpu.memory_space<hbm>>)
      tpu.yield
    }) : () -> ()
    return
  }
}

</mosaic_0001>

<sc_bundles>
// kernel: kernel.3.cloned.1.call-start
scs
__scs_entry_jumppad:
0x0: {  	(pc) =	sbr.rel $0x88, $3  }
0x1: {  	(tag) =	ssettag $0x0;
	lr =	simm.s32 $0x1  }
0x2: {  	[smem:$0x3F9C] =	sst lr;
	_ =	strace $0xD0000000  }
0x3: {  	_ = 	snop  }
0x4: {  	_ = 	snop  }
0x5: {  	_ = 	snop  }
0x6: {  	_ = 	snop  }
0x7: {  	_ = 	snop  }
__scs_overlays_trampoline_lowered:
0x8: {  	[smem:$0x3FAB] =	sst s0  }
0x9: {  	[smem:$0x3FAC] =	sst s1  }
0xa: {  	[smem:$0x3FAD] =	sst s2  }
0xb: {  	[smem:$0x3FAE] =	sst s3  }
0xc: {  	[smem:$0x3FAF] =	sst s4  }
0xd: {  	[smem:$0x3FB0] =	sst s5  }
0xe: {  	[smem:$0x3FB1] =	sst s6  }
0xf: {  	[smem:$0x3FB2] =	sst s7  }
0x10: {  	[smem:$0x3FB3] =	sst s8  }
0x11: {  	[smem:$0x3FB4] =	sst s9;
	s0 =	simm.s32 @!p0 $0x0  }
0x12: {  	s1 =	sld [smem:$0x3F9A];
	s0 =	simm.s32 @p0 $0x1  }
0x13: {  	[smem:$0x3FB5] =	sst s0;
	s0 =	simm.s32 @!p1 $0x0  }
0x14: {  	s2 =	sld [smem:$0x3F99];
	s0 =	simm.s32 @p1 $0x1  }
0x15: {  	[smem:$0x3FB6] =	sst s0;
	s0 =	simm.s32 @!p2 $0x0  }
0x16: {  	s3 =	sld [smem:$0x3FDB];
	s0 =	simm.s32 @p2 $0x1  }
0x17: {  	s4 =	simm.s32 $0x1BF5;
	[smem:$0x3FB8] =	sst s0  }
0x18: {  	s0 =	sld [smem:$0x3F9B];
	_ =	swait.ge [sflag:s4], $0x0  }
0x19: {  	s7 =	sld [smem:$0x3F9C]  }
0x1a: {  	s8 =	sadd.s32 $0xFFFFE003, lr  }
0x1b: {  	s9 =	sadd.s32 $0xFFFFFEF7, lr;
	s5 =	simm.s32 $0xFFFFFFFF;
	p2 =	slt.u32 s8, $0xFFFFF086  }
0x1c: {  	p1 =	slt.u32 s9, $0xF7A;
	s5 =	simm.s32 @!p2 $0x0  }
0x1d: {  	s5 =	simm.s32 @p1 $0x1;
	p0 =	seq.s32 s7, s2  }
0x1e: {  	s7 =	smul.u32 @!p0 $0xF7A, s2;
	p2 =	seq.s32 @!p0 s5, $0x0  }
0x1f: {  	s9 =	smul.u32 $0xF7A, s1;
	s8 =	simm.s32 @!p0 $0x1BF5;
	p2 =	por !p2, p0  }
0x20: {  	[sflag:s8] =	ssyncset.s32 @!p0 $0xFFFFF086;
	s6 =	sadd.s32 @!p0 s3, s7;
	s7 =	simm.s32 @!p0 $0x108  }
0x21: {  	s3 =	sadd.s32 s3, s9;
	s6 =	sadd.s32 @!p0 $0x88, s6;
	s7 =	simm.s32 @p2 $0x1082  }
0x22: {  	[simem:s7], [sflag:s8] =	dma.local @!p0 [hbm:s6], $0xF7A  }
0x23: {  	s9 =	sor.u32 $0xD0000000, s2;
	s6 =	simm.s32 $0x108;
	_ =	swait.ge @!p0 [sflag:s8], $0x0  }
0x24: {  	s3 =	sadd.s32 $0x88, s3;
	s6 =	simm.s32 @!p1 $0x1082;
	[sflag:s4] =	ssyncset.s32 $0xFFFFF086  }
0x25: {  	[simem:s6], [sflag:s4] =	dma.local [hbm:s3], $0xF7A  }
0x26: {  	[smem:$0x3F9C] =	sst s1;
	(tag) =	ssettag s2;
	_ =	strace s9  }
0x27: {  	s1 =	sld [smem:$0x3FAC]  }
0x28: {  	s2 =	sld [smem:$0x3FAD]  }
0x29: {  	s4 =	sld [smem:$0x3FAF]  }
0x2a: {  	p0 =	seq.s32 s5, $0x0;
	s5 =	sld [smem:$0x3FB0]  }
0x2b: {  	s6 =	sld [smem:$0x3FB1]  }
0x2c: {  	s7 =	sld [smem:$0x3FB2]  }
0x2d: {  	s3 =	simm.s32 $0x108;
	s8 =	sld [smem:$0x3FB3]  }
0x2e: {  	s3 =	simm.s32 @!p0 $0x1082;
	s9 =	sld [smem:$0x3FB4]  }
0x2f: {  	lr =	sadd.s32 s0, s3;
	s0 =	sld [smem:$0x3FAB]  }
0x30: {  	s3 =	sld [smem:$0x3FAE]  }
0x31: {  	[smem:$0x3FB7] =	sst s10  }
0x32: {  	s10 =	sld [smem:$0x3FB5];
	_ =	sdelay $0x3  }
0x33: {  	p0 =	seq.s32 s10, $0x1;
	s10 =	sld [smem:$0x3FB7];
	_ =	sdelay $0x3  }
0x34: {  	[smem:$0x3FB7] =	sst s10  }
0x35: {  	s10 =	sld [smem:$0x3FB6];
	_ =	sdelay $0x3  }
0x36: {  	p1 =	seq.s32 s10, $0x1;
	s10 =	sld [smem:$0x3FB7];
	_ =	sdelay $0x3  }
0x37: {  	[smem:$0x3FB7] =	sst s10  }
0x38: {  	s10 =	sld [smem:$0x3FB8]  }
0x39: {  	_ = 	snop;
	(pc) =	sbr.ind lr, $3  }
0x3a: {  	_ = 	snop  }
0x3b: {  	_ = 	snop  }
0x3c: {  	p2 =	seq.s32 s10, $0x1;
	s10 =	sld [smem:$0x3FB7]  }
0x3d: {  	_ =	shalt  }
0x3e: {  	_ =	shalt  }
0x3f: {  	_ =	shalt  }
0x40: {  	_ =	shalt  }
0x41: {  	_ =	shalt  }
0x42: {  	_ =	shalt  }
0x43: {  	_ =	shalt  }
0x44: {  	_ =	shalt  }
0x45: {  	_ =	shalt  }
0x46: {  	_ =	shalt  }
0x47: {  	_ =	shalt  }
0x48: {  	_ =	shalt  }
0x49: {  	_ =	shalt  }
0x4a: {  	_ =	shalt  }
0x4b: {  	_ =	shalt  }
0x4c: {  	_ =	shalt  }
0x4d: {  	_ =	shalt  }
0x4e: {  	_ =	shalt  }
0x4f: {  	_ =	shalt  }
0x50: {  	_ =	shalt  }
0x51: {  	_ =	shalt  }
0x52: {  	_ =	shalt  }
0x53: {  	_ =	shalt  }
0x54: {  	_ =	shalt  }
0x55: {  	_ =	shalt  }
0x56: {  	_ =	shalt  }
0x57: {  	_ =	shalt  }
0x58: {  	_ =	shalt  }
0x59: {  	_ =	shalt  }
0x5a: {  	_ =	shalt  }
0x5b: {  	_ =	shalt  }
0x5c: {  	_ =	shalt  }
0x5d: {  	_ =	shalt  }
0x5e: {  	_ =	shalt  }
0x5f: {  	_ =	shalt  }
0x60: {  	_ =	shalt  }
0x61: {  	_ =	shalt  }
0x62: {  	_ =	shalt  }
0x63: {  	_ =	shalt  }
0x64: {  	_ =	shalt  }
0x65: {  	_ =	shalt  }
0x66: {  	_ =	shalt  }
0x67: {  	_ =	shalt  }
0x68: {  	_ =	shalt  }
0x69: {  	_ =	shalt  }
0x6a: {  	_ =	shalt  }
0x6b: {  	_ =	shalt  }
0x6c: {  	_ =	shalt  }
0x6d: {  	_ =	shalt  }
0x6e: {  	_ =	shalt  }
0x6f: {  	_ =	shalt  }
0x70: {  	_ =	shalt  }
0x71: {  	_ =	shalt  }
0x72: {  	_ =	shalt  }
0x73: {  	_ =	shalt  }
0x74: {  	_ =	shalt  }
0x75: {  	_ =	shalt  }
0x76: {  	_ =	shalt  }
0x77: {  	_ =	shalt  }
0x78: {  	_ =	shalt  }
0x79: {  	_ =	shalt  }
0x7a: {  	_ =	shalt  }
0x7b: {  	_ =	shalt  }
0x7c: {  	_ =	shalt  }
0x7d: {  	_ =	shalt  }
0x7e: {  	_ =	shalt  }
0x7f: {  	_ =	shalt  }
0x80: {  	_ =	shalt  }
0x81: {  	_ =	shalt  }
0x82: {  	_ =	shalt  }
0x83: {  	_ =	shalt  }
0x84: {  	_ =	shalt  }
0x85: {  	_ =	shalt  }
0x86: {  	_ =	shalt  }
0x87: {  	_ =	shalt  }
.Lfunc_end0:
.L_simem_size_0:
called_computation_lowered:
.L_overlay_start_0:
0x88: {  	s2 =	sld [smem:$0x3FD9]  }
0x89: {  	s3 =	sld [smem:$0x3FFE];
	_ =	sdelay $0x1  }
0x8a: {  	s1 =	srdreg.scid  }
0x8b: {  	s0 =	sand.u32 $0x1, s1  }
0x8c: {  	s16 =	sshll.u32 s0, $0xA;
	s2 =	sadd.s32 s3, s2  }
0x8d: {  	s2 =	sadd.s32 s2, s16  }
0x8e: {  	[smem:$0x3FC3] =	sst s2  }
0x8f: {  	_ = 	snop  }
0x90: {  	(tm) =	ssettm $0x1  }
0x91: {  	s17 =	sld [smem:$0x3FFB];
	_ =	sdelay $0x3  }
0x92: {  	_ =	strace s17  }
0x93: {  	s2 =	sld [smem:$0x3FFC];
	_ =	sdelay $0x3  }
0x94: {  	_ =	strace s2  }
0x95: {  	s2 =	sld [smem:$0x3FFD];
	_ =	sdelay $0x3  }
0x96: {  	_ =	strace s2  }
0x97: {  	_ =	strace $0x8FFFFFFF  }
0x98: {  	s18 =	sld [smem:$0x3FDB];
	_ =	sdelay $0x1  }
0x99: {  	s19 =	simm.s32 $_scs_section_size  }
0x9a: {  	s4 =	simm.s32 $_size__tile_overlayer_lowered;
	s5 =	simm.s32 $_tile_overlayer_lowered  }
0x9b: {  	s22 =	simm.s32 $0x1BFF;
	s21 =	sshll.u32 s5, $0x1;
	s2 =	sadd.s32 s19, s18  }
0x9c: {  	s6 =	simm.s32 $0x0;
	s20 =	sshll.u32 s4, $0x1;
	s4 =	sadd.s32 s21, s2  }
0x9d: {  	[timem:s6], [sflag:s22] =	dma.local [hbm:s4], s20  }
0x9e: {  	_ =	swait.ge [sflag:s22], s20  }
0x9f: {  	s3 =	ssub.s32 $0x0, s20;
	[sflag:s22] =	ssyncset.done $0x0  }
0xa0: {  	[sflag:s22] =	ssyncadd.s32 s3;
	_ =	sdelay $0x1  }
0xa1: {  	s23 =	simm.s32 $0x1B8B  }
0xa2: {  	_ =	swait.ge [sflag:s23], $0x1  }
0xa3: {  	[sflag:s23] =	ssyncset.done $0x0  }
0xa4: {  	s25 =	simm.s32 $0x1B8E;
	s24 =	sld [smem:$0x3FFE];
	[sflag:s23] =	ssyncadd.s32 $0xFFFFFFFF  }
0xa5: {  	s26 =	simm.s32 $execute0_lowered;
	[smem:$0x3FD2] =	sst s25  }
0xa6: {  	s4 =	sshll.u32 s26, $0x1;
	_ =	strace $0x80000046;
	[dreg:$0x1] =	wrdreg $0xFFFFFFFF  }
0xa7: {  	s28 =	simm.s32 $_size_execute0_lowered;
	s2 =	sadd.s32 s2, s4;
	[dreg:$0x0] =	wrdreg $0x0  }
0xa8: {  	s4 =	sshll.u32 s28, $0x1;
	[dreg:$0x2] =	wrdreg s2  }
0xa9: {  	[dreg:$0x3] =	wrdreg s4  }
0xaa: {  	[dreg:$0x4] =	wrdreg $0xC0  }
0xab: {  	_ =	task [dreg:s6], $0x5FFFF  }
0xac: {  	[dreg:$0x1] =	wrdreg $0xFFFFFFFF  }
0xad: {  	[dreg:$0x0] =	wrdreg $0x60  }
0xae: {  	[dreg:$0x2] =	wrdreg s24  }
0xaf: {  	[dreg:$0x3] =	wrdreg $0x11D000  }
0xb0: {  	[dreg:$0x4] =	wrdreg $0x11D400  }
0xb1: {  	[dreg:$0x5] =	wrdreg $0x9  }
0xb2: {  	_ =	task.clear_ibuf [dreg:s6], $0x6FFFF;
	_ =	strace $0x90000046  }
0xb3: {  	s29 =	simm.s32 $0x9;
	_ =	strace $0x80000048  }
0xb4: {  	_ =	swait.ge [sflag:s29], $0x1  }
0xb5: {  	[sflag:s29] =	ssyncadd.s32 $0xFFFFFFFF  }
0xb6: {  	_ =	strace $0x90000048  }
0xb7: {  	_ =	sfence  }
0xb8: {  	s30 =	sld [smem:$0x0];
	_ =	sdelay $0x2  }
0xb9: {  	s31 =	sshll.u32 s1, $0xD;
	s1 =	sshrl.u32 s1, $0x2  }
0xba: {  	s3 =	sand.u32 $0x4000, s31;
	s1 =	sadd.s32 s1, s30  }
0xbb: {  	s0 =	sor.u32 s3, s0;
	s1 =	sshll.u32 s1, $0x11  }
0xbc: {  	s0 =	sor.u32 s1, s0  }
0xbd: {  	s0 =	sadd.s32 $0x8F2B, s0  }
0xbe: {  	[sflag:s0] =	ssyncadd.remote.s32 $0x1  }
0xbf: {  	_ =	sfence.sel $0xFFFF  }
0xc0: {  	[dreg:$0x0] =	wrdreg $0xFFFFFFFF;
	(pc) =	sbr.abs _section_cstart, $3  }
0xc1: {  	[dreg:$0x1] =	wrdreg $0xFFFFFFFF  }
0xc2: {  	_ =	task.clear_ibuf [dreg:s6], $0x2FFFF;
	_ =	strace $0x9FFFFFFF  }
0xc3: {  	(tm) =	ssettm $0x7FFFFFFF  }
tec
execute0_lowered:
.L_overlay_start_1:
0x0: {  	(tag) =	ssettag $0x1  }
0x1: {  	s2 =	rddreg [dreg:$0x0]  }
0x2: {  	s7 =	rddreg [dreg:$0x1]  }
0x3: {  	s11 =	stileid.u32;
	v1 =	vimm.s32 $0xFEDCBA9;
	s3 =	rddreg [dreg:$0x2];
	v2 =	vimm.s32 $0x87654321  }
0x4: {  	v3 =	vimm.s32 $0x10FEDCBA;
	s16 =	simm.s32 $0x0;
	s5 =	srdreg.scid;
	v7 =	vimm.s32 $0x98765432;
	s17 =	simm.s32 $0x8F00  }
0x5: {  	v8 =	vimm.s32 $0x3210FEDC;
	v9 =	vimm.s32 $0xBA987654;
	s18 =	simm.s32 $0x1;
	s28 =	simm.s32 $0x3700;
	s29 =	simm.s32 $0x11C00  }
0x6: {  	v10 =	vimm.s32 $0xFEDCBA98;
	v11 =	vimm.s32 $0x76543210;
	s30 =	simm.s32 $0x11C80;
	s0 =	sshrl.u32 s11, $0x3;
	[smem:$0x7FF] =	sst s16  }
0x7: {  	vm0 =	vmmov $0x1;
	v13 =	vimm.s32 $0x0;
	vm15 =	vcmask $0x704;
	s8 =	sand.u32 $0x1, s5;
	s5 =	sadd.s32 $0x84000, s2;
	s6 =	sadd.s32 $0xB6800, s2  }
0x8: {  	vm2 =	vcmask $0xB08;
	vm3 =	vcmask $0xF0C;
	vm5 =	vcmask $0x1310;
	s10 =	sand.u32 $0x7, s11;
	s13 =	sshll.u32 s11, $0x7;
	s1 =	smul.u32 $0x2100, s0  }
0x9: {  	v14 =	vimm.f32 $0.0e+00;
	v15 =	vimm.s32 $0xFFFFFF81;
	vm6 =	vmxor vm6, vm6;
	_ =	strace $0x80000047;
	s9 =	sshll.u32 s8, $0x3;
	s21 =	sshll.u32 s8, $0xB  }
0xa: {  	vm7 =	vcmask $0x1714;
	v4 =	vunpack.c.l.s4.s8 v1;
	v5 =	vunpack.c.l.s4.s8 v2;
	s8 =	ssub.s32 $0x2, s8;
	s14 =	sxor.u32 $0x400, s13;
	s25 =	sadd.s32 s13, s7  }
0xb: {  	v6 =	vunpack.c.l.s4.s8 v3;
	v2 =	vimm.f32 $-1.000000000e+00;
	v3 =	vimm.s32 $0x0;
	p0 =	seq.s32 s0, $0x0;
	s9 =	sor.u32 s10, s9;
	s22 =	sor.u32 s13, s21  }
0xc: {  	v7 =	vunpack.c.l.s4.s8 v7;
	v8 =	vunpack.c.l.s4.s8 v8;
	v9 =	vunpack.c.l.s4.s8 v9;
	s12 =	sshrl.u32 s8, $0x1;
	[dreg:$0x5] =	wrdreg s25;
	s7 =	sadd.s32 s14, s7  }
0xd: {  	v10 =	vunpack.c.l.s4.s8 v10;
	v11 =	vunpack.c.l.s4.s8 v11;
	v13 =	vsel vm0, $0xFFFFFFFF, v13;
	s13 =	sadd.s32 s13, s3;
	s14 =	sadd.s32 s14, s3;
	s25 =	simm.s32 $0x2C00  }
0xe: {  	v4 =	vunpack.c.0.s8.s32 v4;
	v5 =	vunpack.c.0.s8.s32 v5;
	v6 =	vunpack.c.0.s8.s32 v6;
	s4 =	sadd.s32 $0x2100, s1;
	s23 =	sshll.u32 s9, $0x8;
	s10 =	sshrl.u32 s22, $0x3  }
0xf: {  	v7 =	vunpack.c.0.s8.s32 v7;
	v8 =	vunpack.c.0.s8.s32 v8;
	v9 =	vunpack.c.0.s8.s32 v9;
	s15 =	ssub.s32 s8, s12;
	s8 =	smul.u32 $0x8400, s9;
	[dreg:$0x6] =	wrdreg s7  }
0x10: {  	v10 =	vunpack.c.0.s8.s32 v10;
	v11 =	vunpack.c.0.s8.s32 v11;
	v1 =	vmov s4;
	s4 =	sadd.s32 $0xA5000, s2;
	s11 =	sadd.s32 s23, s2;
	s10 =	sadd.s32 s10, s2  }
0x11: {  	v0 =	vmov s1;
	v4 =	vcombine.low v5, v4;
	v5 =	vcombine.low v7, v6;
	s31 =	smax.u32 s15, $0x1;
	s23 =	simm.s32 $0x1600;
	s24 =	sadd.s32 $0xB5800, s11  }
0x12: {  	v6 =	vlaneseq.u32;
	v7 =	vcombine.low v9, v8;
	v12 =	vand.u32 $0xF, v10;
	s11 =	smul.u32 $0x10800, s9;
	s12 =	sadd.s32 s2, s8;
	[dreg:$0x8] =	wrdreg s31  }
0x13: {  	[tilespmem:$0x1FFF0] =	vst v13;
	v11 =	vcombine.low v12, v11;
	v12 =	vimm.f32 $2.000000000e+00;
	s26 =	sadd.s32 $0xB8A00, s10;
	v13 =	vor.u32 $0x10, v6;
	s2 =	simm.s32 $0x0;
	[dreg:$0x4] =	wrdreg s24  }
0x14: {  	v8 =	vand.u32 $0xF, v4;
	v9 =	vand.u32 $0xF, v5;
	v10 =	vand.u32 $0xF, v7;
	[dreg:$0x7] =	wrdreg s26;
	s24 =	simm.s32 $0x2100;
	s26 =	simm.s32 $0x21000  }
.LBB2_1:
0x15: {  	[dreg:$0x9] =	wrdreg s2  }
0x16: {  	s0 =	rddreg [dreg:$0x4]  }
0x17: {  	[tilespmem:s17], [sflag:$0x1] =	stream.linear.gather [hbm4b:s0+s16], $0x780, $0x38;
	[tilespmem:$0x11D50] =	vst v63  }
0x18: {  	_ =	swait.ge [sflag:s18], $0x780  }
0x19: {  	[sflag:s18] =	ssyncset.done $0x0  }
0x1a: {  	[sflag:s18] =	ssyncadd.s32 $0xFFFFF880  }
0x1b: {  	v16 =	vld [tilespmem:$0x8F00]  }
0x1c: {  	v17 =	vld [tilespmem:$0x8F80]  }
0x1d: {  	v18 =	vld [tilespmem:$0x9000]  }
0x1e: {  	v19 =	vld [tilespmem:$0x9080]  }
0x1f: {  	v20 =	vld [tilespmem:$0x8F10]  }
0x20: {  	v21 =	vld [tilespmem:$0x8F90]  }
0x21: {  	v22 =	vld [tilespmem:$0x9010]  }
0x22: {  	v23 =	vld [tilespmem:$0x9090];
	_ =	sdelay $0x3  }
0x23: {  	v16 =	vsub.f32 v18, v16;
	v17 =	vsub.f32 v19, v17  }
0x24: {  	v62 =	vsub.f32 v22, v20;
	v63 =	vsub.f32 v23, v21  }
0x25: {  	v16 =	vmul.f32 v17, v16  }
0x26: {  	v17 =	vmul.f32 v63, v62  }
0x27: {  	[tilespmem:$0x11A00] =	vst v16  }
0x28: {  	s2 =	simm.s32 $0x0;
	s0 =	simm.s32 $0x200;
	[tilespmem:$0x11A10] =	vst v17  }
.LBB2_2:
0x29: {  	p1 =	sne.s32 s0, $0x3E00;
	[tilespmem:s2+$0xFA00] =	vst v2;
	s3 =	smov.u32 s0;
	s0 =	sadd.s32 $0x200, s0  }
.Ltmp0:
0x2a: {  	[tilespmem:s2+$0x10A00] =	vst v3;
	(pc) =	sbr.rel @p1 .LBB2_2-.Ltmp0, $2  }
0x2b: {  	_ =	sdelay $0x2  }
0x2c: {  	s2 =	sshra.s32 s3, $0x2  }
0x2d: {  	[tilespmem:s2+$0xFA00] =	vst v2  }
0x2e: {  	s0 =	simm.s32 $0x0;
	[tilespmem:s2+$0x10A00] =	vst v3;
	s3 =	simm.s32 $0x0  }
.LBB2_4:
0x2f: {  	s7 =	smul.u32 $0x580, s3;
	_ =	sdelay $0x1  }
0x30: {  	s9 =	sadd.s32 s1, s7  }
0x31: {  	s2 =	sshrl.u32 s9, $0x1  }
0x32: {  	s2 =	sadd.s32 s6, s2  }
0x33: {  	[tilespmem:s0], [sflag:$0x1] =	stream.linear.gather [hbm4b:s2+s0], $0x1600, $0x38;
	[tilespmem:$0x11D50] =	vst v63  }
0x34: {  	_ =	swait.ge [sflag:s18], $0x1600  }
0x35: {  	[sflag:s18] =	ssyncset.done $0x0  }
0x36: {  	s10 =	simm.s32 $0x0;
	[sflag:s18] =	ssyncadd.s32 $0xFFFFEA00  }
.LBB2_5:
0x37: {  	s19 =	sshll.u32 s10, $0x4;
	s2 =	sshll.u32 s10, $0x6  }
0x38: {  	s15 =	sand.u32 $0x70, s19;
	s2 =	sand.u32 $0x1E00, s2  }
0x39: {  	s2 =	sor.u32 s15, s2  }
0x3a: {  	v16 =	vld [tilespmem:s2+$0x100]  }
0x3b: {  	v17 =	vld [tilespmem:s2+$0x180]  }
0x3c: {  	v18 =	vld [tilespmem:s2+$0x0]  }
0x3d: {  	s22 =	simm.s32 $0x9000;
	v19 =	vld [tilespmem:s2+$0x80]  }
0x3e: {  	v20 =	vld.msk [tilespmem:s22+$0x80 ss:$0x0], $0xffff  }
0x3f: {  	v21 =	vld.msk [tilespmem:s22+$0xFFFFFF80 ss:$0x0], $0xffff  }
0x40: {  	v24 =	vld.msk [tilespmem:s22+$0x0 ss:$0x0], $0xffff;
	v22 =	vmul.f32 $5.000000000e-01, v16;
	v23 =	vmul.f32 $5.000000000e-01, v17  }
0x41: {  	v25 =	vld.msk [tilespmem:s22+$0xFFFFFF00 ss:$0x0], $0xffff  }
0x42: {  	v16 =	vsub.f32 v18, v22;
	v17 =	vsub.f32 v19, v23  }
0x43: {  	v18 =	vadd.f32 v22, v18;
	v19 =	vadd.f32 v23, v19  }
0x44: {  	s20 =	simm.s32 $0x11A00  }
0x45: {  	v26 =	vld.msk [tilespmem:s20+$0x0 ss:$0x0], $0xffff;
	v22 =	vsub.f32 v18, v16;
	v23 =	vsub.f32 v19, v17;
	v20 =	vmin.f32 v19, v20  }
0x46: {  	v21 =	vmax.f32 v17, v21;
	v24 =	vmin.f32 v18, v24;
	v25 =	vmax.f32 v16, v25  }
0x47: {  	v21 =	vsub.f32 v20, v21;
	v24 =	vsub.f32 v24, v25  }
0x48: {  	v20 =	vmul.f32 v23, v22  }
0x49: {  	v22 =	vmax.f32 v24, $0.0e+00;
	v21 =	vmax.f32 v21, $0.0e+00  }
0x4a: {  	v21 =	vmul.f32 v21, v22;
	v22 =	vadd.f32 v26, v20;
	_ =	sdelay $0x1  }
0x4b: {  	v22 =	vsub.f32 v22, v21;
	_ =	sdelay $0x1  }
0x4c: {  	(erf) = vrcp.f32 v22;
	_ =	sdelay $0x5  }
0x4d: {  	s21 =	simm.s32 $0xFA00  }
0x4e: {  	v22 =	vld [tilespmem:s21+$0x0];
	_ =	sdelay $0x1  }
0x4f: {  	v23 =	vpop (erf)  }
0x50: {  	v21 =	vmul.f32 v23, v21;
	_ =	sdelay $0x1  }
0x51: {  	vm8 =	vgt.f32 v21, v22  }
0x52: {  	v22 =	vsel vm8, v21, v22  }
0x53: {  	s31 =	simm.s32 $0x10A00;
	[tilespmem:s21+$0x0] =	vst v22  }
0x54: {  	v24 =	vld [tilespmem:s31+$0x0];
	_ =	sdelay $0x2  }
0x55: {  	s16 =	sadd.s32 s9, s19;
	v22 =	vimm.f32 $-1.000000000e+00  }
0x56: {  	s22 =	simm.s32 $0x0;
	v25 =	vimm.s32 $0x0;
	v23 =	vor.u32 s16, v6;
	vm9 =	vgt.f32 v21, v22  }
0x57: {  	s2 =	simm.s32 $0x9001;
	s16 =	simm.s32 $0x1;
	v22 =	vsel vm9, v21, v22;
	v21 =	vsel vm9, s22, v25;
	v24 =	vsel vm8, v23, v24  }
.LBB2_6:
0x58: {  	[tilespmem:s31+$0x0] =	vst v24;
	s21 =	sadd.s32 $0x80, s21;
	s31 =	sadd.s32 $0x80, s31;
	s20 =	sadd.s32 $0x1, s20  }
0x59: {  	p1 =	sne.s32 s16, $0x1F;
	s22 =	smov.u32 s16;
	s16 =	sadd.s32 $0x1, s16;
	v24 =	vld.msk [tilespmem:s2+$0x80 ss:$0x0], $0xffff  }
0x5a: {  	v25 =	vld.msk [tilespmem:s2+$0xFFFFFF80 ss:$0x0], $0xffff  }
0x5b: {  	v26 =	vld.msk [tilespmem:s2+$0x0 ss:$0x0], $0xffff  }
0x5c: {  	v27 =	vld.msk [tilespmem:s2+$0xFFFFFF00 ss:$0x0], $0xffff;
	_ =	sdelay $0x3  }
0x5d: {  	v24 =	vmin.f32 v19, v24;
	v25 =	vmax.f32 v17, v25;
	v28 =	vld.msk [tilespmem:s20+$0x0 ss:$0x0], $0xffff  }
0x5e: {  	v26 =	vmin.f32 v18, v26;
	v24 =	vsub.f32 v24, v25  }
0x5f: {  	v25 =	vmax.f32 v16, v27  }
0x60: {  	v25 =	vsub.f32 v26, v25;
	_ =	sdelay $0x1  }
0x61: {  	v24 =	vmax.f32 v24, $0.0e+00;
	v25 =	vmax.f32 v25, $0.0e+00  }
0x62: {  	v24 =	vmul.f32 v24, v25;
	v25 =	vadd.f32 v28, v20;
	_ =	sdelay $0x1  }
0x63: {  	v25 =	vsub.f32 v25, v24;
	_ =	sdelay $0x1  }
0x64: {  	(erf) = vrcp.f32 v25;
	_ =	sdelay $0x6  }
0x65: {  	v25 =	vld [tilespmem:s21+$0x0];
	_ =	sdelay $0x1  }
0x66: {  	v26 =	vpop (erf)  }
0x67: {  	v24 =	vmul.f32 v26, v24;
	_ =	sdelay $0x1  }
0x68: {  	vm8 =	vgt.f32 v24, v22;
	vm9 =	vgt.f32 v24, v25  }
0x69: {  	v22 =	vsel vm8, v24, v22;
	v21 =	vsel vm8, s22, v21;
	v24 =	vsel vm9, v24, v25  }
0x6a: {  	[tilespmem:s21+$0x0] =	vst v24  }
0x6b: {  	v24 =	vld [tilespmem:s31+$0x0]  }
.Ltmp1:
0x6c: {  	(pc) =	sbr.rel @p1 .LBB2_6-.Ltmp1, $2  }
0x6d: {  	_ =	sdelay $0x2  }
0x6e: {  	s2 =	sadd.s32 $0x1, s2;
	v24 =	vsel vm9, v23, v24  }
0x6f: {  	s10 =	sadd.s32 $0x1, s10  }
0x70: {  	p1 =	sne.s32 s10, $0x58  }
.Ltmp2:
0x71: {  	s2 =	sadd.s32 s7, s19;
	(pc) =	sbr.rel @p1 .LBB2_5-.Ltmp2, $4  }
0x72: {  	s2 =	sand.u32 $0x7F80, s2  }
0x73: {  	[tilespmem:s31+$0x0] =	vst v24;
	s2 =	sor.u32 s15, s2  }
0x74: {  	[tilespmem:s2+$0x9700] =	vst v22  }
0x75: {  	[tilespmem:s2+$0xB800] =	vst v21  }
0x76: {  	s3 =	sadd.s32 $0x1, s3  }
0x77: {  	p1 =	sne.s32 s3, $0x6  }
.Ltmp3:
0x78: {  	_ = 	snop;
	(pc) =	sbr.rel @p1 .LBB2_4-.Ltmp3, $1  }
0x79: {  	_ =	sdelay $0x3  }
0x7a: {  	s0 =	simm.s32 $0xFA00  }
0x7b: {  	v16 =	vld [tilespmem:s0+$0x0];
	_ =	sdelay $0x4  }
0x7c: {  	v17 =	vperm.xlane v16, v8;
	_ =	sdelay $0x1  }
0x7d: {  	v17 =	vmax.f32 v16, v17  }
0x7e: {  	v18 =	vperm.xlane v17, v9;
	_ =	sdelay $0x1  }
0x7f: {  	s21 =	simm.s32 $0xFA80;
	v17 =	vmax.f32 v17, v18  }
0x80: {  	v21 =	vld [tilespmem:s21+$0x0];
	v18 =	vperm.xlane v17, v10  }
0x81: {  	s22 =	simm.s32 $0x10A00  }
0x82: {  	v17 =	vmax.f32 v17, v18;
	v18 =	vld [tilespmem:s22+$0x0]  }
0x83: {  	v19 =	vperm.xlane v17, v11;
	_ =	sdelay $0x1  }
0x84: {  	v20 =	vperm.xlane v21, v8;
	v17 =	vmax.f32 v17, v19  }
0x85: {  	vm8 =	veq.f32 v16, v17  }
0x86: {  	v16 =	vmax.f32 v21, v20;
	v18 =	vnsel vm8, $0x7FFFFFFF, v18  }
0x87: {  	v19 =	vperm.xlane v16, v9;
	v22 =	vperm.xlane v18, v8  }
0x88: {  	s9 =	simm.s32 $0x0  }
0x89: {  	s31 =	simm.s32 $0xFB00;
	s3 =	simm.s32 $0x2;
	v23 =	vmov s9;
	v16 =	vmax.f32 v16, v19;
	vm8 =	vlt.s32 v18, v22  }
0x8a: {  	s0 =	simm.s32 $0x1;
	v28 =	vmov s3;
	v20 =	vld [tilespmem:s31+$0x0];
	v24 =	vperm.xlane v16, v10;
	v22 =	vsel vm8, v18, v22  }
0x8b: {  	s10 =	simm.s32 $0x10A80;
	vm9 =	veq.s32 v23, v6;
	v25 =	vmov s0;
	v23 =	vperm.xlane v22, v9  }
0x8c: {  	v17 =	vbroadcast v17, $0x0;
	v19 =	vimm.s32 $0x0;
	v16 =	vmax.f32 v16, v24;
	v24 =	vld [tilespmem:s10+$0x0]  }
0x8d: {  	v18 =	vimm.f32 $0.0e+00;
	v27 =	vperm.xlane v16, v11;
	vm10 =	vlt.s32 v22, v23  }
0x8e: {  	vm8 =	veq.s32 v25, v6;
	v26 =	vsel vm9, v17, v18;
	v22 =	vsel vm10, v22, v23  }
0x8f: {  	v23 =	vperm.xlane v20, v8;
	v16 =	vmax.f32 v16, v27;
	v25 =	vperm.xlane v22, v10  }
0x90: {  	vm9 =	vmmov vm9;
	vm10 =	veq.f32 v21, v16;
	v16 =	vbroadcast v16, $0x0  }
0x91: {  	v23 =	vmax.f32 v20, v23;
	v24 =	vnsel vm10, $0x7FFFFFFF, v24;
	vm10 =	vlt.s32 v22, v25  }
0x92: {  	v27 =	vperm.xlane v23, v9;
	v30 =	vperm.xlane v24, v8;
	v25 =	vsel vm10, v22, v25  }
0x93: {  	vm9 =	vmmov vm9;
	v21 =	vsel vm8, v16, v26;
	v26 =	vperm.xlane v25, v11  }
0x94: {  	s2 =	simm.s32 $0xFB80;
	v22 =	vimm.s32 $0x0;
	v27 =	vmax.f32 v23, v27;
	vm10 =	vlt.s32 v24, v30  }
0x95: {  	s7 =	simm.s32 $0x3;
	s15 =	simm.s32 $0x4;
	v23 =	vld [tilespmem:s2+$0x0];
	v29 =	vperm.xlane v27, v10;
	v24 =	vsel vm10, v24, v30;
	vm11 =	vlt.s32 v25, v26  }
.LBB2_10:
0x96: {  	p1 =	sne.s32 s15, $0x1F;
	v30 =	vperm.xlane v24, v9;
	s10 =	sadd.s32 $0x80, s10;
	s16 =	sadd.s32 $0xFFFFFFF0, s9  }
0x97: {  	v25 =	vsel vm11, v25, v26;
	vm10 =	vmmov vm8;
	vm8 =	veq.s32 v28, v6;
	s9 =	smov.u32 s0;
	s0 =	smov.u32 s3;
	s3 =	smov.u32 s7  }
0x98: {  	s7 =	smov.u32 s15;
	v26 =	vmax.f32 v27, v29;
	v27 =	vld [tilespmem:s10+$0x0];
	v28 =	vmov s16;
	v25 =	vbroadcast v25, $0x0  }
0x99: {  	v29 =	vperm.xlane v26, v11;
	vm11 =	vlt.s32 v24, v30;
	vm12 =	veq.s32 v28, v6  }
0x9a: {  	v24 =	vsel vm11, v24, v30;
	v19 =	vsel vm9, v25, v19;
	v22 =	vsel vm12, v25, v22  }
0x9b: {  	v25 =	vperm.xlane v23, v8;
	v26 =	vmax.f32 v26, v29;
	v28 =	vperm.xlane v24, v10  }
0x9c: {  	v18 =	vsel vm12, v17, v18;
	v17 =	vmovc v16;
	vm9 =	veq.f32 v20, v26;
	v16 =	vbroadcast v26, $0x0;
	v20 =	vmovc v23  }
.Ltmp4:
0x9d: {  	v23 =	vmax.f32 v20, v25;
	v30 =	vnsel vm9, $0x7FFFFFFF, v27;
	vm9 =	vlt.s32 v24, v28;
	(pc) =	sbr.rel @p1 .LBB2_10-.Ltmp4, $4  }
0x9e: {  	v27 =	vperm.xlane v23, v9;
	v31 =	vperm.xlane v30, v8;
	v25 =	vsel vm9, v24, v28  }
0x9f: {  	v21 =	vsel vm8, v16, v21;
	vm9 =	vmmov vm10;
	v26 =	vperm.xlane v25, v11  }
0xa0: {  	s2 =	sadd.s32 $0x80, s2;
	v28 =	vmov s3;
	v27 =	vmax.f32 v23, v27;
	vm10 =	vlt.s32 v30, v31  }
0xa1: {  	s15 =	sadd.s32 $0x1, s15;
	v23 =	vld [tilespmem:s2+$0x0];
	v29 =	vperm.xlane v27, v10;
	v24 =	vsel vm10, v30, v31;
	vm11 =	vlt.s32 v25, v26  }
0xa2: {  	_ =	sdelay $0x3  }
0xa3: {  	v30 =	vperm.xlane v23, v8;
	_ =	sdelay $0x1  }
0xa4: {  	v30 =	vmax.f32 v23, v30  }
0xa5: {  	v31 =	vperm.xlane v30, v9;
	_ =	sdelay $0x1  }
0xa6: {  	s2 =	sadd.s32 $0x80, s10;
	v27 =	vmax.f32 v27, v29;
	v30 =	vmax.f32 v30, v31  }
0xa7: {  	v44 =	vld [tilespmem:s2+$0x0];
	v32 =	vperm.xlane v27, v11;
	v43 =	vperm.xlane v30, v10  }
0xa8: {  	vm10 =	veq.s32 v28, v6;
	v25 =	vsel vm11, v25, v26;
	s2 =	sadd.s32 $0x80, s2  }
0xa9: {  	vm8 =	vmmov vm8;
	v47 =	vld [tilespmem:s2+$0x0];
	v46 =	vmax.f32 v27, v32;
	v45 =	vmax.f32 v30, v43  }
0xaa: {  	s9 =	sadd.s32 $0xFFFFFFF0, s9;
	vm11 =	veq.f32 v20, v46;
	v20 =	vperm.xlane v24, v9;
	v29 =	vperm.xlane v45, v11  }
0xab: {  	v52 =	vmov s7;
	v48 =	vmov s9;
	v25 =	vbroadcast v25, $0x0  }
0xac: {  	v49 =	vnsel vm11, $0x7FFFFFFF, v44;
	vm11 =	vlt.s32 v24, v20;
	v28 =	vmax.f32 v45, v29  }
0xad: {  	v50 =	vperm.xlane v49, v8;
	v20 =	vsel vm11, v24, v20;
	vm11 =	veq.f32 v23, v28  }
0xae: {  	vm12 =	veq.s32 v48, v6;
	v19 =	vsel vm9, v25, v19;
	v23 =	vnsel vm11, $0x7FFFFFFF, v47  }
0xaf: {  	v51 =	vperm.xlane v20, v10;
	vm9 =	vlt.s32 v49, v50;
	v27 =	vperm.xlane v23, v8  }
0xb0: {  	vm8 =	vmmov vm8;
	v17 =	vsel vm12, v17, v18;
	v18 =	vsel vm9, v49, v50  }
0xb1: {  	vm9 =	vlt.s32 v20, v51;
	v24 =	vperm.xlane v18, v9;
	vm11 =	vlt.s32 v23, v27  }
0xb2: {  	v22 =	vsel vm12, v25, v22;
	v20 =	vsel vm9, v20, v51;
	v23 =	vsel vm11, v23, v27  }
0xb3: {  	s0 =	sadd.s32 $0xFFFFFFF0, s0;
	v25 =	vperm.xlane v20, v11;
	vm9 =	vlt.s32 v18, v24;
	v27 =	vperm.xlane v23, v9  }
0xb4: {  	v54 =	vmov s0;
	v26 =	vbroadcast v46, $0x0;
	v18 =	vsel vm9, v18, v24  }
0xb5: {  	vm9 =	vlt.s32 v20, v25;
	v24 =	vperm.xlane v18, v10;
	vm11 =	vlt.s32 v23, v27  }
0xb6: {  	v21 =	vsel vm10, v26, v21;
	v20 =	vsel vm9, v20, v25;
	v23 =	vsel vm11, v23, v27  }
0xb7: {  	s10 =	sadd.s32 $0xFFFFFFF0, s3;
	vm9 =	vmmov vm10;
	vm10 =	vlt.s32 v18, v24;
	v53 =	vperm.xlane v23, v10  }
0xb8: {  	v57 =	vmov s10;
	vm12 =	veq.s32 v52, v6;
	v18 =	vsel vm10, v18, v24  }
0xb9: {  	v20 =	vbroadcast v20, $0x0;
	v24 =	vperm.xlane v18, v11;
	vm11 =	vlt.s32 v23, v53  }
0xba: {  	v55 =	vbroadcast v28, $0x0;
	vm10 =	veq.s32 v54, v6;
	v23 =	vsel vm11, v23, v53  }
0xbb: {  	v19 =	vsel vm8, v20, v19;
	vm8 =	vlt.s32 v18, v24;
	v56 =	vperm.xlane v23, v11  }
0xbc: {  	v20 =	vsel vm10, v20, v22;
	v16 =	vsel vm10, v16, v17;
	v18 =	vsel vm8, v18, v24  }
0xbd: {  	vm8 =	vmmov vm9;
	v18 =	vbroadcast v18, $0x0;
	vm9 =	vlt.s32 v23, v56  }
0xbe: {  	v17 =	vsel vm12, v55, v21;
	vm10 =	vmmov vm12;
	v22 =	vsel vm9, v23, v56  }
0xbf: {  	s15 =	sadd.s32 $0xFFFFFFF0, s7;
	v19 =	vsel vm8, v18, v19;
	vm9 =	veq.s32 v57, v6;
	v58 =	vbroadcast v22, $0x0  }
0xc0: {  	vm8 =	vmmov vm10;
	v18 =	vsel vm9, v18, v20;
	v20 =	vmov s15  }
0xc1: {  	v16 =	vsel vm9, v26, v16;
	vm9 =	veq.s32 v20, v6;
	v19 =	vsel vm8, v58, v19  }
0xc2: {  	[tilespmem:$0x11B00] =	vst v17;
	v18 =	vsel vm9, v58, v18;
	v16 =	vsel vm9, v55, v16;
	v20 =	vcvt.s32.f32 v19  }
0xc3: {  	[tilespmem:$0x11B10] =	vst v16;
	v21 =	vcvt.s32.f32 v18  }
0xc4: {  	[tilespmem:$0x11B20] =	vst v20  }
0xc5: {  	[tilespmem:$0x11B30] =	vst v21  }
0xc6: {  	[bflag:$0x0] =	sbarrier.arrive $0xFFFF  }
0xc7: {  	s19 =	simm.s32 $0x11B00;
	s16 =	rddreg [dreg:$0x5]  }
0xc8: {  	[spmem:s16] =	stream.linear.scatter [tilespmem:s19], [sflag:$0x1], $0x80, $0x38;
	[tilespmem:$0x11D50] =	vst v63  }
0xc9: {  	_ =	swait.ge [sflag:s18], $0x80  }
0xca: {  	[sflag:s18] =	ssyncset.done $0x0  }
0xcb: {  	[sflag:s18] =	ssyncadd.s32 $0xFFFFFF80  }
0xcc: {  	[bflag:$0x0] =	sbarrier.arrive $0xFFFF  }
0xcd: {  	[bflag:$0x0] =	sbarrier.arrive $0xFFFF  }
0xce: {  	s21 =	simm.s32 $0x11B80;
	s20 =	rddreg [dreg:$0x6]  }
0xcf: {  	[tilespmem:s21], [sflag:$0x1] =	stream.linear.gather [spmem:s20], $0x80, $0x38;
	[tilespmem:$0x11D50] =	vst v63  }
0xd0: {  	_ =	swait.ge [sflag:s18], $0x80  }
0xd1: {  	[sflag:s18] =	ssyncset.done $0x0  }
0xd2: {  	[sflag:s18] =	ssyncadd.s32 $0xFFFFFF80  }
0xd3: {  	[bflag:$0x0] =	sbarrier.arrive $0xFFFF  }
0xd4: {  	v20 =	vld [tilespmem:$0x11BA0]  }
0xd5: {  	v59 =	vld [tilespmem:$0x11BB0]  }
0xd6: {  	v60 =	vld [tilespmem:$0x11B80];
	_ =	sdelay $0x2  }
0xd7: {  	v61 =	vld [tilespmem:$0x11B90];
	v20 =	vtrunc.f32 v20  }
0xd8: {  	v21 =	vtrunc.f32 v59;
	v20 =	vcvt.f32.s32 v20  }
0xd9: {  	v62 =	vpsel p0, v17, v60;
	v17 =	vpsel p0, v60, v17;
	v21 =	vcvt.f32.s32 v21  }
0xda: {  	vm8 =	vge.f32 v62, v17;
	v63 =	vpsel p0, v19, v20  }
0xdb: {  	v19 =	vpsel p0, v20, v19;
	v20 =	vpsel p0, v18, v21;
	v18 =	vpsel p0, v21, v18  }
0xdc: {  	v17 =	vsel vm8, v63, v19;
	v19 =	vpsel p0, v16, v61;
	v16 =	vpsel p0, v61, v16  }
0xdd: {  	vm8 =	vge.f32 v19, v16;
	vm9 =	vge.s32 v17, v0;
	vm10 =	vlt.s32 v17, v1  }
0xde: {  	v17 =	vsub.s32 v17, v0;
	v16 =	vsel vm8, v20, v18;
	vm9 =	vmand vm9, vm10  }
0xdf: {  	vm10 =	vgt.s32 v17, $0x0;
	vm8 =	vge.s32 v16, v0;
	v18 =	vsub.s32 v16, v0  }
0xe0: {  	vm11 =	vlt.s32 v16, v1;
	v16 =	vnsel vm10, $0x0, v17;
	vm10 =	vgt.s32 v18, $0x0  }
0xe1: {  	v17 =	vnsel vm10, $0x0, v18  }
0xe2: {  	v18 =	vmin.u32 v17, $0x20FF;
	v17 =	vld [tilespmem:$0x1FFF0];
	_ =	sdelay $0x4  }
0xe3: {  	vm8 =	vmand vm8, vm11;
	v16 =	vmin.u32 v16, $0x20FF;
	vm0 =	vnez.u8 v17  }
0xe4: {  	vm10 =	vmand vm9, vm0  }
0xe5: {  	vm11 =	vmand vm9, vm15  }
0xe6: {  	vm12 =	vmand vm9, vm2  }
0xe7: {  	s22 =	simm.s32 $0x9700;
	vm13 =	vmand vm9, vm3  }
0xe8: {  	vm4 =	vmmov vm3;
	vm14 =	vmand vm9, vm5;
	[tilespmem:v16+s22+$0x0] =	vst.idx.msk vm9, v12  }
0xe9: {  	s31 =	simm.s32 $0xB800;
	vm3 =	vmmov vm2;
	vm2 =	vmmov vm15;
	vm15 =	vmand vm9, vm7;
	[tilespmem:v18+s22+$0x0] =	vst.idx.msk vm8, v12  }
0xea: {  	[tilespmem:v16+s31+$0x0] =	vst.idx.msk vm10, v6;
	vm10 =	vcmask $0x1B18  }
0xeb: {  	vm10 =	vmand vm9, vm10;
	[tilespmem:v16+s31+$0x0] =	vst.idx.msk vm11, v6;
	vm11 =	vcmask $0x1F1C  }
0xec: {  	vm11 =	vmand vm9, vm11;
	[tilespmem:v16+s31+$0x0] =	vst.idx.msk vm12, v6;
	vm12 =	vcmask $0x2320  }
0xed: {  	vm1 =	vmand vm9, vm12;
	[tilespmem:v16+s31+$0x0] =	vst.idx.msk vm13, v6;
	vm13 =	vcmask $0x2724  }
0xee: {  	vm13 =	vmand vm9, vm13;
	[tilespmem:v16+s31+$0x0] =	vst.idx.msk vm14, v6;
	vm14 =	vcmask $0x2B28  }
0xef: {  	vm14 =	vmand vm9, vm14;
	[tilespmem:v16+s31+$0x0] =	vst.idx.msk vm15, v6;
	vm15 =	vcmask $0x2F2C  }
0xf0: {  	vm15 =	vmand vm9, vm15  }
0xf1: {  	[tilespmem:v16+s31+$0x0] =	vst.idx.msk vm10, v6;
	vm10 =	vcmask $0x3330  }
0xf2: {  	vm10 =	vmand vm9, vm10;
	[tilespmem:v16+s31+$0x0] =	vst.idx.msk vm11, v6;
	vm11 =	vcmask $0x3734  }
0xf3: {  	vm11 =	vmand vm9, vm11;
	[tilespmem:v16+s31+$0x0] =	vst.idx.msk vm1, v6;
	vm1 =	vcmask $0x3B38  }
0xf4: {  	vm12 =	vmand vm9, vm1;
	[tilespmem:v16+s31+$0x0] =	vst.idx.msk vm13, v6;
	vm13 =	vcmask $0x3F3C  }
0xf5: {  	vm9 =	vmand vm9, vm13;
	[tilespmem:v16+s31+$0x0] =	vst.idx.msk vm14, v6  }
0xf6: {  	vm13 =	vmand vm8, vm0;
	[tilespmem:v16+s31+$0x0] =	vst.idx.msk vm15, v6;
	vm15 =	vmmov vm2  }
0xf7: {  	vm2 =	vmmov vm3;
	vm14 =	vmand vm8, vm15  }
0xf8: {  	[tilespmem:v16+s31+$0x0] =	vst.idx.msk vm10, v6;
	vm10 =	vmand vm8, vm2  }
0xf9: {  	[tilespmem:v16+s31+$0x0] =	vst.idx.msk vm11, v6;
	vm11 =	vmand vm8, vm4  }
0xfa: {  	[tilespmem:v16+s31+$0x0] =	vst.idx.msk vm12, v6;
	vm12 =	vmand vm8, vm5  }
0xfb: {  	vm0 =	vcmask $0x1B18;
	[tilespmem:v16+s31+$0x0] =	vst.idx.msk vm9, v6;
	vm9 =	vmand vm8, vm7  }
0xfc: {  	[tilespmem:v18+s31+$0x0] =	vst.idx.msk vm13, v13;
	vm13 =	vmand vm8, vm0;
	vm0 =	vcmask $0x1F1C  }
0xfd: {  	[tilespmem:v18+s31+$0x0] =	vst.idx.msk vm14, v13;
	vm14 =	vmand vm8, vm0;
	vm0 =	vcmask $0x2320  }
0xfe: {  	[tilespmem:v18+s31+$0x0] =	vst.idx.msk vm10, v13;
	vm10 =	vmand vm8, vm0;
	vm0 =	vcmask $0x2724  }
0xff: {  	[tilespmem:v18+s31+$0x0] =	vst.idx.msk vm11, v13;
	vm11 =	vmand vm8, vm0;
	vm0 =	vcmask $0x2B28  }
0x100: {  	[tilespmem:v18+s31+$0x0] =	vst.idx.msk vm12, v13;
	vm12 =	vmand vm8, vm0;
	vm0 =	vcmask $0x2F2C  }
0x101: {  	[tilespmem:v18+s31+$0x0] =	vst.idx.msk vm9, v13;
	vm9 =	vmand vm8, vm0;
	vm0 =	vcmask $0x3330  }
0x102: {  	[tilespmem:v18+s31+$0x0] =	vst.idx.msk vm13, v13;
	vm13 =	vmand vm8, vm0;
	vm0 =	vcmask $0x3734  }
0x103: {  	[tilespmem:v18+s31+$0x0] =	vst.idx.msk vm14, v13;
	vm14 =	vmand vm8, vm0  }
0x104: {  	vm0 =	vcmask $0x3F3C;
	[tilespmem:v18+s31+$0x0] =	vst.idx.msk vm10, v13;
	vm10 =	vmand vm8, vm1  }
0x105: {  	vm8 =	vmand vm8, vm0;
	[tilespmem:v18+s31+$0x0] =	vst.idx.msk vm11, v13  }
0x106: {  	[tilespmem:v18+s31+$0x0] =	vst.idx.msk vm12, v13  }
0x107: {  	[tilespmem:v18+s31+$0x0] =	vst.idx.msk vm9, v13  }
0x108: {  	[tilespmem:v18+s31+$0x0] =	vst.idx.msk vm13, v13  }
0x109: {  	[tilespmem:v18+s31+$0x0] =	vst.idx.msk vm14, v13  }
0x10a: {  	s0 =	simm.s32 $0x0;
	v19 =	vimm.f32 $0.0e+00;
	v17 =	vimm.f32 $0.0e+00;
	[tilespmem:v18+s31+$0x0] =	vst.idx.msk vm10, v13  }
0x10b: {  	s19 =	simm.s32 $0x0;
	s16 =	simm.s32 $0x0;
	s20 =	simm.s32 $0x0;
	vm3 =	vmmov vm4;
	v16 =	vimm.f32 $0.0e+00;
	[tilespmem:v18+s31+$0x0] =	vst.idx.msk vm8, v13;
	v18 =	vimm.f32 $0.0e+00  }
.LBB2_12:
0x10c: {  	s2 =	smul.u32 $0x580, s20;
	_ =	sdelay $0x1  }
0x10d: {  	s2 =	sadd.s32 s1, s2  }
0x10e: {  	s3 =	sshrl.u32 s2, $0x1  }
0x10f: {  	s21 =	sshll.u32 s2, $0x1;
	s3 =	sadd.s32 s6, s3  }
0x110: {  	[tilespmem:s0], [sflag:$0x1] =	stream.linear.gather [hbm4b:s3+s0], $0x1600, $0x38;
	[tilespmem:$0x11D50] =	vst v63  }
0x111: {  	s3 =	sadd.s32 s8, s21;
	_ =	swait.ge [sflag:s18], $0x1600  }
0x112: {  	s3 =	sshrl.u32 s3, $0x3;
	[sflag:s18] =	ssyncset.done $0x0  }
0x113: {  	s7 =	sshll.u32 s2, $0x2;
	s3 =	sadd.s32 s4, s3;
	[sflag:s18] =	ssyncadd.s32 $0xFFFFEA00  }
0x114: {  	[tilespmem:s23], [sflag:$0x1] =	stream.linear.gather [hbm4b:s3+s0], $0xB00, $0x38;
	[tilespmem:$0x11D50] =	vst v63  }
0x115: {  	s22 =	sadd.s32 s11, s7;
	_ =	swait.ge [sflag:s18], $0xB00  }
0x116: {  	s3 =	sshrl.u32 s22, $0x3;
	[sflag:s18] =	ssyncset.done $0x0  }
0x117: {  	s3 =	sadd.s32 s5, s3;
	[sflag:s18] =	ssyncadd.s32 $0xFFFFF500  }
0x118: {  	[tilespmem:s24], [sflag:$0x1] =	stream.linear.gather [hbm4b:s3+s0], $0x1600, $0x38;
	[tilespmem:$0x11D50] =	vst v63  }
0x119: {  	_ =	swait.ge [sflag:s18], $0x1600  }
0x11a: {  	[sflag:s18] =	ssyncset.done $0x0  }
0x11b: {  	s2 =	sadd.s32 s2, s12;
	[sflag:s18] =	ssyncadd.s32 $0xFFFFEA00  }
0x11c: {  	[tilespmem:s28], [sflag:$0x1] =	stream.strided.gather [hbm4b:s2+s25], $0x5800, s26, s25, $0x38;
	[tilespmem:$0x11D50] =	vst v63  }
0x11d: {  	s3 =	simm.s32 $0x0;
	_ =	swait.ge [sflag:s18], $0x5800  }
0x11e: {  	s9 =	sand.u32 $0x70, s0;
	s2 =	sand.u32 $0x3FFFFF00, s3;
	[sflag:s18] =	ssyncset.done $0x0  }
0x11f: {  	s7 =	sadd.s32 $0x0, s19;
	s2 =	sor.u32 s9, s2;
	[sflag:s18] =	ssyncadd.s32 $0xFFFFA800  }
0x120: {  	s3 =	sand.u32 $0x7F80, s7;
	v20 =	vld [tilespmem:s2+$0x1680]  }
0x121: {  	s7 =	sor.u32 s9, s3;
	v21 =	vld [tilespmem:s2+$0x1600]  }
0x122: {  	v22 =	vld [tilespmem:s7+$0x9700];
	_ =	sdelay $0x3  }
0x123: {  	v23 =	vsub.f32 v21, v20;
	v20 =	vsub.f32 v20, v21  }
0x124: {  	vm8 =	vge.f32 v22, $3.499999940e-01  }
0x125: {  	v21 =	vsel vm8, v23, v20  }
0x126: {  	v20 =	vand.u32 $0x7FFFFFFF, v21  }
0x127: {  	v20 =	vsub.f32 $0.0e+00, v20;
	_ =	sdelay $0x1  }
0x128: {  	v20 =	vmul.f32 $1.442695020e+00, v20;
	_ =	sdelay $0x1  }
0x129: {  	(erf) = vpow2.f32 v20;
	_ =	sdelay $0x8  }
0x12a: {  	v20 =	vpop (erf)  }
0x12b: {  	v22 =	vadd.f32 $1.000000000e+00, v20;
	_ =	sdelay $0x1  }
0x12c: {  	v20 =	vand.u32 $0x7FFFFF, v22  }
0x12d: {  	v20 =	vor.u32 $0x3F800000, v20  }
0x12e: {  	v23 =	vmul.f32 $5.000000000e-01, v20  }
0x12f: {  	vm9 =	vgt.f32 v20, $1.414213540e+00  }
0x130: {  	v20 =	vsel vm9, v23, v20  }
0x131: {  	v30 =	vld [tilespmem:s7+$0xB800];
	v23 =	vadd.f32 $1.000000000e+00, v20;
	_ =	sdelay $0x1  }
0x132: {  	s10 =	simm.s32 $0x0;
	(erf) = vrcp.f32 v23  }
0x133: {  	s2 =	sand.u32 $0xFFFFFE00, s10  }
0x134: {  	s15 =	sor.u32 s9, s2  }
0x135: {  	v24 =	vld [tilespmem:s15+$0x100];
	v25 =	vadd.s32 $0x100, v30  }
0x136: {  	v27 =	vadd.s32 $0x180, v30;
	_ =	sdelay $0x1  }
0x137: {  	v23 =	vadd.s32 $0x80, v30  }
0x138: {  	v26 =	vld [tilespmem:s15+$0x180]  }
0x139: {  	v20 =	vadd.f32 $-1.000000000e+00, v20;
	(erf) = vrcp.f32 v24;
	v24 =	vld.idx.msk [tilespmem:v25+s17+$0x0], $0xffff  }
0x13a: {  	v25 =	vld.idx.msk [tilespmem:v27+s17+$0x0], $0xffff;
	v28 =	vpop (erf)  }
0x13b: {  	s31 =	sadd.s32 s19, s1;
	v31 =	vmul.f32 v28, v20;
	v28 =	vld.idx.msk [tilespmem:v30+s17+$0x0], $0xffff  }
0x13c: {  	s22 =	sadd.s32 $0x0, s31;
	v29 =	vld.idx.msk [tilespmem:v23+s17+$0x0], $0xffff  }
0x13d: {  	vm11 =	vmmov vm6;
	p1 =	sgt.u32 s22, $0x419F;
	v32 =	vmul.f32 v31, v31  }
0x13e: {  	vm11 =	vmneg @p1 vm11;
	v35 =	vadd.s32 $0x280, v30  }
0x13f: {  	v34 =	vadd.s32 $0x200, v30;
	(erf) = vrcp.f32 v26;
	v20 =	vmul.f32 $2.222222240e-01, v32  }
0x140: {  	v40 =	vadd.s32 $0x480, v30;
	v27 =	vadd.f32 v24, v28;
	v24 =	vsub.f32 v24, v28  }
0x141: {  	v45 =	vshrl.u32 v22, $0x17;
	v28 =	vadd.f32 v25, v29;
	v26 =	vadd.f32 $2.857142980e-01, v20  }
0x142: {  	v36 =	vadd.s32 $0x300, v30;
	v45 =	vand.u32 $0xFF, v45;
	v47 =	vsel vm9, $0xFFFFFF82, v15  }
0x143: {  	v37 =	vadd.s32 $0x380, v30;
	v35 =	vld.idx.msk [tilespmem:v35+s17+$0x0], $0xffff;
	v45 =	vadd.s32 v45, v47;
	v26 =	vmul.f32 v26, v32  }
0x144: {  	v39 =	vadd.s32 $0x400, v30;
	v43 =	vadd.s32 $0x500, v30;
	v45 =	vcvt.s32.f32 v45;
	v23 =	vld [tilespmem:s15+$0x80]  }
0x145: {  	s21 =	simm.s32 $0x0;
	v50 =	vld.idx.msk [tilespmem:v40+s17+$0x0], $0xffff;
	v38 =	vsub.f32 v25, v29;
	v25 =	vadd.f32 $4.000000060e-01, v26;
	v26 =	vmul.f32 $5.000000000e-01, v28;
	v28 =	vpop (erf)  }
0x146: {  	s2 =	sand.u32 $0x3FFFFC00, s21;
	v46 =	vadd.s32 $0x580, v30;
	v21 =	vmax.f32 v21, $0.0e+00;
	v41 =	vmul.f32 v24, v28  }
0x147: {  	s9 =	sor.u32 s9, s2;
	v47 =	vadd.s32 $0x600, v30;
	v56 =	vmul.f32 $6.931471820e-01, v45;
	v30 =	vadd.s32 $0x680, v30  }
0x148: {  	v57 =	vld [tilespmem:s9+$0x3700];
	v33 =	vmul.f32 $5.000000000e-01, v27;
	v27 =	vpop (erf);
	v24 =	vmul.f32 v25, v32;
	v42 =	vand.u32 $0x7FFFFF, v41  }
0x149: {  	v49 =	vld [tilespmem:s9+$0x3780];
	v62 =	vsub.f32 v35, v23;
	v38 =	vmul.f32 v38, v27;
	v42 =	vor.u32 $0x3F800000, v42  }
0x14a: {  	v40 =	vld [tilespmem:s9+$0x3800];
	v54 =	vsub.f32 v50, v23;
	v44 =	vadd.f32 $6.666666860e-01, v24;
	v55 =	vmul.f32 $5.000000000e-01, v42  }
0x14b: {  	v63 =	vld.idx.msk [tilespmem:v39+s17+$0x0], $0xffff;
	v20 =	vsel vm8, $0x3F800000, v14;
	v48 =	vand.u32 $0x7FFFFF, v38;
	vm10 =	vgt.f32 v42, $1.414213540e+00  }
0x14c: {  	v48 =	vor.u32 $0x3F800000, v48;
	v32 =	vmul.f32 v44, v32;
	v44 =	vld.idx.msk [tilespmem:v34+s17+$0x0], $0xffff;
	v34 =	vsel vm10, v55, v42  }
0x14d: {  	v39 =	vld [tilespmem:s9+$0x3900];
	vm8 =	vmor vm11, vm8;
	v59 =	vmul.f32 $5.000000000e-01, v48;
	v58 =	vadd.f32 $1.000000000e+00, v34  }
0x14e: {  	v22 =	vld [tilespmem:s15+$0x2280];
	v17 =	vadd.f32 v20, v17;
	v29 =	vsub.f32 v26, v23;
	vm9 =	vgt.f32 v48, $1.414213540e+00  }
0x14f: {  	v50 =	vld.idx.msk [tilespmem:v43+s17+$0x0], $0xffff;
	v41 =	vshrl.u32 v41, $0x17;
	v60 =	vsel vm9, v59, v48;
	(erf) = vrcp.f32 v58  }
0x150: {  	v41 =	vand.u32 $0xFF, v41;
	v42 =	vld.idx.msk [tilespmem:v36+s17+$0x0], $0xffff;
	v32 =	vadd.f32 $2.000000000e+00, v32;
	v61 =	vadd.f32 $1.000000000e+00, v60  }
0x151: {  	v38 =	vshrl.u32 v38, $0x17;
	v36 =	vld [tilespmem:s15+$0x0];
	v51 =	vadd.f32 $-1.000000000e+00, v34;
	v34 =	vmul.f32 v62, v27  }
0x152: {  	v53 =	vsel vm10, $0xFFFFFF82, v15;
	v31 =	vmul.f32 v32, v31;
	v32 =	vld.idx.msk [tilespmem:v37+s17+$0x0], $0xffff;
	(erf) = vrcp.f32 v61  }
0x153: {  	v35 =	vld.idx.msk [tilespmem:v30+s17+$0x0], $0xffff;
	v41 =	vadd.s32 v41, v53;
	v48 =	vmul.f32 v54, v27;
	v34 =	vmul.f32 $1.000000000e+01, v34  }
0x154: {  	v25 =	vld [tilespmem:s15+$0x2100];
	v52 =	vsel vm9, $0xFFFFFF82, v15;
	v45 =	vcvt.s32.f32 v41;
	v55 =	vadd.f32 $-1.000000000e+00, v60  }
0x155: {  	v26 =	vld [tilespmem:s15+$0x2180];
	v43 =	vmul.f32 $1.000000000e+01, v48;
	v31 =	vadd.f32 v31, v56;
	v59 =	vsub.f32 v49, v34  }
0x156: {  	v24 =	vld [tilespmem:s15+$0x2200];
	v56 =	vand.u32 $0xFF, v38;
	v60 =	vsub.f32 v44, v36;
	v42 =	vsub.f32 v42, v36  }
0x157: {  	v41 =	vld.idx.msk [tilespmem:v46+s17+$0x0], $0xffff;
	v62 =	vsub.f32 v63, v36;
	v46 =	vadd.s32 v56, v52;
	v32 =	vsub.f32 v32, v23  }
0x158: {  	v21 =	vadd.f32 v31, v21;
	v31 =	vld [tilespmem:s9+$0x3880];
	v63 =	vmul.f32 v60, v28;
	v56 =	vmul.f32 v42, v28;
	v61 =	vpop (erf)  }
0x159: {  	v37 =	vld [tilespmem:s9+$0x3980];
	v53 =	vand.u32 $0x7FFFFFFF, v59;
	v32 =	vmul.f32 v32, v27;
	v44 =	vmul.f32 v61, v51  }
0x15a: {  	v38 =	vld.idx.msk [tilespmem:v47+s17+$0x0], $0xffff;
	v58 =	vsel vm8, $0x0, v21;
	v47 =	vmul.f32 $1.000000000e+01, v63;
	v56 =	vmul.f32 $1.000000000e+01, v56  }
0x15b: {  	v34 =	vld [tilespmem:s9+$0x3A00];
	vm8 =	vlt.f32 v53, $1.000000000e+00;
	v54 =	vmul.f32 $1.000000000e+01, v32;
	v30 =	vpop (erf);
	v48 =	vmul.f32 v44, v44  }
0x15c: {  	v47 =	vsub.f32 v57, v47;
	v57 =	vmul.f32 $5.000000000e-01, v53;
	v32 =	vld [tilespmem:s9+$0x3A80];
	v42 =	vmul.f32 v30, v55  }
0x15d: {  	v52 =	vsub.f32 v31, v54;
	v54 =	vmul.f32 v62, v28;
	v31 =	vld [tilespmem:s9+$0x6300];
	v55 =	vmul.f32 $2.222222240e-01, v48  }
0x15e: {  	s3 =	simm.s32 $0x1;
	s21 =	simm.s32 $0x2;
	v51 =	vsub.f32 v50, v36;
	v50 =	vadd.f32 $-5.000000000e-01, v53;
	v30 =	vld [tilespmem:s9+$0x6380];
	[tilespmem:s7+$0xD900] =	vst v58;
	s7 =	simm.s32 $0x0;
	v49 =	vmul.f32 v42, v42  }
.LBB2_13:
0x15f: {  	p1 =	sne.s32 s21, $0x57;
	v55 =	vadd.f32 $2.857142980e-01, v55;
	v40 =	vsub.f32 v40, v56;
	v54 =	vmul.f32 $1.000000000e+01, v54  }
0x160: {  	v56 =	vmul.f32 $2.222222240e-01, v49;
	v47 =	vand.u32 $0x7FFFFFFF, v47;
	v53 =	vmul.f32 v57, v53  }
0x161: {  	v55 =	vmul.f32 v55, v48;
	v57 =	vmul.f32 $5.000000000e-01, v47;
	v40 =	vand.u32 $0x7FFFFFFF, v40  }
0x162: {  	v58 =	vadd.f32 $-5.000000000e-01, v47;
	v56 =	vadd.f32 $2.857142980e-01, v56;
	v59 =	vmul.f32 $5.000000000e-01, v40  }
0x163: {  	vm9 =	vlt.f32 v47, $1.000000000e+00;
	v55 =	vadd.f32 $4.000000060e-01, v55;
	v47 =	vmul.f32 v57, v47  }
0x164: {  	v52 =	vand.u32 $0x7FFFFFFF, v52;
	v39 =	vsub.f32 v39, v54;
	v56 =	vmul.f32 v56, v49  }
0x165: {  	s2 =	sshll.u32 s3, $0x5;
	v33 =	vsub.f32 v33, v36;
	v51 =	vmul.f32 v51, v28;
	s7 =	sadd.s32 $0x10, s7;
	v54 =	vmul.f32 v55, v48  }
0x166: {  	v41 =	vsub.f32 v41, v23;
	s10 =	sand.u32 $0x70, s7;
	s2 =	sand.u32 $0x3FFFFF00, s2;
	v47 =	vsel vm9, v47, v58;
	v55 =	vadd.f32 $4.000000060e-01, v56  }
0x167: {  	s9 =	sadd.s32 s7, s19;
	s2 =	sor.u32 s10, s2;
	v50 =	vsel vm8, v53, v50;
	v53 =	vmul.f32 v59, v40;
	v54 =	vadd.f32 $6.666666860e-01, v54  }
0x168: {  	s9 =	sand.u32 $0x7F80, s9;
	v57 =	vadd.f32 $-5.000000000e-01, v40;
	v58 =	vmul.f32 $5.000000000e-01, v52;
	v56 =	vld [tilespmem:s2+$0x1680];
	v55 =	vmul.f32 v55, v49  }
0x169: {  	v45 =	vmul.f32 $6.931471820e-01, v45;
	s9 =	sor.u32 s10, s9;
	v47 =	vadd.f32 v50, v47;
	v59 =	vld [tilespmem:s2+$0x1600];
	v48 =	vmul.f32 v54, v48  }
0x16a: {  	v46 =	vcvt.s32.f32 v46;
	vm9 =	vlt.f32 v40, $1.000000000e+00;
	v50 =	vld [tilespmem:s9+$0x9700];
	v54 =	vadd.f32 $6.666666860e-01, v55  }
0x16b: {  	v33 =	vmul.f32 v33, v28;
	v39 =	vand.u32 $0x7FFFFFFF, v39;
	v40 =	vadd.f32 $2.000000000e+00, v48  }
0x16c: {  	v29 =	vmul.f32 v29, v27;
	v37 =	vsub.f32 v37, v43;
	v48 =	vmul.f32 v54, v49  }
0x16d: {  	v38 =	vsub.f32 v38, v36;
	v43 =	vmul.f32 $1.000000000e+01, v51;
	v40 =	vmul.f32 v40, v44  }
0x16e: {  	v41 =	vmul.f32 v41, v27;
	v36 =	vsub.f32 v59, v56;
	v44 =	vsub.f32 v56, v59  }
0x16f: {  	v49 =	vsel vm9, v53, v57;
	v48 =	vadd.f32 $2.000000000e+00, v48;
	vm8 =	vge.f32 v50, $3.499999940e-01  }
0x170: {  	v50 =	vadd.f32 $-5.000000000e-01, v52;
	v36 =	vsel vm8, v36, v44;
	v44 =	vmul.f32 v58, v52  }
0x171: {  	v40 =	vadd.f32 v40, v45;
	v45 =	vmul.f32 $5.000000000e-01, v39;
	v51 =	vand.u32 $0x7FFFFFFF, v36  }
0x172: {  	v47 =	vadd.f32 v49, v47;
	v42 =	vmul.f32 v48, v42;
	v51 =	vsub.f32 $0.0e+00, v51  }
0x173: {  	v46 =	vmul.f32 $6.931471820e-01, v46;
	v33 =	vmul.f32 $1.000000000e+01, v33;
	vm9 =	vlt.f32 v52, $1.000000000e+00  }
0x174: {  	v29 =	vmul.f32 $1.000000000e+01, v29;
	v37 =	vand.u32 $0x7FFFFFFF, v37;
	v48 =	vmul.f32 $1.442695020e+00, v51  }
0x175: {  	v28 =	vmul.f32 v38, v28;
	v41 =	vmul.f32 $1.000000000e+01, v41;
	v34 =	vsub.f32 v34, v43  }
0x176: {  	v23 =	vsub.f32 v35, v23;
	v38 =	vsel vm9, v44, v50;
	(erf) = vpow2.f32 v48  }
0x177: {  	v43 =	vadd.f32 $-5.000000000e-01, v39;
	v35 =	vmul.f32 v45, v39;
	v44 =	vmul.f32 $5.000000000e-01, v37  }
0x178: {  	v40 =	vmul.f32 $5.000000000e+00, v40;
	v42 =	vadd.f32 v42, v46;
	v38 =	vadd.f32 v38, v47  }
0x179: {  	v26 =	vsub.f32 v26, v29;
	v25 =	vsub.f32 v25, v33;
	vm9 =	vlt.f32 v39, $1.000000000e+00  }
0x17a: {  	v28 =	vmul.f32 $1.000000000e+01, v28;
	v29 =	vand.u32 $0x7FFFFFFF, v34;
	v32 =	vsub.f32 v32, v41  }
0x17b: {  	v23 =	vmul.f32 v23, v27;
	v33 =	vsel vm9, v35, v43;
	v34 =	vmul.f32 v44, v37  }
0x17c: {  	v27 =	vadd.f32 $-5.000000000e-01, v37;
	v24 =	vsub.f32 v24, v40;
	v35 =	vmul.f32 $5.000000000e-01, v29  }
0x17d: {  	v25 =	vand.u32 $0x7FFFFFFF, v25;
	v39 =	vmul.f32 $5.000000000e+00, v42;
	v33 =	vadd.f32 v33, v38  }
0x17e: {  	v26 =	vand.u32 $0x7FFFFFFF, v26;
	v32 =	vand.u32 $0x7FFFFFFF, v32;
	vm9 =	vlt.f32 v37, $1.000000000e+00  }
0x17f: {  	v23 =	vmul.f32 $1.000000000e+01, v23;
	v28 =	vsub.f32 v31, v28;
	v38 =	vmul.f32 $5.000000000e-01, v25;
	v37 =	vpop (erf)  }
0x180: {  	v27 =	vsel vm9, v34, v27;
	v31 =	vadd.f32 $1.000000000e+00, v37;
	v37 =	vmul.f32 $5.000000000e-01, v26  }
0x181: {  	v40 =	vmul.f32 $5.000000000e-01, v32;
	v34 =	vmul.f32 v35, v29;
	v35 =	vadd.f32 $-5.000000000e-01, v29  }
0x182: {  	v24 =	vand.u32 $0x7FFFFFFF, v24;
	v22 =	vsub.f32 v22, v39;
	v41 =	vand.u32 $0x7FFFFF, v31  }
0x183: {  	vm10 =	vlt.f32 v29, $1.000000000e+00;
	v27 =	vadd.f32 v27, v33;
	v39 =	vor.u32 $0x3F800000, v41  }
0x184: {  	v23 =	vsub.f32 v30, v23;
	v28 =	vand.u32 $0x7FFFFFFF, v28;
	v29 =	vmul.f32 $5.000000000e-01, v39  }
0x185: {  	v33 =	vmul.f32 v38, v25;
	v38 =	vmul.f32 $5.000000000e-01, v24;
	vm9 =	vgt.f32 v39, $1.414213540e+00  }
0x186: {  	v37 =	vmul.f32 v37, v26;
	v29 =	vsel vm9, v29, v39;
	v39 =	vadd.f32 $-5.000000000e-01, v25  }
0x187: {  	v42 =	vadd.f32 $-5.000000000e-01, v26;
	v34 =	vsel vm10, v34, v35;
	v41 =	vadd.f32 $1.000000000e+00, v29  }
0x188: {  	v43 =	vmul.f32 $5.000000000e-01, v28;
	v35 =	vmul.f32 v40, v32;
	v40 =	vadd.f32 $-5.000000000e-01, v32  }
0x189: {  	v22 =	vand.u32 $0x7FFFFFFF, v22;
	v27 =	vadd.f32 v34, v27;
	v30 =	vld [tilespmem:s9+$0xB800];
	(erf) = vrcp.f32 v41  }
0x18a: {  	vm11 =	vlt.f32 v26, $1.000000000e+00;
	vm12 =	vlt.f32 v32, $1.000000000e+00;
	vm10 =	vlt.f32 v25, $1.000000000e+00  }
0x18b: {  	v32 =	vand.u32 $0x7FFFFFFF, v23;
	v26 =	vadd.f32 $-5.000000000e-01, v24;
	v25 =	vmul.f32 v38, v24  }
0x18c: {  	s2 =	sshll.u32 s3, $0x6;
	v34 =	vsel vm11, v37, v42;
	v37 =	vmul.f32 $5.000000000e-01, v22;
	v33 =	vsel vm10, v33, v39  }
0x18d: {  	s2 =	sand.u32 $0xFFFFFE00, s2;
	v35 =	vsel vm12, v35, v40;
	v38 =	vmul.f32 v43, v28;
	v39 =	vadd.f32 $-5.000000000e-01, v28  }
0x18e: {  	s15 =	sor.u32 s10, s2;
	vm10 =	vlt.f32 v24, $1.000000000e+00;
	v24 =	vmul.f32 $5.000000000e-01, v32;
	v40 =	vadd.s32 $0x80, v30  }
0x18f: {  	v27 =	vadd.f32 v35, v27;
	v33 =	vadd.f32 v34, v33;
	v41 =	vadd.s32 $0x100, v30;
	v23 =	vld [tilespmem:s15+$0x80]  }
0x190: {  	v25 =	vsel vm10, v25, v26;
	vm10 =	vlt.f32 v28, $1.000000000e+00;
	v35 =	vadd.s32 $0x180, v30;
	v34 =	vld [tilespmem:s15+$0x100]  }
0x191: {  	v28 =	vadd.f32 $-1.000000000e+00, v29;
	v29 =	vmul.f32 v37, v22;
	v37 =	vadd.f32 $-5.000000000e-01, v22;
	v26 =	vld [tilespmem:s15+$0x180]  }
0x192: {  	v38 =	vsel vm10, v38, v39;
	v24 =	vmul.f32 v24, v32;
	v39 =	vadd.f32 $-5.000000000e-01, v32;
	v42 =	vld.idx.msk [tilespmem:v30+s17+$0x0], $0xffff;
	v43 =	vpop (erf)  }
0x193: {  	vm10 =	vlt.f32 v22, $1.000000000e+00;
	v40 =	vld.idx.msk [tilespmem:v40+s17+$0x0], $0xffff;
	v43 =	vmul.f32 v43, v28;
	v28 =	vadd.f32 v25, v33  }
0x194: {  	v22 =	vsel vm10, v29, v37;
	v27 =	vadd.f32 v38, v27;
	vm10 =	vlt.f32 v32, $1.000000000e+00;
	v33 =	vld.idx.msk [tilespmem:v41+s17+$0x0], $0xffff  }
0x195: {  	v32 =	vadd.s32 $0x200, v30;
	v29 =	vld.idx.msk [tilespmem:v35+s17+$0x0], $0xffff;
	v35 =	vmul.f32 v43, v43;
	(erf) = vrcp.f32 v34  }
0x196: {  	v24 =	vsel vm10, v24, v39;
	v34 =	vadd.s32 $0x280, v30;
	v25 =	vld [tilespmem:s15+$0x2100];
	(erf) = vrcp.f32 v26  }
0x197: {  	v27 =	vadd.f32 v24, v27;
	v28 =	vadd.f32 v22, v28;
	v26 =	vld [tilespmem:s15+$0x2180];
	v37 =	vmul.f32 $2.222222240e-01, v35  }
0x198: {  	v21 =	vmul.f32 v21, v20;
	v38 =	vsel vm8, $0x3F800000, v14;
	v24 =	vld [tilespmem:s15+$0x2200]  }
0x199: {  	s2 =	sshll.u32 s3, $0x7;
	s3 =	smov.u32 s21;
	v39 =	vadd.s32 $0x300, v30;
	v28 =	vmul.f32 v28, v20;
	v22 =	vld [tilespmem:s15+$0x2280];
	v37 =	vadd.f32 $2.857142980e-01, v37  }
0x19a: {  	s2 =	sand.u32 $0x3FFFFC00, s2;
	v41 =	vadd.f32 v33, v42;
	v42 =	vsub.f32 v33, v42;
	v44 =	vld.idx.msk [tilespmem:v32+s17+$0x0], $0xffff;
	v32 =	vadd.s32 $0x380, v30  }
0x19b: {  	s10 =	sor.u32 s10, s2;
	v45 =	vadd.f32 v29, v40;
	v40 =	vsub.f32 v29, v40;
	v46 =	vld.idx.msk [tilespmem:v34+s17+$0x0], $0xffff;
	v29 =	vmul.f32 v37, v35  }
0x19c: {  	v19 =	vadd.f32 v28, v19;
	v33 =	vmul.f32 $5.000000000e-01, v41;
	v41 =	vmul.f32 v27, v20;
	v20 =	vmovc v38;
	v47 =	vld [tilespmem:s10+$0x3700]  }
0x19d: {  	v37 =	vadd.s32 $0x400, v30;
	v34 =	vmul.f32 $5.000000000e-01, v45;
	v48 =	vld [tilespmem:s10+$0x3780];
	v38 =	vadd.f32 $4.000000060e-01, v29  }
0x19e: {  	v16 =	vadd.f32 v21, v16;
	v18 =	vadd.f32 v41, v18;
	v49 =	vld.idx.msk [tilespmem:v39+s17+$0x0], $0xffff;
	v39 =	vadd.s32 $0x480, v30;
	v28 =	vpop (erf)  }
0x19f: {  	v29 =	vsub.f32 v34, v23;
	v21 =	vmul.f32 v42, v28;
	v42 =	vld.idx.msk [tilespmem:v32+s17+$0x0], $0xffff;
	v32 =	vmul.f32 v38, v35;
	v27 =	vpop (erf)  }
0x1a0: {  	v36 =	vmax.f32 v36, $0.0e+00;
	v17 =	vadd.f32 v20, v17;
	v45 =	vmul.f32 v40, v27;
	v40 =	vld [tilespmem:s10+$0x3800]  }
0x1a1: {  	v38 =	vadd.s32 $0x500, v30;
	v34 =	vand.u32 $0x7FFFFF, v21;
	v50 =	vld [tilespmem:s10+$0x3880];
	v32 =	vadd.f32 $6.666666860e-01, v32  }
0x1a2: {  	v31 =	vshrl.u32 v31, $0x17;
	v41 =	vadd.s32 $0x580, v30;
	v34 =	vor.u32 $0x3F800000, v34;
	v51 =	vld.idx.msk [tilespmem:v37+s17+$0x0], $0xffff  }
0x1a3: {  	v31 =	vand.u32 $0xFF, v31;
	v37 =	vsel vm9, $0xFFFFFF82, v15;
	v52 =	vld.idx.msk [tilespmem:v39+s17+$0x0], $0xffff;
	v32 =	vmul.f32 v32, v35  }
0x1a4: {  	v53 =	vand.u32 $0x7FFFFF, v45;
	v35 =	vmul.f32 $5.000000000e-01, v34;
	v31 =	vadd.s32 v31, v37;
	v39 =	vld [tilespmem:s10+$0x3900]  }
0x1a5: {  	v54 =	vadd.s32 $0x600, v30;
	v31 =	vcvt.s32.f32 v31;
	v37 =	vld [tilespmem:s10+$0x3980];
	v32 =	vadd.f32 $2.000000000e+00, v32  }
0x1a6: {  	v30 =	vadd.s32 $0x680, v30;
	vm10 =	vgt.f32 v34, $1.414213540e+00;
	v53 =	vor.u32 $0x3F800000, v53;
	v55 =	vld.idx.msk [tilespmem:v38+s17+$0x0], $0xffff  }
0x1a7: {  	v35 =	vsel vm10, v35, v34;
	v31 =	vmul.f32 $6.931471820e-01, v31;
	v41 =	vld.idx.msk [tilespmem:v41+s17+$0x0], $0xffff;
	v38 =	vmul.f32 v32, v43  }
0x1a8: {  	vm9 =	vgt.f32 v53, $1.414213540e+00;
	v56 =	vmul.f32 $5.000000000e-01, v53;
	v43 =	vadd.f32 $1.000000000e+00, v35;
	v34 =	vld [tilespmem:s10+$0x3A00]  }
0x1a9: {  	s2 =	sadd.s32 s7, s31;
	v57 =	vshrl.u32 v21, $0x17;
	v58 =	vadd.f32 $-1.000000000e+00, v35;
	v32 =	vld [tilespmem:s10+$0x3A80];
	v21 =	vadd.f32 v38, v31  }
0x1aa: {  	p2 =	sgt.u32 s2, $0x419F;
	vm11 =	vmmov vm6;
	v31 =	vsel vm9, v56, v53;
	v38 =	vld.idx.msk [tilespmem:v54+s17+$0x0], $0xffff;
	(erf) = vrcp.f32 v43  }
0x1ab: {  	vm11 =	vmneg @p2 vm11;
	v43 =	vadd.f32 $1.000000000e+00, v31;
	v35 =	vld.idx.msk [tilespmem:v30+s17+$0x0], $0xffff;
	v21 =	vadd.f32 v21, v36  }
0x1ac: {  	vm8 =	vmor vm11, vm8;
	v46 =	vsub.f32 v46, v23;
	v56 =	vadd.f32 $-1.000000000e+00, v31;
	v31 =	vld [tilespmem:s10+$0x6300]  }
0x1ad: {  	v42 =	vsub.f32 v42, v23;
	v30 =	vld [tilespmem:s10+$0x6380];
	v53 =	vsel vm8, $0x0, v21;
	(erf) = vrcp.f32 v43  }
0x1ae: {  	v46 =	vmul.f32 v46, v27;
	v52 =	vsub.f32 v52, v23;
	v43 =	vsel vm10, $0xFFFFFF82, v15;
	v36 =	vld [tilespmem:s15+$0x0];
	[tilespmem:s9+$0xD900] =	vst v53  }
0x1af: {  	v42 =	vmul.f32 v42, v27;
	v54 =	vshrl.u32 v45, $0x17;
	v53 =	vand.u32 $0xFF, v57  }
0x1b0: {  	v46 =	vmul.f32 $1.000000000e+01, v46;
	v52 =	vmul.f32 v52, v27;
	v43 =	vadd.s32 v53, v43  }
0x1b1: {  	v42 =	vmul.f32 $1.000000000e+01, v42;
	v53 =	vsel vm9, $0xFFFFFF82, v15;
	v45 =	vcvt.s32.f32 v43  }
0x1b2: {  	v48 =	vsub.f32 v48, v46;
	v54 =	vand.u32 $0xFF, v54;
	v43 =	vmul.f32 $1.000000000e+01, v52  }
0x1b3: {  	v46 =	vadd.s32 v54, v53;
	v52 =	vsub.f32 v44, v36;
	v49 =	vsub.f32 v49, v36;
	v44 =	vpop (erf)  }
0x1b4: {  	v53 =	vand.u32 $0x7FFFFFFF, v48;
	v51 =	vsub.f32 v51, v36;
	v44 =	vmul.f32 v44, v58  }
.Ltmp5:
0x1b5: {  	v57 =	vmul.f32 v52, v28;
	v49 =	vmul.f32 v49, v28;
	v52 =	vsub.f32 v50, v42;
	(pc) =	sbr.rel @p1 .LBB2_13-.Ltmp5, $4  }
0x1b6: {  	v54 =	vmul.f32 v51, v28;
	v51 =	vsub.f32 v55, v36;
	v48 =	vmul.f32 v44, v44;
	v42 =	vpop (erf)  }
0x1b7: {  	v50 =	vadd.f32 $-5.000000000e-01, v53;
	v42 =	vmul.f32 v42, v56;
	v57 =	vmul.f32 $1.000000000e+01, v57  }
0x1b8: {  	vm8 =	vlt.f32 v53, $1.000000000e+00;
	v56 =	vmul.f32 $1.000000000e+01, v49;
	v55 =	vmul.f32 $2.222222240e-01, v48  }
0x1b9: {  	s21 =	sadd.s32 $0x1, s21;
	v49 =	vmul.f32 v42, v42;
	v47 =	vsub.f32 v47, v57;
	v57 =	vmul.f32 $5.000000000e-01, v53  }
0x1ba: {  	v55 =	vadd.f32 $2.857142980e-01, v55;
	v40 =	vsub.f32 v40, v56  }
0x1bb: {  	v54 =	vmul.f32 $1.000000000e+01, v54;
	v52 =	vand.u32 $0x7FFFFFFF, v52;
	v33 =	vsub.f32 v33, v36  }
0x1bc: {  	v51 =	vmul.f32 v51, v28;
	v41 =	vsub.f32 v41, v23;
	v45 =	vmul.f32 $6.931471820e-01, v45  }
0x1bd: {  	v46 =	vcvt.s32.f32 v46;
	v37 =	vsub.f32 v37, v43;
	v21 =	vmul.f32 v21, v20  }
0x1be: {  	v62 =	vmul.f32 $2.222222240e-01, v49;
	v47 =	vand.u32 $0x7FFFFFFF, v47;
	v53 =	vmul.f32 v57, v53  }
0x1bf: {  	v36 =	vsub.f32 v38, v36;
	v55 =	vmul.f32 v55, v48;
	v63 =	vmul.f32 $5.000000000e-01, v47  }
0x1c0: {  	s21 =	sadd.s32 $0x10, s7;
	v40 =	vand.u32 $0x7FFFFFFF, v40;
	v58 =	vadd.f32 $-5.000000000e-01, v47;
	vm9 =	vlt.f32 v47, $1.000000000e+00  }
0x1c1: {  	s2 =	sshll.u32 s3, $0x5;
	s10 =	sand.u32 $0x70, s21;
	v39 =	vsub.f32 v39, v54;
	v33 =	vmul.f32 v33, v28;
	v56 =	vadd.f32 $2.857142980e-01, v62  }
0x1c2: {  	s2 =	sand.u32 $0x3FFFFF00, s2;
	v46 =	vmul.f32 $6.931471820e-01, v46;
	v59 =	vmul.f32 $5.000000000e-01, v40;
	v55 =	vadd.f32 $4.000000060e-01, v55  }
0x1c3: {  	s2 =	sor.u32 s10, s2;
	v37 =	vand.u32 $0x7FFFFFFF, v37;
	v47 =	vmul.f32 v63, v47;
	v56 =	vmul.f32 v56, v49  }
0x1c4: {  	v57 =	vld [tilespmem:s2+$0x1680];
	v50 =	vsel vm8, v53, v50;
	v43 =	vadd.f32 $-5.000000000e-01, v37;
	v60 =	vmul.f32 v55, v48  }
0x1c5: {  	v33 =	vmul.f32 $1.000000000e+01, v33;
	v47 =	vsel vm9, v47, v58;
	v58 =	vld [tilespmem:s2+$0x1600];
	v61 =	vadd.f32 $4.000000060e-01, v56  }
0x1c6: {  	s7 =	sadd.s32 s21, s19;
	v39 =	vand.u32 $0x7FFFFFFF, v39;
	v55 =	vmul.f32 $5.000000000e-01, v52;
	v54 =	vadd.f32 $6.666666860e-01, v60  }
0x1c7: {  	s7 =	sand.u32 $0x7F80, s7;
	vm9 =	vlt.f32 v40, $1.000000000e+00;
	v25 =	vsub.f32 v25, v33;
	v62 =	vmul.f32 v61, v49  }
0x1c8: {  	s7 =	sor.u32 s10, s7;
	v56 =	vmul.f32 v59, v40;
	v59 =	vadd.f32 $-5.000000000e-01, v40;
	v63 =	vmul.f32 v54, v48  }
0x1c9: {  	v47 =	vadd.f32 v50, v47;
	v25 =	vand.u32 $0x7FFFFFFF, v25;
	v54 =	vld [tilespmem:s7+$0x9700];
	v60 =	vadd.f32 $6.666666860e-01, v62  }
0x1ca: {  	v48 =	vmul.f32 v29, v27;
	v53 =	vsub.f32 v57, v58;
	v61 =	vadd.f32 $2.000000000e+00, v63  }
0x1cb: {  	v63 =	vsub.f32 v58, v57;
	v57 =	vmul.f32 v41, v27;
	v62 =	vmul.f32 v60, v49  }
0x1cc: {  	v60 =	vsel vm9, v56, v59;
	v56 =	vmul.f32 v36, v28;
	v40 =	vmul.f32 v61, v44  }
0x1cd: {  	vm9 =	vlt.f32 v52, $1.000000000e+00;
	v44 =	vmul.f32 $1.000000000e+01, v51;
	v61 =	vmul.f32 v55, v52  }
0x1ce: {  	v55 =	vmul.f32 $1.000000000e+01, v48;
	v38 =	vmul.f32 $1.000000000e+01, v57;
	vm8 =	vge.f32 v54, $3.499999940e-01  }
0x1cf: {  	v58 =	vadd.f32 $2.000000000e+00, v62;
	v62 =	vadd.f32 $-5.000000000e-01, v52;
	v28 =	vmul.f32 $1.000000000e+01, v56  }
0x1d0: {  	v29 =	vsel vm8, v63, v53;
	v40 =	vadd.f32 v40, v45;
	v53 =	vadd.f32 v60, v47  }
0x1d1: {  	v63 =	vmul.f32 $5.000000000e-01, v39;
	v34 =	vsub.f32 v34, v44;
	v60 =	vadd.f32 $-5.000000000e-01, v39  }
0x1d2: {  	v26 =	vsub.f32 v26, v55;
	v32 =	vsub.f32 v32, v38;
	v49 =	vand.u32 $0x7FFFFFFF, v29  }
0x1d3: {  	v47 =	vmul.f32 $5.000000000e-01, v25;
	v41 =	vmul.f32 v58, v42;
	v49 =	vsub.f32 $0.0e+00, v49  }
0x1d4: {  	v57 =	vsel vm9, v61, v62;
	v58 =	vsub.f32 v35, v23;
	v61 =	vmul.f32 $5.000000000e-01, v37  }
0x1d5: {  	vm9 =	vlt.f32 v39, $1.000000000e+00;
	v28 =	vsub.f32 v31, v28;
	v54 =	vmul.f32 $1.442695020e+00, v49  }
0x1d6: {  	v59 =	vmul.f32 v63, v39;
	v36 =	vadd.f32 v57, v53;
	v40 =	vmul.f32 $5.000000000e+00, v40  }
0x1d7: {  	v62 =	vand.u32 $0x7FFFFFFF, v34;
	v26 =	vand.u32 $0x7FFFFFFF, v26;
	(erf) = vpow2.f32 v54  }
0x1d8: {  	v32 =	vand.u32 $0x7FFFFFFF, v32;
	v57 =	vadd.f32 $-5.000000000e-01, v25;
	v42 =	vmul.f32 v61, v37  }
0x1d9: {  	v41 =	vadd.f32 v41, v46;
	v23 =	vmul.f32 v58, v27;
	v44 =	vmul.f32 $5.000000000e-01, v62  }
0x1da: {  	v48 =	vmul.f32 $5.000000000e-01, v26;
	v51 =	vadd.f32 $-5.000000000e-01, v62;
	v52 =	vmul.f32 $5.000000000e-01, v32  }
0x1db: {  	vm10 =	vlt.f32 v62, $1.000000000e+00;
	v28 =	vand.u32 $0x7FFFFFFF, v28;
	v58 =	vadd.f32 $-5.000000000e-01, v26  }
0x1dc: {  	vm11 =	vlt.f32 v26, $1.000000000e+00;
	vm12 =	vlt.f32 v32, $1.000000000e+00;
	v63 =	vsel vm9, v59, v60  }
0x1dd: {  	v24 =	vsub.f32 v24, v40;
	vm9 =	vlt.f32 v37, $1.000000000e+00;
	v60 =	vadd.f32 $-5.000000000e-01, v32  }
0x1de: {  	v61 =	vmul.f32 $5.000000000e-01, v28;
	v45 =	vmul.f32 $5.000000000e+00, v41;
	v34 =	vadd.f32 v63, v36  }
0x1df: {  	v23 =	vmul.f32 $1.000000000e+01, v23;
	v27 =	vsel vm9, v42, v43;
	v49 =	vmul.f32 v44, v62  }
0x1e0: {  	v31 =	vmul.f32 v48, v26;
	v59 =	vmul.f32 v52, v32;
	v48 =	vadd.f32 $-5.000000000e-01, v28;
	v46 =	vpop (erf)  }
0x1e1: {  	v42 =	vld [tilespmem:s7+$0xB800];
	v24 =	vand.u32 $0x7FFFFFFF, v24;
	v54 =	vmul.f32 v47, v25;
	v36 =	vadd.f32 $1.000000000e+00, v46  }
0x1e2: {  	v47 =	vmul.f32 v61, v28;
	v22 =	vsub.f32 v22, v45;
	v27 =	vadd.f32 v27, v34  }
0x1e3: {  	v23 =	vsub.f32 v30, v23;
	v55 =	vmul.f32 $5.000000000e-01, v24;
	v50 =	vand.u32 $0x7FFFFF, v36  }
0x1e4: {  	v35 =	vsel vm10, v49, v51;
	vm10 =	vlt.f32 v25, $1.000000000e+00;
	v38 =	vor.u32 $0x3F800000, v50  }
0x1e5: {  	v63 =	vadd.f32 $-5.000000000e-01, v24;
	v31 =	vsel vm11, v31, v58;
	v53 =	vmul.f32 $5.000000000e-01, v38  }
0x1e6: {  	v44 =	vsel vm10, v54, v57;
	v52 =	vadd.s32 $0x100, v42;
	vm9 =	vgt.f32 v38, $1.414213540e+00  }
0x1e7: {  	vm10 =	vlt.f32 v24, $1.000000000e+00;
	v22 =	vand.u32 $0x7FFFFFFF, v22;
	v30 =	vsel vm9, v53, v38  }
0x1e8: {  	v27 =	vadd.f32 v35, v27;
	v62 =	vmul.f32 v55, v24;
	v56 =	vadd.f32 $1.000000000e+00, v30  }
0x1e9: {  	v23 =	vand.u32 $0x7FFFFFFF, v23;
	v31 =	vadd.f32 v31, v44;
	v45 =	vmul.f32 $5.000000000e-01, v22  }
0x1ea: {  	s9 =	sshll.u32 s3, $0x6;
	v49 =	vadd.s32 $0x80, v42;
	v51 =	vmul.f32 $5.000000000e-01, v23;
	v58 =	vld.idx.msk [tilespmem:v42+s17+$0x0], $0xffff;
	(erf) = vrcp.f32 v56  }
0x1eb: {  	s2 =	sand.u32 $0xFFFFFE00, s9;
	v57 =	vadd.f32 $-5.000000000e-01, v22;
	v33 =	vadd.s32 $0x280, v42;
	v25 =	vsel vm10, v62, v63;
	v62 =	vld.idx.msk [tilespmem:v52+s17+$0x0], $0xffff  }
0x1ec: {  	s9 =	sor.u32 s10, s2;
	v41 =	vadd.s32 $0x580, v42;
	vm10 =	vlt.f32 v28, $1.000000000e+00;
	v55 =	vmul.f32 v45, v22  }
0x1ed: {  	v35 =	vsel vm10, v47, v48;
	v61 =	vadd.f32 v25, v31;
	vm10 =	vlt.f32 v22, $1.000000000e+00;
	v50 =	vld [tilespmem:s9+$0x100]  }
0x1ee: {  	v22 =	vsel vm10, v55, v57;
	vm10 =	vlt.f32 v23, $1.000000000e+00;
	v46 =	vsel vm12, v59, v60  }
0x1ef: {  	v54 =	vld [tilespmem:s9+$0x180];
	v59 =	vmul.f32 v51, v23;
	v27 =	vadd.f32 v46, v27;
	v53 =	vadd.s32 $0x180, v42  }
0x1f0: {  	v51 =	vadd.f32 v62, v58;
	v25 =	vsub.f32 v62, v58;
	v58 =	vadd.s32 $0x480, v42  }
0x1f1: {  	v22 =	vadd.f32 v22, v61;
	v52 =	vadd.s32 $0x380, v42;
	v33 =	vld.idx.msk [tilespmem:v33+s17+$0x0], $0xffff;
	v60 =	vadd.f32 $-5.000000000e-01, v23  }
0x1f2: {  	v44 =	vadd.f32 v35, v27;
	v38 =	vld.idx.msk [tilespmem:v49+s17+$0x0], $0xffff;
	v30 =	vadd.f32 $-1.000000000e+00, v30;
	(erf) = vrcp.f32 v50  }
0x1f3: {  	v47 =	vsel vm10, v59, v60;
	v36 =	vshrl.u32 v36, $0x17;
	v50 =	vmul.f32 v22, v20;
	v22 =	vld [tilespmem:s9+$0x80];
	v56 =	vpop (erf)  }
0x1f4: {  	v48 =	vadd.f32 v47, v44;
	v45 =	vld.idx.msk [tilespmem:v53+s17+$0x0], $0xffff;
	(erf) = vrcp.f32 v54;
	v28 =	vmul.f32 v56, v30  }
0x1f5: {  	v32 =	vadd.s32 $0x300, v42;
	v36 =	vand.u32 $0xFF, v36;
	v62 =	vsel vm9, $0xFFFFFF82, v15;
	v39 =	vld.idx.msk [tilespmem:v58+s17+$0x0], $0xffff  }
0x1f6: {  	v41 =	vld.idx.msk [tilespmem:v41+s17+$0x0], $0xffff;
	v36 =	vadd.s32 v36, v62;
	v20 =	vmul.f32 v48, v20;
	v63 =	vmul.f32 v28, v28  }
0x1f7: {  	v61 =	vadd.s32 $0x500, v42;
	v27 =	vadd.s32 $0x200, v42;
	v36 =	vcvt.s32.f32 v36  }
0x1f8: {  	v19 =	vadd.f32 v50, v19;
	v18 =	vadd.f32 v20, v18;
	v30 =	vld.idx.msk [tilespmem:v52+s17+$0x0], $0xffff;
	v46 =	vmul.f32 $2.222222240e-01, v63  }
0x1f9: {  	v35 =	vmul.f32 $5.000000000e-01, v51;
	v33 =	vsub.f32 v33, v22;
	v53 =	vadd.f32 v45, v38  }
0x1fa: {  	v36 =	vmul.f32 $6.931471820e-01, v36;
	v39 =	vsub.f32 v39, v22;
	v49 =	vadd.f32 $2.857142980e-01, v46  }
0x1fb: {  	v41 =	vsub.f32 v41, v22;
	v38 =	vsub.f32 v45, v38;
	v55 =	vmul.f32 $5.000000000e-01, v53;
	v24 =	vpop (erf)  }
0x1fc: {  	v45 =	vadd.s32 $0x600, v42;
	v57 =	vmul.f32 v25, v24;
	v26 =	vmul.f32 v49, v63  }
0x1fd: {  	v56 =	vadd.s32 $0x400, v42;
	v25 =	vsub.f32 v55, v22;
	v30 =	vsub.f32 v30, v22;
	v23 =	vpop (erf)  }
0x1fe: {  	v60 =	vand.u32 $0x7FFFFF, v57;
	v59 =	vmul.f32 v38, v23;
	v54 =	vadd.f32 $4.000000060e-01, v26  }
0x1ff: {  	v37 =	vshrl.u32 v57, $0x17;
	v33 =	vmul.f32 v33, v23;
	v30 =	vmul.f32 v30, v23  }
0x200: {  	s15 =	sshll.u32 s3, $0x7;
	v37 =	vand.u32 $0xFF, v37;
	v39 =	vmul.f32 v39, v23;
	v20 =	vmul.f32 v54, v63  }
0x201: {  	s2 =	sand.u32 $0x3FFFFC00, s15;
	v38 =	vor.u32 $0x3F800000, v60;
	v25 =	vmul.f32 v25, v23;
	v41 =	vmul.f32 v41, v23  }
0x202: {  	vm9 =	vgt.f32 v38, $1.414213540e+00;
	v33 =	vmul.f32 $1.000000000e+01, v33;
	v20 =	vadd.f32 $6.666666860e-01, v20  }
0x203: {  	s22 =	sor.u32 s10, s2;
	v48 =	vand.u32 $0x7FFFFF, v59;
	v30 =	vmul.f32 $1.000000000e+01, v30;
	v39 =	vmul.f32 $1.000000000e+01, v39  }
0x204: {  	v52 =	vld [tilespmem:s22+$0x3780];
	v53 =	vsel vm9, $0xFFFFFF82, v15;
	v20 =	vmul.f32 v20, v63;
	v63 =	vmul.f32 $5.000000000e-01, v38  }
0x205: {  	v26 =	vshrl.u32 v59, $0x17;
	v25 =	vmul.f32 $1.000000000e+01, v25;
	v41 =	vmul.f32 $1.000000000e+01, v41  }
0x206: {  	v49 =	vor.u32 $0x3F800000, v48;
	v31 =	vsel vm9, v63, v38;
	v20 =	vadd.f32 $2.000000000e+00, v20  }
0x207: {  	v32 =	vld.idx.msk [tilespmem:v32+s17+$0x0], $0xffff;
	v37 =	vadd.s32 v37, v53;
	v44 =	vmul.f32 $5.000000000e-01, v49;
	v38 =	vadd.f32 $1.000000000e+00, v31  }
0x208: {  	v27 =	vld.idx.msk [tilespmem:v27+s17+$0x0], $0xffff;
	v26 =	vand.u32 $0xFF, v26;
	vm10 =	vgt.f32 v49, $1.414213540e+00;
	v20 =	vmul.f32 v20, v28  }
0x209: {  	v54 =	vld [tilespmem:s22+$0x3880];
	v33 =	vsub.f32 v52, v33;
	v50 =	vsel vm10, v44, v49;
	(erf) = vrcp.f32 v38  }
0x20a: {  	v37 =	vcvt.s32.f32 v37;
	v51 =	vadd.f32 $1.000000000e+00, v50;
	v20 =	vadd.f32 v20, v36;
	v36 =	vld [tilespmem:s9+$0x0]  }
0x20b: {  	v34 =	vld.idx.msk [tilespmem:v56+s17+$0x0], $0xffff;
	v55 =	vsel vm10, $0xFFFFFF82, v15;
	v33 =	vand.u32 $0x7FFFFFFF, v33;
	v38 =	vadd.s32 $0x680, v42  }
0x20c: {  	v40 =	vld.idx.msk [tilespmem:v61+s17+$0x0], $0xffff;
	v26 =	vadd.s32 v26, v55;
	v62 =	vmul.f32 $5.000000000e-01, v33;
	(erf) = vrcp.f32 v51  }
0x20d: {  	v37 =	vmul.f32 $6.931471820e-01, v37;
	v60 =	vadd.f32 $-5.000000000e-01, v33;
	v26 =	vcvt.s32.f32 v26  }
0x20e: {  	v58 =	vld [tilespmem:s22+$0x3800];
	v30 =	vsub.f32 v54, v30;
	vm9 =	vlt.f32 v33, $1.000000000e+00;
	v33 =	vmul.f32 v62, v33  }
0x20f: {  	v45 =	vld.idx.msk [tilespmem:v45+s17+$0x0], $0xffff;
	v26 =	vmul.f32 $6.931471820e-01, v26;
	v31 =	vadd.f32 $-1.000000000e+00, v31;
	v27 =	vsub.f32 v27, v36  }
0x210: {  	v30 =	vand.u32 $0x7FFFFFFF, v30;
	v38 =	vld.idx.msk [tilespmem:v38+s17+$0x0], $0xffff;
	v32 =	vsub.f32 v32, v36;
	v34 =	vsub.f32 v34, v36  }
0x211: {  	v57 =	vld [tilespmem:s22+$0x3700];
	v28 =	vadd.f32 $-1.000000000e+00, v50;
	v40 =	vsub.f32 v40, v36;
	v27 =	vmul.f32 v27, v24  }
0x212: {  	v63 =	vld [tilespmem:s22+$0x3900];
	v33 =	vsel vm9, v33, v60;
	v32 =	vmul.f32 v32, v24;
	v34 =	vmul.f32 v34, v24;
	v56 =	vpop (erf)  }
0x213: {  	v52 =	vld [tilespmem:s22+$0x3A00];
	v35 =	vsub.f32 v35, v36;
	v40 =	vmul.f32 v40, v24;
	v31 =	vmul.f32 v56, v31  }
0x214: {  	v36 =	vsub.f32 v45, v36;
	v27 =	vmul.f32 $1.000000000e+01, v27;
	v32 =	vmul.f32 $1.000000000e+01, v32  }
0x215: {  	v59 =	vpop (erf);
	v34 =	vmul.f32 $1.000000000e+01, v34;
	v51 =	vmul.f32 $1.000000000e+01, v40;
	v22 =	vsub.f32 v38, v22  }
0x216: {  	v28 =	vmul.f32 v59, v28;
	v44 =	vmul.f32 v31, v31;
	v27 =	vsub.f32 v57, v27  }
0x217: {  	v32 =	vsub.f32 v58, v32;
	v34 =	vsub.f32 v63, v34;
	v63 =	vmul.f32 v35, v24  }
0x218: {  	v35 =	vsub.f32 v52, v51;
	v24 =	vmul.f32 v36, v24;
	v22 =	vmul.f32 v22, v23  }
0x219: {  	v49 =	vld [tilespmem:s22+$0x6300];
	v48 =	vmul.f32 v28, v28;
	v61 =	vmul.f32 $2.222222240e-01, v44;
	v27 =	vand.u32 $0x7FFFFFFF, v27  }
0x21a: {  	v58 =	vld [tilespmem:s22+$0x3980];
	v32 =	vand.u32 $0x7FFFFFFF, v32;
	v24 =	vmul.f32 $1.000000000e+01, v24;
	v22 =	vmul.f32 $1.000000000e+01, v22  }
0x21b: {  	v34 =	vand.u32 $0x7FFFFFFF, v34;
	v53 =	vmul.f32 $2.222222240e-01, v48;
	v55 =	vmul.f32 $5.000000000e-01, v27  }
0x21c: {  	v56 =	vadd.f32 $-5.000000000e-01, v27;
	v57 =	vmul.f32 $5.000000000e-01, v32;
	vm10 =	vlt.f32 v27, $1.000000000e+00  }
0x21d: {  	v60 =	vadd.f32 $-5.000000000e-01, v32;
	vm9 =	vlt.f32 v32, $1.000000000e+00;
	v47 =	vadd.f32 $2.857142980e-01, v61  }
0x21e: {  	v61 =	vmul.f32 $5.000000000e-01, v30;
	v24 =	vsub.f32 v49, v24;
	v42 =	vadd.f32 $2.857142980e-01, v53  }
0x21f: {  	v27 =	vmul.f32 v55, v27;
	v59 =	vmul.f32 v57, v32;
	v39 =	vsub.f32 v58, v39  }
0x220: {  	v55 =	vadd.f32 $-5.000000000e-01, v30;
	v57 =	vmul.f32 $5.000000000e-01, v34;
	v32 =	vmul.f32 $1.000000000e+01, v63  }
0x221: {  	v58 =	vld [tilespmem:s9+$0x2180];
	v63 =	vadd.f32 $-5.000000000e-01, v34;
	v54 =	vmul.f32 v47, v44;
	v24 =	vand.u32 $0x7FFFFFFF, v24  }
0x222: {  	v42 =	vmul.f32 v42, v48;
	v27 =	vsel vm10, v27, v56;
	v53 =	vsel vm9, v59, v60  }
0x223: {  	vm9 =	vlt.f32 v30, $1.000000000e+00;
	v39 =	vand.u32 $0x7FFFFFFF, v39;
	v43 =	vadd.f32 $4.000000060e-01, v54  }
0x224: {  	v59 =	vld [tilespmem:s22+$0x3A80];
	v27 =	vadd.f32 v33, v27;
	v54 =	vmul.f32 v61, v30;
	v45 =	vmul.f32 $5.000000000e-01, v39  }
0x225: {  	v56 =	vld [tilespmem:s9+$0x2100];
	v52 =	vadd.f32 $-5.000000000e-01, v39;
	v42 =	vadd.f32 $4.000000060e-01, v42;
	v43 =	vmul.f32 v43, v44  }
0x226: {  	v27 =	vadd.f32 v53, v27;
	v60 =	vsel vm9, v54, v55;
	v25 =	vsub.f32 v58, v25  }
0x227: {  	vm9 =	vlt.f32 v34, $1.000000000e+00;
	v50 =	vmul.f32 v45, v39;
	v42 =	vmul.f32 v42, v48  }
0x228: {  	v55 =	vld [tilespmem:s22+$0x6380];
	v45 =	vmul.f32 $5.000000000e-01, v24;
	v43 =	vadd.f32 $6.666666860e-01, v43;
	v27 =	vadd.f32 v60, v27  }
0x229: {  	v30 =	vsub.f32 v59, v41;
	v25 =	vand.u32 $0x7FFFFFFF, v25;
	v62 =	vadd.f32 $6.666666860e-01, v42  }
0x22a: {  	v47 =	vsub.f32 v56, v32;
	v42 =	vadd.f32 $-5.000000000e-01, v25;
	vm10 =	vlt.f32 v25, $1.000000000e+00  }
0x22b: {  	v43 =	vmul.f32 v43, v44;
	v30 =	vand.u32 $0x7FFFFFFF, v30;
	v33 =	vmul.f32 v62, v48  }
0x22c: {  	v62 =	vmul.f32 v57, v34;
	v48 =	vand.u32 $0x7FFFFFFF, v35;
	v57 =	vmul.f32 $5.000000000e-01, v25  }
0x22d: {  	v60 =	vmul.f32 $5.000000000e-01, v30;
	v22 =	vsub.f32 v55, v22;
	vm11 =	vlt.f32 v30, $1.000000000e+00  }
0x22e: {  	v44 =	vadd.f32 $2.000000000e+00, v43;
	v54 =	vmul.f32 $5.000000000e-01, v48;
	v59 =	vadd.f32 $-5.000000000e-01, v48  }
0x22f: {  	v33 =	vadd.f32 $2.000000000e+00, v33;
	v34 =	vsel vm9, v62, v63;
	vm9 =	vlt.f32 v39, $1.000000000e+00  }
0x230: {  	v43 =	vmul.f32 v60, v30;
	v22 =	vand.u32 $0x7FFFFFFF, v22;
	v31 =	vmul.f32 v44, v31  }
0x231: {  	v27 =	vadd.f32 v34, v27;
	v58 =	vmul.f32 v54, v48;
	v28 =	vmul.f32 v33, v28  }
0x232: {  	v61 =	vld [tilespmem:s9+$0x2200];
	v44 =	vadd.f32 $-5.000000000e-01, v30;
	v33 =	vmul.f32 v57, v25;
	v57 =	vadd.f32 $-5.000000000e-01, v22  }
0x233: {  	v53 =	vld [tilespmem:s9+$0x2280];
	v31 =	vadd.f32 v31, v37;
	v26 =	vadd.f32 v28, v26;
	v28 =	vsel vm9, v50, v52  }
0x234: {  	vm9 =	vlt.f32 v48, $1.000000000e+00;
	v48 =	vsel vm10, v33, v42;
	v50 =	vsel vm11, v43, v44  }
0x235: {  	v52 =	vadd.f32 $-5.000000000e-01, v24;
	v46 =	vmul.f32 $5.000000000e+00, v31;
	v31 =	vand.u32 $0x7FFFFFFF, v47  }
0x236: {  	v27 =	vadd.f32 v28, v27;
	v35 =	vsel vm9, v58, v59;
	v26 =	vmul.f32 $5.000000000e+00, v26  }
0x237: {  	v56 =	vmul.f32 $5.000000000e-01, v31;
	v63 =	vadd.f32 $-5.000000000e-01, v31;
	v51 =	vsub.f32 v61, v46  }
0x238: {  	v59 =	vmax.f32 v29, $0.0e+00;
	v27 =	vadd.f32 v35, v27;
	v26 =	vsub.f32 v53, v26  }
0x239: {  	v61 =	vmul.f32 v56, v31;
	v53 =	vmul.f32 $5.000000000e-01, v22;
	v23 =	vand.u32 $0x7FFFFFFF, v51  }
0x23a: {  	vm9 =	vlt.f32 v31, $1.000000000e+00;
	v51 =	vmul.f32 v45, v24;
	v62 =	vmul.f32 $5.000000000e-01, v23  }
0x23b: {  	v27 =	vadd.f32 v50, v27;
	v26 =	vand.u32 $0x7FFFFFFF, v26;
	v47 =	vadd.f32 $-5.000000000e-01, v23  }
0x23c: {  	v28 =	vsel vm9, v61, v63;
	v49 =	vmul.f32 $5.000000000e-01, v26;
	v46 =	vmul.f32 v62, v23  }
0x23d: {  	vm9 =	vlt.f32 v23, $1.000000000e+00;
	v28 =	vadd.f32 v48, v28;
	v55 =	vadd.f32 $-5.000000000e-01, v26  }
0x23e: {  	v54 =	vmul.f32 v49, v26;
	v25 =	vsel vm9, v46, v47;
	vm9 =	vlt.f32 v24, $1.000000000e+00  }
0x23f: {  	v23 =	vmul.f32 v53, v22;
	v56 =	vsel vm9, v51, v52;
	vm9 =	vlt.f32 v26, $1.000000000e+00  }
0x240: {  	s31 =	sadd.s32 s21, s31;
	v25 =	vadd.f32 v25, v28;
	v24 =	vsel vm9, v54, v55;
	vm9 =	vlt.f32 v22, $1.000000000e+00  }
0x241: {  	s20 =	sadd.s32 $0x1, s20;
	p1 =	sgt.u32 s31, $0x419F;
	v58 =	vadd.f32 v56, v27;
	v23 =	vsel vm9, v23, v57;
	vm9 =	vmmov vm6  }
0x242: {  	v20 =	vadd.f32 v20, v59;
	vm9 =	vmneg @p1 vm9;
	p1 =	sne.s32 s20, $0x6  }
.Ltmp6:
0x243: {  	v60 =	vsel vm8, $0x3F800000, v14;
	v24 =	vadd.f32 v24, v25;
	v61 =	vadd.f32 v23, v58;
	(pc) =	sbr.rel @p1 .LBB2_12-.Ltmp6, $4  }
0x244: {  	v16 =	vadd.f32 v21, v16;
	v63 =	vmul.f32 v20, v60  }
0x245: {  	v62 =	vmul.f32 v24, v60;
	vm8 =	vmor vm9, vm8;
	v22 =	vmul.f32 v61, v60  }
0x246: {  	v17 =	vadd.f32 v60, v17;
	v16 =	vadd.f32 v63, v16;
	v20 =	vsel vm8, $0x0, v20  }
0x247: {  	s19 =	sadd.s32 $0x580, s19;
	v19 =	vadd.f32 v62, v19;
	[tilespmem:s7+$0xD900] =	vst v20;
	v18 =	vadd.f32 v22, v18  }
0x248: {  	v20 =	vperm.xlane v17, v8;
	_ =	sdelay $0x1  }
0x249: {  	v17 =	vadd.f32 v20, v17;
	_ =	sdelay $0x1  }
0x24a: {  	v20 =	vperm.xlane v17, v9;
	_ =	sdelay $0x1  }
0x24b: {  	v17 =	vadd.f32 v20, v17;
	_ =	sdelay $0x1  }
0x24c: {  	v20 =	vperm.xlane v17, v10;
	_ =	sdelay $0x1  }
0x24d: {  	v17 =	vadd.f32 v20, v17;
	_ =	sdelay $0x1  }
0x24e: {  	v20 =	vperm.xlane v17, v11;
	_ =	sdelay $0x1  }
0x24f: {  	v17 =	vadd.f32 v20, v17;
	_ =	sdelay $0x1  }
0x250: {  	(v2sf) =	vpush v17, $0x0;
	_ =	sdelay $0xc  }
0x251: {  	v20 =	vbroadcast v17, $0x0;
	_ =	sdelay $0x1  }
0x252: {  	[tilespmem:$0x11C00] =	vst v20;
	s0 =	spop (v2sf)  }
0x253: {  	[bflag:$0x0] =	sbarrier.arrive $0xFFFF  }
0x254: {  	[spmem:s13] =	stream.linear.scatter [tilespmem:s29], [sflag:$0x1], $0x80, $0x38;
	[tilespmem:$0x11D50] =	vst v63  }
0x255: {  	_ =	swait.ge [sflag:s18], $0x80  }
0x256: {  	[sflag:s18] =	ssyncset.done $0x0  }
0x257: {  	[sflag:s18] =	ssyncadd.s32 $0xFFFFFF80  }
0x258: {  	[bflag:$0x0] =	sbarrier.arrive $0xFFFF  }
0x259: {  	[bflag:$0x0] =	sbarrier.arrive $0xFFFF  }
0x25a: {  	[tilespmem:s30], [sflag:$0x1] =	stream.linear.gather [spmem:s14], $0x80, $0x38;
	[tilespmem:$0x11D50] =	vst v63  }
0x25b: {  	_ =	swait.ge [sflag:s18], $0x80  }
0x25c: {  	[sflag:s18] =	ssyncset.done $0x0  }
0x25d: {  	[sflag:s18] =	ssyncadd.s32 $0xFFFFFF80  }
0x25e: {  	[bflag:$0x0] =	sbarrier.arrive $0xFFFF  }
0x25f: {  	v20 =	vld [tilespmem:$0x11C80];
	_ =	sdelay $0x4  }
0x260: {  	(v2sf) =	vpush v20, $0x0;
	_ =	sdelay $0x9  }
0x261: {  	v20 =	vperm.xlane v19, v8  }
0x262: {  	v22 =	vperm.xlane v16, v8;
	v21 =	vperm.xlane v18, v8  }
0x263: {  	v19 =	vadd.f32 v20, v19  }
0x264: {  	v16 =	vadd.f32 v22, v16;
	v18 =	vadd.f32 v21, v18  }
0x265: {  	v20 =	vperm.xlane v19, v9  }
0x266: {  	v22 =	vperm.xlane v16, v9;
	v21 =	vperm.xlane v18, v9;
	s2 =	spop (v2sf)  }
0x267: {  	v19 =	vadd.f32 v20, v19;
	s0 =	sadd.f32 s2, s0  }
0x268: {  	v20 =	vadd.f32 v21, v18;
	v21 =	vadd.f32 v22, v16  }
0x269: {  	v16 =	vperm.xlane v19, v10;
	s0 =	scvt.f32.s32 s0  }
0x26a: {  	v22 =	vperm.xlane v20, v10;
	v23 =	vperm.xlane v21, v10  }
0x26b: {  	v18 =	vadd.f32 v16, v19;
	s0 =	smul.u32 $0x7, s0  }
0x26c: {  	v16 =	vadd.f32 v22, v20;
	v19 =	vadd.f32 v23, v21  }
0x26d: {  	s7 =	simm.s32 $0x0;
	v21 =	vperm.xlane v18, v11;
	p1 =	slt.s32 s0, $0x419F  }
0x26e: {  	s3 =	simm.s32 $0x0;
	v20 =	vperm.xlane v16, v11;
	v22 =	vperm.xlane v19, v11;
	s2 =	simm.s32 $0x7F800000;
	s0 =	simm.s32 @!p1 $0x419F  }
.LBB2_16:
0x26f: {  	s9 =	ssub.s32 s2, s7  }
0x270: {  	s9 =	sadd.s32 $0x1, s9  }
0x271: {  	s9 =	sshra.s32 s9, $0x1  }
0x272: {  	s15 =	simm.s32 $0x0;
	s9 =	sadd.s32 s7, s9  }
0x273: {  	v23 =	vimm.s32 $0x0;
	s10 =	simm.s32 $0x40;
	v25 =	vld [tilespmem:s15+$0xD900];
	v24 =	vmov s9  }
.LBB2_17:
0x274: {  	_ =	sdelay $0x1  }
0x275: {  	p1 =	sne.s32 s10, $0x83C0  }
.Ltmp7:
0x276: {  	_ = 	snop;
	(pc) =	sbr.rel @p1 .LBB2_17-.Ltmp7, $4  }
0x277: {  	vm8 =	vge.s32 v25, v24  }
0x278: {  	v26 =	vmpcnt.ones.xlane vm8  }
0x279: {  	s15 =	sshra.s32 s10, $0x2  }
0x27a: {  	s10 =	sadd.s32 $0x40, s10;
	v25 =	vld [tilespmem:s15+$0xD900];
	v23 =	vadd.s32 v23, v26  }
0x27b: {  	_ =	sdelay $0x3  }
0x27c: {  	vm8 =	vge.s32 v25, v24  }
0x27d: {  	v24 =	vmpcnt.ones.xlane vm8;
	_ =	sdelay $0x1  }
0x27e: {  	v23 =	vadd.s32 v23, v24  }
0x27f: {  	(v2sf) =	vpush v23, $0x0;
	_ =	sdelay $0xe  }
0x280: {  	s10 =	spop (v2sf)  }
0x281: {  	s15 =	scvt.s32.f32 s10;
	_ =	sdelay $0x1  }
0x282: {  	v23 =	vmov s15  }
0x283: {  	[tilespmem:$0x11C00] =	vst v23  }
0x284: {  	[bflag:$0x0] =	sbarrier.arrive $0xFFFF  }
0x285: {  	[spmem:s13] =	stream.linear.scatter [tilespmem:s29], [sflag:$0x1], $0x80, $0x38;
	[tilespmem:$0x11D50] =	vst v63  }
0x286: {  	_ =	swait.ge [sflag:s18], $0x80  }
0x287: {  	[sflag:s18] =	ssyncset.done $0x0  }
0x288: {  	[sflag:s18] =	ssyncadd.s32 $0xFFFFFF80  }
0x289: {  	[bflag:$0x0] =	sbarrier.arrive $0xFFFF  }
0x28a: {  	[bflag:$0x0] =	sbarrier.arrive $0xFFFF  }
0x28b: {  	[tilespmem:s30], [sflag:$0x1] =	stream.linear.gather [spmem:s14], $0x80, $0x38;
	[tilespmem:$0x11D50] =	vst v63  }
0x28c: {  	_ =	swait.ge [sflag:s18], $0x80  }
0x28d: {  	[sflag:s18] =	ssyncset.done $0x0  }
0x28e: {  	[sflag:s18] =	ssyncadd.s32 $0xFFFFFF80  }
0x28f: {  	[bflag:$0x0] =	sbarrier.arrive $0xFFFF  }
0x290: {  	v23 =	vld [tilespmem:$0x11C80];
	_ =	sdelay $0x4  }
0x291: {  	(v2sf) =	vpush v23, $0x0;
	_ =	sdelay $0xe  }
0x292: {  	s3 =	sadd.s32 $0x1, s3;
	s31 =	spop (v2sf)  }
0x293: {  	p2 =	sne.s32 s3, $0x1F;
	s15 =	scvt.f32.s32 s31  }
.Ltmp8:
0x294: {  	_ = 	snop;
	(pc) =	sbr.rel @p2 .LBB2_16-.Ltmp8, $4  }
0x295: {  	s10 =	sadd.s32 s15, s10  }
0x296: {  	p1 =	slt.s32 s10, s0  }
0x297: {  	s10 =	sadd.s32 $0xFFFFFFFF, s9;
	s9 =	smov.u32 @p1 s7  }
0x298: {  	s2 =	smov.u32 @p1 s10;
	s7 =	smov.u32 s9  }
0x299: {  	v23 =	vmov s9;
	s3 =	simm.s32 $0x0  }
0x29a: {  	v25 =	vimm.f32 $0.0e+00;
	v24 =	vimm.s32 $0x0;
	s2 =	simm.s32 $0x40;
	v23 =	vbroadcast v23, $0x0;
	v26 =	vld [tilespmem:s3+$0xD900]  }
.LBB2_20:
0x29b: {  	_ =	sdelay $0x1  }
0x29c: {  	p1 =	sne.s32 s2, $0x83C0  }
.Ltmp9:
0x29d: {  	_ = 	snop;
	(pc) =	sbr.rel @p1 .LBB2_20-.Ltmp9, $4  }
0x29e: {  	vm8 =	vgt.f32 v26, v23  }
0x29f: {  	v28 =	vmpcnt.ones.xlane vm8  }
0x2a0: {  	s3 =	sshra.s32 s2, $0x2;
	v27 =	vnsel vm8, $0x0, v26  }
0x2a1: {  	s2 =	sadd.s32 $0x40, s2;
	v26 =	vld [tilespmem:s3+$0xD900];
	v25 =	vadd.f32 v27, v25;
	v24 =	vadd.s32 v24, v28  }
0x2a2: {  	_ =	sdelay $0x3  }
0x2a3: {  	vm8 =	vgt.f32 v26, v23  }
0x2a4: {  	v26 =	vnsel vm8, $0x0, v26  }
0x2a5: {  	v58 =	vmpcnt.ones.xlane vm8;
	v25 =	vadd.f32 v26, v25;
	_ =	sdelay $0x1  }
0x2a6: {  	v24 =	vadd.s32 v24, v58;
	v27 =	vperm.xlane v25, v4  }
0x2a7: {  	(v2sf) =	vpush v24, $0x0  }
0x2a8: {  	v25 =	vadd.f32 v27, v25;
	_ =	sdelay $0x1  }
0x2a9: {  	v59 =	vperm.xlane v25, v5;
	_ =	sdelay $0x1  }
0x2aa: {  	v62 =	vld [tilespmem:$0x1FFF0];
	v24 =	vadd.f32 v59, v25;
	_ =	sdelay $0x1  }
0x2ab: {  	v18 =	vadd.f32 v21, v18;
	v25 =	vperm.xlane v24, v7  }
0x2ac: {  	v19 =	vadd.f32 v22, v19  }
0x2ad: {  	v18 =	vbroadcast v18, $0x0;
	v60 =	vadd.f32 v25, v24  }
0x2ae: {  	v16 =	vadd.f32 v20, v16;
	v19 =	vbroadcast v19, $0x0;
	vm0 =	vnez.u8 v62  }
0x2af: {  	v18 =	vnsel vm15, $0x0, v18;
	v17 =	vnsel vm0, $0x0, v17;
	v61 =	vperm.xlane v60, v11  }
0x2b0: {  	v17 =	vadd.f32 v18, v17  }
0x2b1: {  	v16 =	vbroadcast v16, $0x0;
	v19 =	vnsel vm2, $0x0, v19;
	v63 =	vadd.f32 v61, v60  }
0x2b2: {  	v17 =	vadd.f32 v19, v17  }
0x2b3: {  	v16 =	vnsel vm3, $0x0, v16;
	s2 =	spop (v2sf);
	v18 =	vbroadcast v63, $0x0  }
0x2b4: {  	v16 =	vadd.f32 v17, v16;
	s2 =	scvt.s32.f32 s2  }
0x2b5: {  	v17 =	vnsel vm5, $0x0, v18  }
0x2b6: {  	vm1 =	vcmask $0x1714;
	v16 =	vadd.f32 v17, v16;
	v17 =	vmov s2  }
0x2b7: {  	v17 =	vnsel vm1, $0x0, v17  }
0x2b8: {  	s0 =	scvt.s32.f32 s0;
	vm0 =	vcmask $0x171C;
	v16 =	vadd.f32 v16, v17  }
0x2b9: {  	v17 =	vsel vm0, $0x0, v23  }
0x2ba: {  	vm1 =	vcmask $0x1F1C;
	v16 =	vadd.f32 v16, v17;
	v17 =	vmov s0  }
0x2bb: {  	v17 =	vnsel vm1, $0x0, v17  }
0x2bc: {  	v16 =	vadd.f32 v16, v17;
	_ =	sdelay $0x1  }
0x2bd: {  	s20 =	rddreg [dreg:$0x7];
	s21 =	simm.s32 $0x11A80;
	[tilespmem:$0x11A80] =	vst v16  }
0x2be: {  	[hbm4b:s20+s16] =	stream.linear.scatter [tilespmem:s21], [sflag:$0x1], $0x80, $0x38;
	[tilespmem:$0x11D50] =	vst v63  }
0x2bf: {  	_ =	swait.ge [sflag:s18], $0x80  }
0x2c0: {  	s22 =	rddreg [dreg:$0x9]  }
0x2c1: {  	s31 =	rddreg [dreg:$0x8];
	s2 =	sadd.s32 $0x1, s22  }
0x2c2: {  	p1 =	sne.s32 s2, s31  }
.Ltmp10:
0x2c3: {  	_ = 	snop;
	(pc) =	sbr.rel @p1 .LBB2_1-.Ltmp10, $3  }
0x2c4: {  	_ =	sdelay $0x1  }
0x2c5: {  	[sflag:s18] =	ssyncset.done $0x0  }
0x2c6: {  	[sflag:s18] =	ssyncadd.s32 $0xFFFFFF80  }
0x2c7: {  	_ =	sfence.sel $0x180000  }
0x2c8: {  	[bflag:$0x0] =	sbarrier.arrive $0xFFFF  }
0x2c9: {  	_ =	strace $0x90000047  }
0x2ca: {  	s0 =	stileid.u32;
	[bflag:$0x2] =	sbarrier.arrive $0xFFFF  }
0x2cb: {  	p0 =	sne.s32 s0, $0x0;
	s0 =	rddreg [dreg:$0x3]  }
0x2cc: {  	s0 =	sadd.s32 @!p0 $0x100000, s0  }
0x2cd: {  	[sflag:s0] =	ssyncadd.tile.s32 @!p0 $0x1;
	_ =	shalt  }
.Lfunc_end2:
_tile_overlayer_lowered:
.L_overlay_start_2:
0x2ce: {  	(tag) =	ssettag $0x2  }
0x2cf: {  	s0 =	rddreg [dreg:$0x0];
	s2 =	stileid.u32  }
0x2d0: {  	s1 =	rddreg [dreg:$0x1];
	p0 =	sne.s32 s2, $0x0  }
0x2d1: {  	s3 =	rddreg [dreg:$0x2];
	[bflag:$0x3] =	sbarrier.arrive $0xFFFF;
	s2 =	simm.s32 @!p0 $0x1C01  }
0x2d2: {  	[timem:s3], [sflag:s2] =	dma.local @!p0 [hbm:s0], s1  }
0x2d3: {  	s0 =	simm.s32 @!p0 $0x1  }
0x2d4: {  	_ =	swait.ge @!p0 [sflag:s0], s1  }
0x2d5: {  	s1 =	ssub.s32 @!p0 $0x0, s1;
	[sflag:s0] =	ssyncset.done @!p0 $0x0  }
0x2d6: {  	[sflag:s0] =	ssyncadd.s32 @!p0 s1  }
0x2d7: {  	[bflag:$0x3] =	sbarrier.arrive $0xFFFF  }
0x2d8: {  	_ =	shalt  }

</sc_bundles>
